<compile_context>
chip_gen: v7x
topology: tpu7x:2x2x1
jax: 0.10.2.dev20260603
libtpu: 0.0.44.dev20260713+nightly
codegen_flags: <defaults>
</compile_context>

<pallas_src>
import functools

import jax
import jax.numpy as jnp
from jax import lax
from jax.experimental import pallas as pl
from jax.experimental.pallas import tpu as pltpu
from jax.experimental.pallas import tpu_sc as plsc

VOCAB = 1000000
DIM = 64
NC = 2
NS = 16
NW = NC * NS
LANES = 16

NBUF = 8


def _make_sc_gather(nb, nh):
    assert nb % NW == 0
    nch = nb // NW
    chunk = nh
    per_w = nch * chunk
    assert nch % NBUF == 0
    subs = []
    off = 0
    while off < chunk:
        n = min(128, chunk - off)
        subs.append((off, n))
        off += n
    nscan = (chunk + LANES - 1) // LANES
    last_off = chunk - LANES

    mesh = plsc.VectorSubcoreMesh(core_axis_name="c", subcore_axis_name="s")

    @functools.partial(
        pl.kernel,
        mesh=mesh,
        compiler_params=pltpu.CompilerParams(
            use_tc_tiling_on_sc=False, needs_layout_passes=False),
        out_type=jax.ShapeDtypeStruct((nb, nh, DIM), jnp.float32),
        scratch_types=[
            pltpu.VMEM((per_w,), jnp.int32),
            pltpu.VMEM((NBUF, chunk, DIM), jnp.float32),
            pltpu.VMEM((chunk + LANES,), jnp.int32),
        ] + [pltpu.SemaphoreType.DMA] * (2 * NBUF),
    )
    def grab(tab_hbm, idx_hbm, out_hbm, idx_v, rows_v, pos_v, *sems):
        gsems = sems[:NBUF]
        osems = sems[NBUF:]
        wid = lax.axis_index("s") * NC + lax.axis_index("c")
        base = wid * per_w
        b_base = wid * nch

        pltpu.make_async_copy(idx_hbm.at[pl.ds(base, per_w)], idx_v, gsems[0]).start()
        pltpu.make_async_copy(idx_hbm.at[pl.ds(base, per_w)], idx_v, gsems[0]).wait()

        def fire_gathers(g, buf):
            off = g * chunk
            for (o, n) in subs:
                pltpu.make_async_copy(
                    tab_hbm.at[idx_v.at[pl.ds(off + o, n)]],
                    rows_v.at[buf, pl.ds(o, n), :],
                    gsems[buf],
                ).start()

        def drain_gathers(buf):
            for (o, n) in subs:
                pltpu.make_async_copy(
                    tab_hbm.at[idx_v.at[pl.ds(o, n)]],
                    rows_v.at[buf, pl.ds(o, n), :],
                    gsems[buf],
                ).wait()

        def out_copy(g, buf):
            return pltpu.make_async_copy(
                rows_v.at[buf],
                out_hbm.at[b_base + g],
                osems[buf],
            )

        for b in range(NBUF - 1):
            fire_gathers(b, b)

        zeros16 = jnp.zeros((LANES,), jnp.float32)
        iota16 = lax.iota(jnp.int32, LANES)

        def round_body(g0, carry):
            for b in range(NBUF):
                g = g0 + b
                drain_gathers(b)

                @pl.when(g >= 1)
                def _():
                    out_copy(g - 1, (b - 1) % NBUF).wait()

                @pl.when(g + NBUF - 1 < nch)
                def _():
                    fire_gathers(g + NBUF - 1, (b - 1) % NBUF)

                off = g * chunk

                def scan_step(j, cnt):
                    oj = jnp.minimum(j * LANES, last_off)
                    v = idx_v[pl.ds(off + oj, LANES)]
                    m = v == 0
                    ids = iota16 + oj
                    s = m.astype(jnp.int32)
                    incl = plsc.cumsum(s)
                    plsc.store_scatter(pos_v, [cnt + incl - s], ids, mask=m)
                    return cnt + incl[LANES - 1]

                cnt = lax.fori_loop(0, nscan, scan_step, jnp.int32(0))

                def fix_step(i, fcarry):
                    p = pos_v[pl.ds(i, LANES)][0]
                    for c in range(DIM // LANES):
                        rows_v[b, p, pl.ds(c * LANES, LANES)] = zeros16
                    return fcarry

                lax.fori_loop(0, cnt, fix_step, 0)

                out_copy(g, b).start()
            return carry

        lax.fori_loop(0, nch // NBUF, lambda r, c: round_body(r * NBUF, c), 0)

        out_copy(nch - 1, (NBUF - 1) % NBUF).wait()

    return grab


def kernel(inputs, embeddings):
    nb, nh = inputs.shape
    idx_flat = inputs.reshape(nb * nh)
    return _make_sc_gather(nb, nh)(embeddings, idx_flat)

# --- scband reference (transcript-rebuilt; emitter-appended) ---
"""Pipeline reference for scband-my-model-87522843561283 (READ-ONLY COPY).

The authoritative reference and input builder live on the scoring server;
editing this copy changes nothing except your own understanding.
"""

import jax, jax.numpy as jnp
import numpy as np

VOCAB = 1000000
DIM = 64
BATCH = 4096
HIST = 200

def setup_inputs(seed: int = 0) -> dict:
    key = jax.random.key(seed)
    k1, k2 = jax.random.split(key)
    inputs = jax.random.randint(k1, (BATCH, HIST), 0, VOCAB, dtype=jnp.int64 if jax.config.jax_enable_x64 else jnp.int32)
    # glorot_uniform init for embedding table
    limit = np.sqrt(6.0 / (VOCAB + DIM))
    embeddings = jax.random.uniform(k2, (VOCAB, DIM), minval=-limit, maxval=limit, dtype=jnp.float32)
    return {"inputs": inputs, "embeddings": embeddings}

def reference(inputs, embeddings):
    mask_boolean = jnp.not_equal(inputs, 0)
    mask_float = mask_boolean.astype(jnp.float32)
    emb = jnp.take(embeddings, inputs, axis=0)
    masked_embeddings = emb * jnp.expand_dims(mask_float, axis=-1)
    return masked_embeddings

if __name__ == "__main__":
    import jax
    _d = setup_inputs()
    print(jax.jit(kernel)(*tuple(_d.values())))

</pallas_src>

<mosaic_0001>
#map = affine_map<(d0, d1) -> (0, 0)>
#map1 = affine_map<(d0, d1) -> (0)>
#map2 = affine_map<(d0, d1) -> (0, 0, 0)>
module attributes {stable_mosaic.version = 14 : i64} {
  func.func @grab(%arg0: i32, %arg1: i32, %arg2: memref<1000000x64xf32, #tpu.memory_space<hbm>>, %arg3: memref<819200xi32, #tpu.memory_space<hbm>>, %arg4: memref<4096x200x64xf32, #tpu.memory_space<hbm>>, %arg5: memref<25600xi32, #tpu.memory_space<vmem>>, %arg6: memref<8x200x64xf32, #tpu.memory_space<vmem>>, %arg7: memref<216xi32, #tpu.memory_space<vmem>>, %arg8: memref<!tpu.dma_semaphore, #tpu.memory_space<semaphore_mem>>, %arg9: memref<!tpu.dma_semaphore, #tpu.memory_space<semaphore_mem>>, %arg10: memref<!tpu.dma_semaphore, #tpu.memory_space<semaphore_mem>>, %arg11: memref<!tpu.dma_semaphore, #tpu.memory_space<semaphore_mem>>, %arg12: memref<!tpu.dma_semaphore, #tpu.memory_space<semaphore_mem>>, %arg13: memref<!tpu.dma_semaphore, #tpu.memory_space<semaphore_mem>>, %arg14: memref<!tpu.dma_semaphore, #tpu.memory_space<semaphore_mem>>, %arg15: memref<!tpu.dma_semaphore, #tpu.memory_space<semaphore_mem>>, %arg16: memref<!tpu.dma_semaphore, #tpu.memory_space<semaphore_mem>>, %arg17: memref<!tpu.dma_semaphore, #tpu.memory_space<semaphore_mem>>, %arg18: memref<!tpu.dma_semaphore, #tpu.memory_space<semaphore_mem>>, %arg19: memref<!tpu.dma_semaphore, #tpu.memory_space<semaphore_mem>>, %arg20: memref<!tpu.dma_semaphore, #tpu.memory_space<semaphore_mem>>, %arg21: memref<!tpu.dma_semaphore, #tpu.memory_space<semaphore_mem>>, %arg22: memref<!tpu.dma_semaphore, #tpu.memory_space<semaphore_mem>>, %arg23: memref<!tpu.dma_semaphore, #tpu.memory_space<semaphore_mem>>) attributes {dimension_semantics = [#tpu.dimension_semantics<core_parallel>, #tpu.dimension_semantics<subcore_parallel>], iteration_bounds = array<i64: 2, 16>, scalar_prefetch = 0 : i64, scratch_operands = 19 : i64, tpu.core_type = #tpu.core_type<sc_vector_subcore>, window_params = [{transform_indices = #map}, {transform_indices = #map1}, {transform_indices = #map2}]} {
    %mul3A = arith.constant 2 : i32
    %mul3A_0 = arith.muli %arg1, %mul3A : i32
    %add3A = arith.addi %mul3A_0, %arg0 : i32
    %mul3A_1 = arith.constant 25600 : i32
    %mul3A_2 = arith.muli %add3A, %mul3A_1 : i32
    %mul3A_3 = arith.constant 128 : i32
    %mul3A_4 = arith.muli %add3A, %mul3A_3 : i32
    %dma_start3A = tpu.memref_slice %arg3[%mul3A_2] : memref<819200xi32, #tpu.memory_space<hbm>> -> memref<25600xi32, #tpu.memory_space<hbm>>
    %dma_start3A_5 = tpu.memref_slice %arg3[%mul3A_2] : memref<819200xi32, #tpu.memory_space<hbm>> -> memref<25600xi32, #tpu.memory_space<hbm>>
    tpu.enqueue_dma source(%dma_start3A_5 : memref<25600xi32, #tpu.memory_space<hbm>>) target(%arg5 : memref<25600xi32, #tpu.memory_space<vmem>>) target_semaphore(%arg8 : memref<!tpu.dma_semaphore, #tpu.memory_space<semaphore_mem>>)
    %dma_wait3A = tpu.memref_slice %arg3[%mul3A_2] : memref<819200xi32, #tpu.memory_space<hbm>> -> memref<25600xi32, #tpu.memory_space<hbm>>
    %dma_wait3A_6 = tpu.memref_slice %arg3[%mul3A_2] : memref<819200xi32, #tpu.memory_space<hbm>> -> memref<25600xi32, #tpu.memory_space<hbm>>
    tpu.wait_dma2 semaphore(%arg8 : memref<!tpu.dma_semaphore, #tpu.memory_space<semaphore_mem>>) src(%dma_wait3A_6 : memref<25600xi32, #tpu.memory_space<hbm>>) dst(%arg5 : memref<25600xi32, #tpu.memory_space<vmem>>)
    %dma_start3A_7 = arith.constant 0 : i32
    %dma_start3A_8 = arith.constant 0 : i32
    %dma_start3A_9 = arith.constant 0 : i32
    %dma_start3A_10 = tpu.memref_slice %arg6[%dma_start3A_7, %dma_start3A_8, %dma_start3A_9] : memref<8x200x64xf32, #tpu.memory_space<vmem>> -> memref<1x128x64xf32, #tpu.memory_space<vmem>>
    %dma_start3A_11 = tpu.memref_squeeze %dma_start3A_10 : memref<1x128x64xf32, #tpu.memory_space<vmem>> -> memref<128x64xf32, #tpu.memory_space<vmem>>
    %dma_start3A_12 = arith.constant 0 : i32
    %dma_start3A_13 = tpu.memref_slice %arg5[%dma_start3A_12] : memref<25600xi32, #tpu.memory_space<vmem>> -> memref<128xi32, #tpu.memory_space<vmem>>
    %dma_start3A_14 = arith.constant 0 : i32
    %dma_start3A_15 = arith.constant 0 : i32
    %dma_start3A_16 = tpu.memref_slice %arg2[%dma_start3A_14, %dma_start3A_15] : memref<1000000x64xf32, #tpu.memory_space<hbm>> -> memref<1000000x64xf32, #tpu.memory_space<hbm>>
    tpu.enqueue_indirect_dma source(%dma_start3A_16 : memref<1000000x64xf32, #tpu.memory_space<hbm>>) target(%dma_start3A_11 : memref<128x64xf32, #tpu.memory_space<vmem>>) offsets(%dma_start3A_13 : memref<128xi32, #tpu.memory_space<vmem>>) semaphore(%arg8 : memref<!tpu.dma_semaphore, #tpu.memory_space<semaphore_mem>>)
    %dma_start3A_17 = arith.constant 0 : i32
    %dma_start3A_18 = arith.constant 128 : i32
    %dma_start3A_19 = arith.constant 0 : i32
    %dma_start3A_20 = tpu.memref_slice %arg6[%dma_start3A_17, %dma_start3A_18, %dma_start3A_19] : memref<8x200x64xf32, #tpu.memory_space<vmem>> -> memref<1x72x64xf32, #tpu.memory_space<vmem>>
    %dma_start3A_21 = tpu.memref_squeeze %dma_start3A_20 : memref<1x72x64xf32, #tpu.memory_space<vmem>> -> memref<72x64xf32, #tpu.memory_space<vmem>>
    %dma_start3A_22 = arith.constant 128 : i32
    %dma_start3A_23 = tpu.memref_slice %arg5[%dma_start3A_22] : memref<25600xi32, #tpu.memory_space<vmem>> -> memref<72xi32, #tpu.memory_space<vmem>>
    %dma_start3A_24 = arith.constant 0 : i32
    %dma_start3A_25 = arith.constant 0 : i32
    %dma_start3A_26 = tpu.memref_slice %arg2[%dma_start3A_24, %dma_start3A_25] : memref<1000000x64xf32, #tpu.memory_space<hbm>> -> memref<1000000x64xf32, #tpu.memory_space<hbm>>
    tpu.enqueue_indirect_dma source(%dma_start3A_26 : memref<1000000x64xf32, #tpu.memory_space<hbm>>) target(%dma_start3A_21 : memref<72x64xf32, #tpu.memory_space<vmem>>) offsets(%dma_start3A_23 : memref<72xi32, #tpu.memory_space<vmem>>) semaphore(%arg8 : memref<!tpu.dma_semaphore, #tpu.memory_space<semaphore_mem>>)
    %dma_start3A_27 = arith.constant 1 : i32
    %dma_start3A_28 = arith.constant 0 : i32
    %dma_start3A_29 = arith.constant 0 : i32
    %dma_start3A_30 = tpu.memref_slice %arg6[%dma_start3A_27, %dma_start3A_28, %dma_start3A_29] : memref<8x200x64xf32, #tpu.memory_space<vmem>> -> memref<1x128x64xf32, #tpu.memory_space<vmem>>
    %dma_start3A_31 = tpu.memref_squeeze %dma_start3A_30 : memref<1x128x64xf32, #tpu.memory_space<vmem>> -> memref<128x64xf32, #tpu.memory_space<vmem>>
    %dma_start3A_32 = arith.constant 200 : i32
    %dma_start3A_33 = tpu.memref_slice %arg5[%dma_start3A_32] : memref<25600xi32, #tpu.memory_space<vmem>> -> memref<128xi32, #tpu.memory_space<vmem>>
    %dma_start3A_34 = arith.constant 0 : i32
    %dma_start3A_35 = arith.constant 0 : i32
    %dma_start3A_36 = tpu.memref_slice %arg2[%dma_start3A_34, %dma_start3A_35] : memref<1000000x64xf32, #tpu.memory_space<hbm>> -> memref<1000000x64xf32, #tpu.memory_space<hbm>>
    tpu.enqueue_indirect_dma source(%dma_start3A_36 : memref<1000000x64xf32, #tpu.memory_space<hbm>>) target(%dma_start3A_31 : memref<128x64xf32, #tpu.memory_space<vmem>>) offsets(%dma_start3A_33 : memref<128xi32, #tpu.memory_space<vmem>>) semaphore(%arg9 : memref<!tpu.dma_semaphore, #tpu.memory_space<semaphore_mem>>)
    %dma_start3A_37 = arith.constant 1 : i32
    %dma_start3A_38 = arith.constant 128 : i32
    %dma_start3A_39 = arith.constant 0 : i32
    %dma_start3A_40 = tpu.memref_slice %arg6[%dma_start3A_37, %dma_start3A_38, %dma_start3A_39] : memref<8x200x64xf32, #tpu.memory_space<vmem>> -> memref<1x72x64xf32, #tpu.memory_space<vmem>>
    %dma_start3A_41 = tpu.memref_squeeze %dma_start3A_40 : memref<1x72x64xf32, #tpu.memory_space<vmem>> -> memref<72x64xf32, #tpu.memory_space<vmem>>
    %dma_start3A_42 = arith.constant 328 : i32
    %dma_start3A_43 = tpu.memref_slice %arg5[%dma_start3A_42] : memref<25600xi32, #tpu.memory_space<vmem>> -> memref<72xi32, #tpu.memory_space<vmem>>
    %dma_start3A_44 = arith.constant 0 : i32
    %dma_start3A_45 = arith.constant 0 : i32
    %dma_start3A_46 = tpu.memref_slice %arg2[%dma_start3A_44, %dma_start3A_45] : memref<1000000x64xf32, #tpu.memory_space<hbm>> -> memref<1000000x64xf32, #tpu.memory_space<hbm>>
    tpu.enqueue_indirect_dma source(%dma_start3A_46 : memref<1000000x64xf32, #tpu.memory_space<hbm>>) target(%dma_start3A_41 : memref<72x64xf32, #tpu.memory_space<vmem>>) offsets(%dma_start3A_43 : memref<72xi32, #tpu.memory_space<vmem>>) semaphore(%arg9 : memref<!tpu.dma_semaphore, #tpu.memory_space<semaphore_mem>>)
    %dma_start3A_47 = arith.constant 2 : i32
    %dma_start3A_48 = arith.constant 0 : i32
    %dma_start3A_49 = arith.constant 0 : i32
    %dma_start3A_50 = tpu.memref_slice %arg6[%dma_start3A_47, %dma_start3A_48, %dma_start3A_49] : memref<8x200x64xf32, #tpu.memory_space<vmem>> -> memref<1x128x64xf32, #tpu.memory_space<vmem>>
    %dma_start3A_51 = tpu.memref_squeeze %dma_start3A_50 : memref<1x128x64xf32, #tpu.memory_space<vmem>> -> memref<128x64xf32, #tpu.memory_space<vmem>>
    %dma_start3A_52 = arith.constant 400 : i32
    %dma_start3A_53 = tpu.memref_slice %arg5[%dma_start3A_52] : memref<25600xi32, #tpu.memory_space<vmem>> -> memref<128xi32, #tpu.memory_space<vmem>>
    %dma_start3A_54 = arith.constant 0 : i32
    %dma_start3A_55 = arith.constant 0 : i32
    %dma_start3A_56 = tpu.memref_slice %arg2[%dma_start3A_54, %dma_start3A_55] : memref<1000000x64xf32, #tpu.memory_space<hbm>> -> memref<1000000x64xf32, #tpu.memory_space<hbm>>
    tpu.enqueue_indirect_dma source(%dma_start3A_56 : memref<1000000x64xf32, #tpu.memory_space<hbm>>) target(%dma_start3A_51 : memref<128x64xf32, #tpu.memory_space<vmem>>) offsets(%dma_start3A_53 : memref<128xi32, #tpu.memory_space<vmem>>) semaphore(%arg10 : memref<!tpu.dma_semaphore, #tpu.memory_space<semaphore_mem>>)
    %dma_start3A_57 = arith.constant 2 : i32
    %dma_start3A_58 = arith.constant 128 : i32
    %dma_start3A_59 = arith.constant 0 : i32
    %dma_start3A_60 = tpu.memref_slice %arg6[%dma_start3A_57, %dma_start3A_58, %dma_start3A_59] : memref<8x200x64xf32, #tpu.memory_space<vmem>> -> memref<1x72x64xf32, #tpu.memory_space<vmem>>
    %dma_start3A_61 = tpu.memref_squeeze %dma_start3A_60 : memref<1x72x64xf32, #tpu.memory_space<vmem>> -> memref<72x64xf32, #tpu.memory_space<vmem>>
    %dma_start3A_62 = arith.constant 528 : i32
    %dma_start3A_63 = tpu.memref_slice %arg5[%dma_start3A_62] : memref<25600xi32, #tpu.memory_space<vmem>> -> memref<72xi32, #tpu.memory_space<vmem>>
    %dma_start3A_64 = arith.constant 0 : i32
    %dma_start3A_65 = arith.constant 0 : i32
    %dma_start3A_66 = tpu.memref_slice %arg2[%dma_start3A_64, %dma_start3A_65] : memref<1000000x64xf32, #tpu.memory_space<hbm>> -> memref<1000000x64xf32, #tpu.memory_space<hbm>>
    tpu.enqueue_indirect_dma source(%dma_start3A_66 : memref<1000000x64xf32, #tpu.memory_space<hbm>>) target(%dma_start3A_61 : memref<72x64xf32, #tpu.memory_space<vmem>>) offsets(%dma_start3A_63 : memref<72xi32, #tpu.memory_space<vmem>>) semaphore(%arg10 : memref<!tpu.dma_semaphore, #tpu.memory_space<semaphore_mem>>)
    %dma_start3A_67 = arith.constant 3 : i32
    %dma_start3A_68 = arith.constant 0 : i32
    %dma_start3A_69 = arith.constant 0 : i32
    %dma_start3A_70 = tpu.memref_slice %arg6[%dma_start3A_67, %dma_start3A_68, %dma_start3A_69] : memref<8x200x64xf32, #tpu.memory_space<vmem>> -> memref<1x128x64xf32, #tpu.memory_space<vmem>>
    %dma_start3A_71 = tpu.memref_squeeze %dma_start3A_70 : memref<1x128x64xf32, #tpu.memory_space<vmem>> -> memref<128x64xf32, #tpu.memory_space<vmem>>
    %dma_start3A_72 = arith.constant 600 : i32
    %dma_start3A_73 = tpu.memref_slice %arg5[%dma_start3A_72] : memref<25600xi32, #tpu.memory_space<vmem>> -> memref<128xi32, #tpu.memory_space<vmem>>
    %dma_start3A_74 = arith.constant 0 : i32
    %dma_start3A_75 = arith.constant 0 : i32
    %dma_start3A_76 = tpu.memref_slice %arg2[%dma_start3A_74, %dma_start3A_75] : memref<1000000x64xf32, #tpu.memory_space<hbm>> -> memref<1000000x64xf32, #tpu.memory_space<hbm>>
    tpu.enqueue_indirect_dma source(%dma_start3A_76 : memref<1000000x64xf32, #tpu.memory_space<hbm>>) target(%dma_start3A_71 : memref<128x64xf32, #tpu.memory_space<vmem>>) offsets(%dma_start3A_73 : memref<128xi32, #tpu.memory_space<vmem>>) semaphore(%arg11 : memref<!tpu.dma_semaphore, #tpu.memory_space<semaphore_mem>>)
    %dma_start3A_77 = arith.constant 3 : i32
    %dma_start3A_78 = arith.constant 128 : i32
    %dma_start3A_79 = arith.constant 0 : i32
    %dma_start3A_80 = tpu.memref_slice %arg6[%dma_start3A_77, %dma_start3A_78, %dma_start3A_79] : memref<8x200x64xf32, #tpu.memory_space<vmem>> -> memref<1x72x64xf32, #tpu.memory_space<vmem>>
    %dma_start3A_81 = tpu.memref_squeeze %dma_start3A_80 : memref<1x72x64xf32, #tpu.memory_space<vmem>> -> memref<72x64xf32, #tpu.memory_space<vmem>>
    %dma_start3A_82 = arith.constant 728 : i32
    %dma_start3A_83 = tpu.memref_slice %arg5[%dma_start3A_82] : memref<25600xi32, #tpu.memory_space<vmem>> -> memref<72xi32, #tpu.memory_space<vmem>>
    %dma_start3A_84 = arith.constant 0 : i32
    %dma_start3A_85 = arith.constant 0 : i32
    %dma_start3A_86 = tpu.memref_slice %arg2[%dma_start3A_84, %dma_start3A_85] : memref<1000000x64xf32, #tpu.memory_space<hbm>> -> memref<1000000x64xf32, #tpu.memory_space<hbm>>
    tpu.enqueue_indirect_dma source(%dma_start3A_86 : memref<1000000x64xf32, #tpu.memory_space<hbm>>) target(%dma_start3A_81 : memref<72x64xf32, #tpu.memory_space<vmem>>) offsets(%dma_start3A_83 : memref<72xi32, #tpu.memory_space<vmem>>) semaphore(%arg11 : memref<!tpu.dma_semaphore, #tpu.memory_space<semaphore_mem>>)
    %dma_start3A_87 = arith.constant 4 : i32
    %dma_start3A_88 = arith.constant 0 : i32
    %dma_start3A_89 = arith.constant 0 : i32
    %dma_start3A_90 = tpu.memref_slice %arg6[%dma_start3A_87, %dma_start3A_88, %dma_start3A_89] : memref<8x200x64xf32, #tpu.memory_space<vmem>> -> memref<1x128x64xf32, #tpu.memory_space<vmem>>
    %dma_start3A_91 = tpu.memref_squeeze %dma_start3A_90 : memref<1x128x64xf32, #tpu.memory_space<vmem>> -> memref<128x64xf32, #tpu.memory_space<vmem>>
    %dma_start3A_92 = arith.constant 800 : i32
    %dma_start3A_93 = tpu.memref_slice %arg5[%dma_start3A_92] : memref<25600xi32, #tpu.memory_space<vmem>> -> memref<128xi32, #tpu.memory_space<vmem>>
    %dma_start3A_94 = arith.constant 0 : i32
    %dma_start3A_95 = arith.constant 0 : i32
    %dma_start3A_96 = tpu.memref_slice %arg2[%dma_start3A_94, %dma_start3A_95] : memref<1000000x64xf32, #tpu.memory_space<hbm>> -> memref<1000000x64xf32, #tpu.memory_space<hbm>>
    tpu.enqueue_indirect_dma source(%dma_start3A_96 : memref<1000000x64xf32, #tpu.memory_space<hbm>>) target(%dma_start3A_91 : memref<128x64xf32, #tpu.memory_space<vmem>>) offsets(%dma_start3A_93 : memref<128xi32, #tpu.memory_space<vmem>>) semaphore(%arg12 : memref<!tpu.dma_semaphore, #tpu.memory_space<semaphore_mem>>)
    %dma_start3A_97 = arith.constant 4 : i32
    %dma_start3A_98 = arith.constant 128 : i32
    %dma_start3A_99 = arith.constant 0 : i32
    %dma_start3A_100 = tpu.memref_slice %arg6[%dma_start3A_97, %dma_start3A_98, %dma_start3A_99] : memref<8x200x64xf32, #tpu.memory_space<vmem>> -> memref<1x72x64xf32, #tpu.memory_space<vmem>>
    %dma_start3A_101 = tpu.memref_squeeze %dma_start3A_100 : memref<1x72x64xf32, #tpu.memory_space<vmem>> -> memref<72x64xf32, #tpu.memory_space<vmem>>
    %dma_start3A_102 = arith.constant 928 : i32
    %dma_start3A_103 = tpu.memref_slice %arg5[%dma_start3A_102] : memref<25600xi32, #tpu.memory_space<vmem>> -> memref<72xi32, #tpu.memory_space<vmem>>
    %dma_start3A_104 = arith.constant 0 : i32
    %dma_start3A_105 = arith.constant 0 : i32
    %dma_start3A_106 = tpu.memref_slice %arg2[%dma_start3A_104, %dma_start3A_105] : memref<1000000x64xf32, #tpu.memory_space<hbm>> -> memref<1000000x64xf32, #tpu.memory_space<hbm>>
    tpu.enqueue_indirect_dma source(%dma_start3A_106 : memref<1000000x64xf32, #tpu.memory_space<hbm>>) target(%dma_start3A_101 : memref<72x64xf32, #tpu.memory_space<vmem>>) offsets(%dma_start3A_103 : memref<72xi32, #tpu.memory_space<vmem>>) semaphore(%arg12 : memref<!tpu.dma_semaphore, #tpu.memory_space<semaphore_mem>>)
    %dma_start3A_107 = arith.constant 5 : i32
    %dma_start3A_108 = arith.constant 0 : i32
    %dma_start3A_109 = arith.constant 0 : i32
    %dma_start3A_110 = tpu.memref_slice %arg6[%dma_start3A_107, %dma_start3A_108, %dma_start3A_109] : memref<8x200x64xf32, #tpu.memory_space<vmem>> -> memref<1x128x64xf32, #tpu.memory_space<vmem>>
    %dma_start3A_111 = tpu.memref_squeeze %dma_start3A_110 : memref<1x128x64xf32, #tpu.memory_space<vmem>> -> memref<128x64xf32, #tpu.memory_space<vmem>>
    %dma_start3A_112 = arith.constant 1000 : i32
    %dma_start3A_113 = tpu.memref_slice %arg5[%dma_start3A_112] : memref<25600xi32, #tpu.memory_space<vmem>> -> memref<128xi32, #tpu.memory_space<vmem>>
    %dma_start3A_114 = arith.constant 0 : i32
    %dma_start3A_115 = arith.constant 0 : i32
    %dma_start3A_116 = tpu.memref_slice %arg2[%dma_start3A_114, %dma_start3A_115] : memref<1000000x64xf32, #tpu.memory_space<hbm>> -> memref<1000000x64xf32, #tpu.memory_space<hbm>>
    tpu.enqueue_indirect_dma source(%dma_start3A_116 : memref<1000000x64xf32, #tpu.memory_space<hbm>>) target(%dma_start3A_111 : memref<128x64xf32, #tpu.memory_space<vmem>>) offsets(%dma_start3A_113 : memref<128xi32, #tpu.memory_space<vmem>>) semaphore(%arg13 : memref<!tpu.dma_semaphore, #tpu.memory_space<semaphore_mem>>)
    %dma_start3A_117 = arith.constant 5 : i32
    %dma_start3A_118 = arith.constant 128 : i32
    %dma_start3A_119 = arith.constant 0 : i32
    %dma_start3A_120 = tpu.memref_slice %arg6[%dma_start3A_117, %dma_start3A_118, %dma_start3A_119] : memref<8x200x64xf32, #tpu.memory_space<vmem>> -> memref<1x72x64xf32, #tpu.memory_space<vmem>>
    %dma_start3A_121 = tpu.memref_squeeze %dma_start3A_120 : memref<1x72x64xf32, #tpu.memory_space<vmem>> -> memref<72x64xf32, #tpu.memory_space<vmem>>
    %dma_start3A_122 = arith.constant 1128 : i32
    %dma_start3A_123 = tpu.memref_slice %arg5[%dma_start3A_122] : memref<25600xi32, #tpu.memory_space<vmem>> -> memref<72xi32, #tpu.memory_space<vmem>>
    %dma_start3A_124 = arith.constant 0 : i32
    %dma_start3A_125 = arith.constant 0 : i32
    %dma_start3A_126 = tpu.memref_slice %arg2[%dma_start3A_124, %dma_start3A_125] : memref<1000000x64xf32, #tpu.memory_space<hbm>> -> memref<1000000x64xf32, #tpu.memory_space<hbm>>
    tpu.enqueue_indirect_dma source(%dma_start3A_126 : memref<1000000x64xf32, #tpu.memory_space<hbm>>) target(%dma_start3A_121 : memref<72x64xf32, #tpu.memory_space<vmem>>) offsets(%dma_start3A_123 : memref<72xi32, #tpu.memory_space<vmem>>) semaphore(%arg13 : memref<!tpu.dma_semaphore, #tpu.memory_space<semaphore_mem>>)
    %dma_start3A_127 = arith.constant 6 : i32
    %dma_start3A_128 = arith.constant 0 : i32
    %dma_start3A_129 = arith.constant 0 : i32
    %dma_start3A_130 = tpu.memref_slice %arg6[%dma_start3A_127, %dma_start3A_128, %dma_start3A_129] : memref<8x200x64xf32, #tpu.memory_space<vmem>> -> memref<1x128x64xf32, #tpu.memory_space<vmem>>
    %dma_start3A_131 = tpu.memref_squeeze %dma_start3A_130 : memref<1x128x64xf32, #tpu.memory_space<vmem>> -> memref<128x64xf32, #tpu.memory_space<vmem>>
    %dma_start3A_132 = arith.constant 1200 : i32
    %dma_start3A_133 = tpu.memref_slice %arg5[%dma_start3A_132] : memref<25600xi32, #tpu.memory_space<vmem>> -> memref<128xi32, #tpu.memory_space<vmem>>
    %dma_start3A_134 = arith.constant 0 : i32
    %dma_start3A_135 = arith.constant 0 : i32
    %dma_start3A_136 = tpu.memref_slice %arg2[%dma_start3A_134, %dma_start3A_135] : memref<1000000x64xf32, #tpu.memory_space<hbm>> -> memref<1000000x64xf32, #tpu.memory_space<hbm>>
    tpu.enqueue_indirect_dma source(%dma_start3A_136 : memref<1000000x64xf32, #tpu.memory_space<hbm>>) target(%dma_start3A_131 : memref<128x64xf32, #tpu.memory_space<vmem>>) offsets(%dma_start3A_133 : memref<128xi32, #tpu.memory_space<vmem>>) semaphore(%arg14 : memref<!tpu.dma_semaphore, #tpu.memory_space<semaphore_mem>>)
    %dma_start3A_137 = arith.constant 6 : i32
    %dma_start3A_138 = arith.constant 128 : i32
    %dma_start3A_139 = arith.constant 0 : i32
    %dma_start3A_140 = tpu.memref_slice %arg6[%dma_start3A_137, %dma_start3A_138, %dma_start3A_139] : memref<8x200x64xf32, #tpu.memory_space<vmem>> -> memref<1x72x64xf32, #tpu.memory_space<vmem>>
    %dma_start3A_141 = tpu.memref_squeeze %dma_start3A_140 : memref<1x72x64xf32, #tpu.memory_space<vmem>> -> memref<72x64xf32, #tpu.memory_space<vmem>>
    %dma_start3A_142 = arith.constant 1328 : i32
    %dma_start3A_143 = tpu.memref_slice %arg5[%dma_start3A_142] : memref<25600xi32, #tpu.memory_space<vmem>> -> memref<72xi32, #tpu.memory_space<vmem>>
    %dma_start3A_144 = arith.constant 0 : i32
    %dma_start3A_145 = arith.constant 0 : i32
    %dma_start3A_146 = tpu.memref_slice %arg2[%dma_start3A_144, %dma_start3A_145] : memref<1000000x64xf32, #tpu.memory_space<hbm>> -> memref<1000000x64xf32, #tpu.memory_space<hbm>>
    tpu.enqueue_indirect_dma source(%dma_start3A_146 : memref<1000000x64xf32, #tpu.memory_space<hbm>>) target(%dma_start3A_141 : memref<72x64xf32, #tpu.memory_space<vmem>>) offsets(%dma_start3A_143 : memref<72xi32, #tpu.memory_space<vmem>>) semaphore(%arg14 : memref<!tpu.dma_semaphore, #tpu.memory_space<semaphore_mem>>)
    %broadcast_in_dim3A = arith.constant 0.000000e+00 : f32
    %broadcast_in_dim3A_147 = vector.broadcast %broadcast_in_dim3A : f32 to vector<16xf32>
    %iota3A = tpu.iota {dimensions = array<i32: 0>} : vector<16xi32>
    %scan3A = arith.constant 0 : i32
    %scan3A_148 = arith.constant 0 : i32
    %scan3A_149 = arith.constant 16 : i32
    %scan3A_150 = arith.addi %scan3A_148, %scan3A_149 : i32
    %scan3A_151 = arith.constant 1 : i32
    scf.for %scan3A_172 = %scan3A_148 to %scan3A_150 step %scan3A_151  : i32 {
      %mul3A_173 = arith.constant 8 : i32
      %mul3A_174 = arith.muli %scan3A_172, %mul3A_173 : i32
      %add3A_175 = arith.constant 0 : i32
      %add3A_176 = arith.addi %mul3A_174, %add3A_175 : i32
      %dma_wait3A_177 = arith.constant 0 : i32
      %dma_wait3A_178 = arith.constant 0 : i32
      %dma_wait3A_179 = arith.constant 0 : i32
      %dma_wait3A_180 = tpu.memref_slice %arg6[%dma_wait3A_177, %dma_wait3A_178, %dma_wait3A_179] : memref<8x200x64xf32, #tpu.memory_space<vmem>> -> memref<1x128x64xf32, #tpu.memory_space<vmem>>
      %dma_wait3A_181 = tpu.memref_squeeze %dma_wait3A_180 : memref<1x128x64xf32, #tpu.memory_space<vmem>> -> memref<128x64xf32, #tpu.memory_space<vmem>>
      %dma_wait3A_182 = arith.constant 0 : i32
      %dma_wait3A_183 = tpu.memref_slice %arg5[%dma_wait3A_182] : memref<25600xi32, #tpu.memory_space<vmem>> -> memref<128xi32, #tpu.memory_space<vmem>>
      %dma_wait3A_184 = arith.constant 0 : i32
      %dma_wait3A_185 = arith.constant 0 : i32
      %dma_wait3A_186 = tpu.memref_slice %arg2[%dma_wait3A_184, %dma_wait3A_185] : memref<1000000x64xf32, #tpu.memory_space<hbm>> -> memref<1000000x64xf32, #tpu.memory_space<hbm>>
      tpu.wait_indirect_dma semaphore(%arg8 : memref<!tpu.dma_semaphore, #tpu.memory_space<semaphore_mem>>) src(%dma_wait3A_186 : memref<1000000x64xf32, #tpu.memory_space<hbm>>) dst(%dma_wait3A_181 : memref<128x64xf32, #tpu.memory_space<vmem>>)
      %dma_wait3A_187 = arith.constant 0 : i32
      %dma_wait3A_188 = arith.constant 128 : i32
      %dma_wait3A_189 = arith.constant 0 : i32
      %dma_wait3A_190 = tpu.memref_slice %arg6[%dma_wait3A_187, %dma_wait3A_188, %dma_wait3A_189] : memref<8x200x64xf32, #tpu.memory_space<vmem>> -> memref<1x72x64xf32, #tpu.memory_space<vmem>>
      %dma_wait3A_191 = tpu.memref_squeeze %dma_wait3A_190 : memref<1x72x64xf32, #tpu.memory_space<vmem>> -> memref<72x64xf32, #tpu.memory_space<vmem>>
      %dma_wait3A_192 = arith.constant 128 : i32
      %dma_wait3A_193 = tpu.memref_slice %arg5[%dma_wait3A_192] : memref<25600xi32, #tpu.memory_space<vmem>> -> memref<72xi32, #tpu.memory_space<vmem>>
      %dma_wait3A_194 = arith.constant 0 : i32
      %dma_wait3A_195 = arith.constant 0 : i32
      %dma_wait3A_196 = tpu.memref_slice %arg2[%dma_wait3A_194, %dma_wait3A_195] : memref<1000000x64xf32, #tpu.memory_space<hbm>> -> memref<1000000x64xf32, #tpu.memory_space<hbm>>
      tpu.wait_indirect_dma semaphore(%arg8 : memref<!tpu.dma_semaphore, #tpu.memory_space<semaphore_mem>>) src(%dma_wait3A_196 : memref<1000000x64xf32, #tpu.memory_space<hbm>>) dst(%dma_wait3A_191 : memref<72x64xf32, #tpu.memory_space<vmem>>)
      %ge3A = arith.constant 1 : i32
      %ge3A_197 = arith.cmpi sge, %add3A_176, %ge3A : i32
      %convert_element_type3A = arith.extui %ge3A_197 : i1 to i32
      %cond3A = arith.constant 0 : i32
      %cond3A_198 = arith.cmpi ne, %convert_element_type3A, %cond3A : i32
      scf.if %cond3A_198 {
        %sub3A_753 = arith.constant 1 : i32
        %sub3A_754 = arith.subi %add3A_176, %sub3A_753 : i32
        %add3A_755 = arith.addi %mul3A_4, %sub3A_754 : i32
        %dma_wait3A_756 = arith.constant 7 : i32
        %dma_wait3A_757 = arith.constant 0 : i32
        %dma_wait3A_758 = arith.constant 0 : i32
        %dma_wait3A_759 = tpu.memref_slice %arg6[%dma_wait3A_756, %dma_wait3A_757, %dma_wait3A_758] : memref<8x200x64xf32, #tpu.memory_space<vmem>> -> memref<1x200x64xf32, #tpu.memory_space<vmem>>
        %dma_wait3A_760 = tpu.memref_squeeze %dma_wait3A_759 : memref<1x200x64xf32, #tpu.memory_space<vmem>> -> memref<200x64xf32, #tpu.memory_space<vmem>>
        %dma_wait3A_761 = arith.constant 0 : i32
        %dma_wait3A_762 = arith.constant 0 : i32
        %dma_wait3A_763 = tpu.memref_slice %arg4[%add3A_755, %dma_wait3A_761, %dma_wait3A_762] : memref<4096x200x64xf32, #tpu.memory_space<hbm>> -> memref<1x200x64xf32, #tpu.memory_space<hbm>>
        %dma_wait3A_764 = tpu.memref_squeeze %dma_wait3A_763 : memref<1x200x64xf32, #tpu.memory_space<hbm>> -> memref<200x64xf32, #tpu.memory_space<hbm>>
        %dma_wait3A_765 = arith.constant 0 : i32
        %dma_wait3A_766 = arith.constant 0 : i32
        %dma_wait3A_767 = tpu.memref_slice %arg4[%add3A_755, %dma_wait3A_765, %dma_wait3A_766] : memref<4096x200x64xf32, #tpu.memory_space<hbm>> -> memref<1x200x64xf32, #tpu.memory_space<hbm>>
        %dma_wait3A_768 = tpu.memref_squeeze %dma_wait3A_767 : memref<1x200x64xf32, #tpu.memory_space<hbm>> -> memref<200x64xf32, #tpu.memory_space<hbm>>
        %dma_wait3A_769 = arith.constant 0 : i32
        %dma_wait3A_770 = arith.constant 0 : i32
        %dma_wait3A_771 = tpu.memref_slice %arg6[%dma_wait3A_756, %dma_wait3A_769, %dma_wait3A_770] : memref<8x200x64xf32, #tpu.memory_space<vmem>> -> memref<1x200x64xf32, #tpu.memory_space<vmem>>
        %dma_wait3A_772 = tpu.memref_squeeze %dma_wait3A_771 : memref<1x200x64xf32, #tpu.memory_space<vmem>> -> memref<200x64xf32, #tpu.memory_space<vmem>>
        tpu.wait_dma2 semaphore(%arg23 : memref<!tpu.dma_semaphore, #tpu.memory_space<semaphore_mem>>) src(%dma_wait3A_772 : memref<200x64xf32, #tpu.memory_space<vmem>>) dst(%dma_wait3A_768 : memref<200x64xf32, #tpu.memory_space<hbm>>)
      } else {
      }
      %add3A_199 = arith.constant 8 : i32
      %add3A_200 = arith.addi %add3A_176, %add3A_199 : i32
      %sub3A = arith.constant 1 : i32
      %sub3A_201 = arith.subi %add3A_200, %sub3A : i32
      %lt3A = arith.constant 128 : i32
      %lt3A_202 = arith.cmpi slt, %sub3A_201, %lt3A : i32
      %convert_element_type3A_203 = arith.extui %lt3A_202 : i1 to i32
      %cond3A_204 = arith.constant 0 : i32
      %cond3A_205 = arith.cmpi ne, %convert_element_type3A_203, %cond3A_204 : i32
      scf.if %cond3A_205 {
        %add3A_753 = arith.constant 8 : i32
        %add3A_754 = arith.addi %add3A_176, %add3A_753 : i32
        %sub3A_755 = arith.constant 1 : i32
        %sub3A_756 = arith.subi %add3A_754, %sub3A_755 : i32
        %mul3A_757 = arith.constant 200 : i32
        %mul3A_758 = arith.muli %sub3A_756, %mul3A_757 : i32
        %add3A_759 = arith.constant 0 : i32
        %add3A_760 = arith.addi %mul3A_758, %add3A_759 : i32
        %dma_start3A_761 = arith.constant 7 : i32
        %dma_start3A_762 = arith.constant 0 : i32
        %dma_start3A_763 = arith.constant 0 : i32
        %dma_start3A_764 = tpu.memref_slice %arg6[%dma_start3A_761, %dma_start3A_762, %dma_start3A_763] : memref<8x200x64xf32, #tpu.memory_space<vmem>> -> memref<1x128x64xf32, #tpu.memory_space<vmem>>
        %dma_start3A_765 = tpu.memref_squeeze %dma_start3A_764 : memref<1x128x64xf32, #tpu.memory_space<vmem>> -> memref<128x64xf32, #tpu.memory_space<vmem>>
        %dma_start3A_766 = tpu.memref_slice %arg5[%add3A_760] : memref<25600xi32, #tpu.memory_space<vmem>> -> memref<128xi32, #tpu.memory_space<vmem>>
        %dma_start3A_767 = arith.constant 0 : i32
        %dma_start3A_768 = arith.constant 0 : i32
        %dma_start3A_769 = tpu.memref_slice %arg2[%dma_start3A_767, %dma_start3A_768] : memref<1000000x64xf32, #tpu.memory_space<hbm>> -> memref<1000000x64xf32, #tpu.memory_space<hbm>>
        tpu.enqueue_indirect_dma source(%dma_start3A_769 : memref<1000000x64xf32, #tpu.memory_space<hbm>>) target(%dma_start3A_765 : memref<128x64xf32, #tpu.memory_space<vmem>>) offsets(%dma_start3A_766 : memref<128xi32, #tpu.memory_space<vmem>>) semaphore(%arg15 : memref<!tpu.dma_semaphore, #tpu.memory_space<semaphore_mem>>)
        %add3A_770 = arith.constant 128 : i32
        %add3A_771 = arith.addi %mul3A_758, %add3A_770 : i32
        %dma_start3A_772 = arith.constant 7 : i32
        %dma_start3A_773 = arith.constant 128 : i32
        %dma_start3A_774 = arith.constant 0 : i32
        %dma_start3A_775 = tpu.memref_slice %arg6[%dma_start3A_772, %dma_start3A_773, %dma_start3A_774] : memref<8x200x64xf32, #tpu.memory_space<vmem>> -> memref<1x72x64xf32, #tpu.memory_space<vmem>>
        %dma_start3A_776 = tpu.memref_squeeze %dma_start3A_775 : memref<1x72x64xf32, #tpu.memory_space<vmem>> -> memref<72x64xf32, #tpu.memory_space<vmem>>
        %dma_start3A_777 = tpu.memref_slice %arg5[%add3A_771] : memref<25600xi32, #tpu.memory_space<vmem>> -> memref<72xi32, #tpu.memory_space<vmem>>
        %dma_start3A_778 = arith.constant 0 : i32
        %dma_start3A_779 = arith.constant 0 : i32
        %dma_start3A_780 = tpu.memref_slice %arg2[%dma_start3A_778, %dma_start3A_779] : memref<1000000x64xf32, #tpu.memory_space<hbm>> -> memref<1000000x64xf32, #tpu.memory_space<hbm>>
        tpu.enqueue_indirect_dma source(%dma_start3A_780 : memref<1000000x64xf32, #tpu.memory_space<hbm>>) target(%dma_start3A_776 : memref<72x64xf32, #tpu.memory_space<vmem>>) offsets(%dma_start3A_777 : memref<72xi32, #tpu.memory_space<vmem>>) semaphore(%arg15 : memref<!tpu.dma_semaphore, #tpu.memory_space<semaphore_mem>>)
      } else {
      }
      %mul3A_206 = arith.constant 200 : i32
      %mul3A_207 = arith.muli %add3A_176, %mul3A_206 : i32
      %scan3A_208 = arith.constant 0 : i32
      %scan3A_209 = arith.constant 0 : i32
      %scan3A_210 = arith.constant 13 : i32
      %scan3A_211 = arith.addi %scan3A_209, %scan3A_210 : i32
      %scan3A_212 = arith.constant 1 : i32
      %scan3A_213 = scf.for %scan3A_753 = %scan3A_209 to %scan3A_211 step %scan3A_212 iter_args(%scan3A_754 = %scan3A_208) -> (i32)  : i32 {
        %mul3A_755 = arith.constant 16 : i32
        %mul3A_756 = arith.muli %scan3A_753, %mul3A_755 : i32
        %min3A = arith.constant 184 : i32
        %min3A_757 = arith.minsi %mul3A_756, %min3A : i32
        %add3A_758 = arith.addi %mul3A_207, %min3A_757 : i32
        %get3A = arith.index_cast %add3A_758 : i32 to index
        %get3A_759 = tpu.vector_load %arg5[%get3A] {strides = array<i32>} : memref<25600xi32, #tpu.memory_space<vmem>>, vector<16xi32>,
        %eq3A = arith.constant 0 : i32
        %eq3A_760 = vector.broadcast %eq3A : i32 to vector<16xi32>
        %eq3A_761 = arith.cmpi eq, %get3A_759, %eq3A_760 : vector<16xi32>
        %add3A_762 = vector.broadcast %min3A_757 : i32 to vector<16xi32>
        %add3A_763 = arith.addi %iota3A, %add3A_762 : vector<16xi32>
        %convert_element_type3A_764 = arith.extui %eq3A_761 : vector<16xi1> to vector<16xi32>
        %broadcast_in_dim3A_765 = arith.constant true
        %broadcast_in_dim3A_766 = vector.broadcast %broadcast_in_dim3A_765 : i1 to vector<16xi1>
        %masked_cumsum3A = tpu.scan <sum>, %convert_element_type3A_764 masked %broadcast_in_dim3A_766 : vector<16xi32>, vector<16xi1> -> vector<16xi32>
        %add3A_767 = vector.broadcast %scan3A_754 : i32 to vector<16xi32>
        %add3A_768 = arith.addi %add3A_767, %masked_cumsum3A : vector<16xi32>
        %sub3A_769 = arith.subi %add3A_768, %convert_element_type3A_764 : vector<16xi32>
        tpu.vector_store_idx %arg7[%sub3A_769], %add3A_763 masked %eq3A_761 : memref<216xi32, #tpu.memory_space<vmem>>[vector<16xi32>], vector<16xi32>, vector<16xi1>
        %slice3A = vector.extract_strided_slice %masked_cumsum3A {offsets = [15], sizes = [1], strides = [1]} : vector<16xi32> to vector<1xi32>
        %squeeze3A = vector.extract %slice3A[0] : i32 from vector<1xi32>
        %add3A_770 = arith.addi %scan3A_754, %squeeze3A : i32
        scf.yield %add3A_770 : i32
      }
      %scan3A_214 = arith.constant 13 : i32
      %while3A = arith.constant 0 : i32
      %while3A_215 = arith.constant 0 : i32
      %while3A_216 = arith.subi %scan3A_213, %while3A_215 : i32
      %while3A_217 = arith.addi %while3A_215, %while3A_216 : i32
      %while3A_218 = arith.constant 1 : i32
      %while3A_219 = arith.divsi %while3A_216, %while3A_218 : i32
      %while3A_220 = arith.muli %while3A_219, %while3A_218 : i32
      %while3A_221 = arith.addi %while3A_215, %while3A_220 : i32
      %while3A_222 = arith.constant 1 : i32
      scf.for %while3A_753 = %while3A_215 to %while3A_221 step %while3A_222  : i32 {
        %get3A = arith.index_cast %while3A_753 : i32 to index
        %get3A_754 = tpu.vector_load %arg7[%get3A] {strides = array<i32>} : memref<216xi32, #tpu.memory_space<vmem>>, vector<16xi32>,
        %slice3A = vector.extract_strided_slice %get3A_754 {offsets = [0], sizes = [1], strides = [1]} : vector<16xi32> to vector<1xi32>
        %squeeze3A = vector.extract %slice3A[0] : i32 from vector<1xi32>
        %swap3A = arith.constant 0 : i32
        %swap3A_755 = arith.index_cast %swap3A : i32 to index
        %swap3A_756 = arith.index_cast %squeeze3A : i32 to index
        %swap3A_757 = arith.constant 0 : index
        %swap3A_758 = tpu.vector_load %arg6[%swap3A_755, %swap3A_756, %swap3A_757] {strides = array<i32>} : memref<8x200x64xf32, #tpu.memory_space<vmem>>, vector<16xf32>,
        tpu.vector_store %arg6[%swap3A_755, %swap3A_756, %swap3A_757], %broadcast_in_dim3A_147 {strides = array<i32>} : memref<8x200x64xf32, #tpu.memory_space<vmem>>, vector<16xf32>,
        %swap3A_759 = arith.constant 0 : i32
        %swap3A_760 = arith.index_cast %swap3A_759 : i32 to index
        %swap3A_761 = arith.index_cast %squeeze3A : i32 to index
        %swap3A_762 = arith.constant 16 : index
        %swap3A_763 = tpu.vector_load %arg6[%swap3A_760, %swap3A_761, %swap3A_762] {strides = array<i32>} : memref<8x200x64xf32, #tpu.memory_space<vmem>>, vector<16xf32>,
        tpu.vector_store %arg6[%swap3A_760, %swap3A_761, %swap3A_762], %broadcast_in_dim3A_147 {strides = array<i32>} : memref<8x200x64xf32, #tpu.memory_space<vmem>>, vector<16xf32>,
        %swap3A_764 = arith.constant 0 : i32
        %swap3A_765 = arith.index_cast %swap3A_764 : i32 to index
        %swap3A_766 = arith.index_cast %squeeze3A : i32 to index
        %swap3A_767 = arith.constant 32 : index
        %swap3A_768 = tpu.vector_load %arg6[%swap3A_765, %swap3A_766, %swap3A_767] {strides = array<i32>} : memref<8x200x64xf32, #tpu.memory_space<vmem>>, vector<16xf32>,
        tpu.vector_store %arg6[%swap3A_765, %swap3A_766, %swap3A_767], %broadcast_in_dim3A_147 {strides = array<i32>} : memref<8x200x64xf32, #tpu.memory_space<vmem>>, vector<16xf32>,
        %swap3A_769 = arith.constant 0 : i32
        %swap3A_770 = arith.index_cast %swap3A_769 : i32 to index
        %swap3A_771 = arith.index_cast %squeeze3A : i32 to index
        %swap3A_772 = arith.constant 48 : index
        %swap3A_773 = tpu.vector_load %arg6[%swap3A_770, %swap3A_771, %swap3A_772] {strides = array<i32>} : memref<8x200x64xf32, #tpu.memory_space<vmem>>, vector<16xf32>,
        tpu.vector_store %arg6[%swap3A_770, %swap3A_771, %swap3A_772], %broadcast_in_dim3A_147 {strides = array<i32>} : memref<8x200x64xf32, #tpu.memory_space<vmem>>, vector<16xf32>,
      }
      %while3A_223 = arith.constant 1 : i32
      scf.for %while3A_753 = %while3A_221 to %while3A_217 step %while3A_223  : i32 {
        %get3A = arith.index_cast %while3A_753 : i32 to index
        %get3A_754 = tpu.vector_load %arg7[%get3A] {strides = array<i32>} : memref<216xi32, #tpu.memory_space<vmem>>, vector<16xi32>,
        %slice3A = vector.extract_strided_slice %get3A_754 {offsets = [0], sizes = [1], strides = [1]} : vector<16xi32> to vector<1xi32>
        %squeeze3A = vector.extract %slice3A[0] : i32 from vector<1xi32>
        %swap3A = arith.constant 0 : i32
        %swap3A_755 = arith.index_cast %swap3A : i32 to index
        %swap3A_756 = arith.index_cast %squeeze3A : i32 to index
        %swap3A_757 = arith.constant 0 : index
        %swap3A_758 = tpu.vector_load %arg6[%swap3A_755, %swap3A_756, %swap3A_757] {strides = array<i32>} : memref<8x200x64xf32, #tpu.memory_space<vmem>>, vector<16xf32>,
        tpu.vector_store %arg6[%swap3A_755, %swap3A_756, %swap3A_757], %broadcast_in_dim3A_147 {strides = array<i32>} : memref<8x200x64xf32, #tpu.memory_space<vmem>>, vector<16xf32>,
        %swap3A_759 = arith.constant 0 : i32
        %swap3A_760 = arith.index_cast %swap3A_759 : i32 to index
        %swap3A_761 = arith.index_cast %squeeze3A : i32 to index
        %swap3A_762 = arith.constant 16 : index
        %swap3A_763 = tpu.vector_load %arg6[%swap3A_760, %swap3A_761, %swap3A_762] {strides = array<i32>} : memref<8x200x64xf32, #tpu.memory_space<vmem>>, vector<16xf32>,
        tpu.vector_store %arg6[%swap3A_760, %swap3A_761, %swap3A_762], %broadcast_in_dim3A_147 {strides = array<i32>} : memref<8x200x64xf32, #tpu.memory_space<vmem>>, vector<16xf32>,
        %swap3A_764 = arith.constant 0 : i32
        %swap3A_765 = arith.index_cast %swap3A_764 : i32 to index
        %swap3A_766 = arith.index_cast %squeeze3A : i32 to index
        %swap3A_767 = arith.constant 32 : index
        %swap3A_768 = tpu.vector_load %arg6[%swap3A_765, %swap3A_766, %swap3A_767] {strides = array<i32>} : memref<8x200x64xf32, #tpu.memory_space<vmem>>, vector<16xf32>,
        tpu.vector_store %arg6[%swap3A_765, %swap3A_766, %swap3A_767], %broadcast_in_dim3A_147 {strides = array<i32>} : memref<8x200x64xf32, #tpu.memory_space<vmem>>, vector<16xf32>,
        %swap3A_769 = arith.constant 0 : i32
        %swap3A_770 = arith.index_cast %swap3A_769 : i32 to index
        %swap3A_771 = arith.index_cast %squeeze3A : i32 to index
        %swap3A_772 = arith.constant 48 : index
        %swap3A_773 = tpu.vector_load %arg6[%swap3A_770, %swap3A_771, %swap3A_772] {strides = array<i32>} : memref<8x200x64xf32, #tpu.memory_space<vmem>>, vector<16xf32>,
        tpu.vector_store %arg6[%swap3A_770, %swap3A_771, %swap3A_772], %broadcast_in_dim3A_147 {strides = array<i32>} : memref<8x200x64xf32, #tpu.memory_space<vmem>>, vector<16xf32>,
      }
      %add3A_224 = arith.addi %mul3A_4, %add3A_176 : i32
      %dma_start3A_225 = arith.constant 0 : i32
      %dma_start3A_226 = arith.constant 0 : i32
      %dma_start3A_227 = arith.constant 0 : i32
      %dma_start3A_228 = tpu.memref_slice %arg6[%dma_start3A_225, %dma_start3A_226, %dma_start3A_227] : memref<8x200x64xf32, #tpu.memory_space<vmem>> -> memref<1x200x64xf32, #tpu.memory_space<vmem>>
      %dma_start3A_229 = tpu.memref_squeeze %dma_start3A_228 : memref<1x200x64xf32, #tpu.memory_space<vmem>> -> memref<200x64xf32, #tpu.memory_space<vmem>>
      %dma_start3A_230 = arith.constant 0 : i32
      %dma_start3A_231 = arith.constant 0 : i32
      %dma_start3A_232 = tpu.memref_slice %arg4[%add3A_224, %dma_start3A_230, %dma_start3A_231] : memref<4096x200x64xf32, #tpu.memory_space<hbm>> -> memref<1x200x64xf32, #tpu.memory_space<hbm>>
      %dma_start3A_233 = tpu.memref_squeeze %dma_start3A_232 : memref<1x200x64xf32, #tpu.memory_space<hbm>> -> memref<200x64xf32, #tpu.memory_space<hbm>>
      %dma_start3A_234 = arith.constant 0 : i32
      %dma_start3A_235 = arith.constant 0 : i32
      %dma_start3A_236 = tpu.memref_slice %arg4[%add3A_224, %dma_start3A_234, %dma_start3A_235] : memref<4096x200x64xf32, #tpu.memory_space<hbm>> -> memref<1x200x64xf32, #tpu.memory_space<hbm>>
      %dma_start3A_237 = tpu.memref_squeeze %dma_start3A_236 : memref<1x200x64xf32, #tpu.memory_space<hbm>> -> memref<200x64xf32, #tpu.memory_space<hbm>>
      %dma_start3A_238 = arith.constant 0 : i32
      %dma_start3A_239 = arith.constant 0 : i32
      %dma_start3A_240 = tpu.memref_slice %arg6[%dma_start3A_225, %dma_start3A_238, %dma_start3A_239] : memref<8x200x64xf32, #tpu.memory_space<vmem>> -> memref<1x200x64xf32, #tpu.memory_space<vmem>>
      %dma_start3A_241 = tpu.memref_squeeze %dma_start3A_240 : memref<1x200x64xf32, #tpu.memory_space<vmem>> -> memref<200x64xf32, #tpu.memory_space<vmem>>
      tpu.enqueue_dma source(%dma_start3A_241 : memref<200x64xf32, #tpu.memory_space<vmem>>) target(%dma_start3A_237 : memref<200x64xf32, #tpu.memory_space<hbm>>) target_semaphore(%arg16 : memref<!tpu.dma_semaphore, #tpu.memory_space<semaphore_mem>>)
      %add3A_242 = arith.constant 1 : i32
      %add3A_243 = arith.addi %mul3A_174, %add3A_242 : i32
      %dma_wait3A_244 = arith.constant 1 : i32
      %dma_wait3A_245 = arith.constant 0 : i32
      %dma_wait3A_246 = arith.constant 0 : i32
      %dma_wait3A_247 = tpu.memref_slice %arg6[%dma_wait3A_244, %dma_wait3A_245, %dma_wait3A_246] : memref<8x200x64xf32, #tpu.memory_space<vmem>> -> memref<1x128x64xf32, #tpu.memory_space<vmem>>
      %dma_wait3A_248 = tpu.memref_squeeze %dma_wait3A_247 : memref<1x128x64xf32, #tpu.memory_space<vmem>> -> memref<128x64xf32, #tpu.memory_space<vmem>>
      %dma_wait3A_249 = arith.constant 0 : i32
      %dma_wait3A_250 = tpu.memref_slice %arg5[%dma_wait3A_249] : memref<25600xi32, #tpu.memory_space<vmem>> -> memref<128xi32, #tpu.memory_space<vmem>>
      %dma_wait3A_251 = arith.constant 0 : i32
      %dma_wait3A_252 = arith.constant 0 : i32
      %dma_wait3A_253 = tpu.memref_slice %arg2[%dma_wait3A_251, %dma_wait3A_252] : memref<1000000x64xf32, #tpu.memory_space<hbm>> -> memref<1000000x64xf32, #tpu.memory_space<hbm>>
      tpu.wait_indirect_dma semaphore(%arg9 : memref<!tpu.dma_semaphore, #tpu.memory_space<semaphore_mem>>) src(%dma_wait3A_253 : memref<1000000x64xf32, #tpu.memory_space<hbm>>) dst(%dma_wait3A_248 : memref<128x64xf32, #tpu.memory_space<vmem>>)
      %dma_wait3A_254 = arith.constant 1 : i32
      %dma_wait3A_255 = arith.constant 128 : i32
      %dma_wait3A_256 = arith.constant 0 : i32
      %dma_wait3A_257 = tpu.memref_slice %arg6[%dma_wait3A_254, %dma_wait3A_255, %dma_wait3A_256] : memref<8x200x64xf32, #tpu.memory_space<vmem>> -> memref<1x72x64xf32, #tpu.memory_space<vmem>>
      %dma_wait3A_258 = tpu.memref_squeeze %dma_wait3A_257 : memref<1x72x64xf32, #tpu.memory_space<vmem>> -> memref<72x64xf32, #tpu.memory_space<vmem>>
      %dma_wait3A_259 = arith.constant 128 : i32
      %dma_wait3A_260 = tpu.memref_slice %arg5[%dma_wait3A_259] : memref<25600xi32, #tpu.memory_space<vmem>> -> memref<72xi32, #tpu.memory_space<vmem>>
      %dma_wait3A_261 = arith.constant 0 : i32
      %dma_wait3A_262 = arith.constant 0 : i32
      %dma_wait3A_263 = tpu.memref_slice %arg2[%dma_wait3A_261, %dma_wait3A_262] : memref<1000000x64xf32, #tpu.memory_space<hbm>> -> memref<1000000x64xf32, #tpu.memory_space<hbm>>
      tpu.wait_indirect_dma semaphore(%arg9 : memref<!tpu.dma_semaphore, #tpu.memory_space<semaphore_mem>>) src(%dma_wait3A_263 : memref<1000000x64xf32, #tpu.memory_space<hbm>>) dst(%dma_wait3A_258 : memref<72x64xf32, #tpu.memory_space<vmem>>)
      %ge3A_264 = arith.constant 1 : i32
      %ge3A_265 = arith.cmpi sge, %add3A_243, %ge3A_264 : i32
      %convert_element_type3A_266 = arith.extui %ge3A_265 : i1 to i32
      %cond3A_267 = arith.constant 0 : i32
      %cond3A_268 = arith.cmpi ne, %convert_element_type3A_266, %cond3A_267 : i32
      scf.if %cond3A_268 {
        %sub3A_753 = arith.constant 1 : i32
        %sub3A_754 = arith.subi %add3A_243, %sub3A_753 : i32
        %add3A_755 = arith.addi %mul3A_4, %sub3A_754 : i32
        %dma_wait3A_756 = arith.constant 0 : i32
        %dma_wait3A_757 = arith.constant 0 : i32
        %dma_wait3A_758 = arith.constant 0 : i32
        %dma_wait3A_759 = tpu.memref_slice %arg6[%dma_wait3A_756, %dma_wait3A_757, %dma_wait3A_758] : memref<8x200x64xf32, #tpu.memory_space<vmem>> -> memref<1x200x64xf32, #tpu.memory_space<vmem>>
        %dma_wait3A_760 = tpu.memref_squeeze %dma_wait3A_759 : memref<1x200x64xf32, #tpu.memory_space<vmem>> -> memref<200x64xf32, #tpu.memory_space<vmem>>
        %dma_wait3A_761 = arith.constant 0 : i32
        %dma_wait3A_762 = arith.constant 0 : i32
        %dma_wait3A_763 = tpu.memref_slice %arg4[%add3A_755, %dma_wait3A_761, %dma_wait3A_762] : memref<4096x200x64xf32, #tpu.memory_space<hbm>> -> memref<1x200x64xf32, #tpu.memory_space<hbm>>
        %dma_wait3A_764 = tpu.memref_squeeze %dma_wait3A_763 : memref<1x200x64xf32, #tpu.memory_space<hbm>> -> memref<200x64xf32, #tpu.memory_space<hbm>>
        %dma_wait3A_765 = arith.constant 0 : i32
        %dma_wait3A_766 = arith.constant 0 : i32
        %dma_wait3A_767 = tpu.memref_slice %arg4[%add3A_755, %dma_wait3A_765, %dma_wait3A_766] : memref<4096x200x64xf32, #tpu.memory_space<hbm>> -> memref<1x200x64xf32, #tpu.memory_space<hbm>>
        %dma_wait3A_768 = tpu.memref_squeeze %dma_wait3A_767 : memref<1x200x64xf32, #tpu.memory_space<hbm>> -> memref<200x64xf32, #tpu.memory_space<hbm>>
        %dma_wait3A_769 = arith.constant 0 : i32
        %dma_wait3A_770 = arith.constant 0 : i32
        %dma_wait3A_771 = tpu.memref_slice %arg6[%dma_wait3A_756, %dma_wait3A_769, %dma_wait3A_770] : memref<8x200x64xf32, #tpu.memory_space<vmem>> -> memref<1x200x64xf32, #tpu.memory_space<vmem>>
        %dma_wait3A_772 = tpu.memref_squeeze %dma_wait3A_771 : memref<1x200x64xf32, #tpu.memory_space<vmem>> -> memref<200x64xf32, #tpu.memory_space<vmem>>
        tpu.wait_dma2 semaphore(%arg16 : memref<!tpu.dma_semaphore, #tpu.memory_space<semaphore_mem>>) src(%dma_wait3A_772 : memref<200x64xf32, #tpu.memory_space<vmem>>) dst(%dma_wait3A_768 : memref<200x64xf32, #tpu.memory_space<hbm>>)
      } else {
      }
      %add3A_269 = arith.constant 8 : i32
      %add3A_270 = arith.addi %add3A_243, %add3A_269 : i32
      %sub3A_271 = arith.constant 1 : i32
      %sub3A_272 = arith.subi %add3A_270, %sub3A_271 : i32
      %lt3A_273 = arith.constant 128 : i32
      %lt3A_274 = arith.cmpi slt, %sub3A_272, %lt3A_273 : i32
      %convert_element_type3A_275 = arith.extui %lt3A_274 : i1 to i32
      %cond3A_276 = arith.constant 0 : i32
      %cond3A_277 = arith.cmpi ne, %convert_element_type3A_275, %cond3A_276 : i32
      scf.if %cond3A_277 {
        %add3A_753 = arith.constant 8 : i32
        %add3A_754 = arith.addi %add3A_243, %add3A_753 : i32
        %sub3A_755 = arith.constant 1 : i32
        %sub3A_756 = arith.subi %add3A_754, %sub3A_755 : i32
        %mul3A_757 = arith.constant 200 : i32
        %mul3A_758 = arith.muli %sub3A_756, %mul3A_757 : i32
        %add3A_759 = arith.constant 0 : i32
        %add3A_760 = arith.addi %mul3A_758, %add3A_759 : i32
        %dma_start3A_761 = arith.constant 0 : i32
        %dma_start3A_762 = arith.constant 0 : i32
        %dma_start3A_763 = arith.constant 0 : i32
        %dma_start3A_764 = tpu.memref_slice %arg6[%dma_start3A_761, %dma_start3A_762, %dma_start3A_763] : memref<8x200x64xf32, #tpu.memory_space<vmem>> -> memref<1x128x64xf32, #tpu.memory_space<vmem>>
        %dma_start3A_765 = tpu.memref_squeeze %dma_start3A_764 : memref<1x128x64xf32, #tpu.memory_space<vmem>> -> memref<128x64xf32, #tpu.memory_space<vmem>>
        %dma_start3A_766 = tpu.memref_slice %arg5[%add3A_760] : memref<25600xi32, #tpu.memory_space<vmem>> -> memref<128xi32, #tpu.memory_space<vmem>>
        %dma_start3A_767 = arith.constant 0 : i32
        %dma_start3A_768 = arith.constant 0 : i32
        %dma_start3A_769 = tpu.memref_slice %arg2[%dma_start3A_767, %dma_start3A_768] : memref<1000000x64xf32, #tpu.memory_space<hbm>> -> memref<1000000x64xf32, #tpu.memory_space<hbm>>
        tpu.enqueue_indirect_dma source(%dma_start3A_769 : memref<1000000x64xf32, #tpu.memory_space<hbm>>) target(%dma_start3A_765 : memref<128x64xf32, #tpu.memory_space<vmem>>) offsets(%dma_start3A_766 : memref<128xi32, #tpu.memory_space<vmem>>) semaphore(%arg8 : memref<!tpu.dma_semaphore, #tpu.memory_space<semaphore_mem>>)
        %add3A_770 = arith.constant 128 : i32
        %add3A_771 = arith.addi %mul3A_758, %add3A_770 : i32
        %dma_start3A_772 = arith.constant 0 : i32
        %dma_start3A_773 = arith.constant 128 : i32
        %dma_start3A_774 = arith.constant 0 : i32
        %dma_start3A_775 = tpu.memref_slice %arg6[%dma_start3A_772, %dma_start3A_773, %dma_start3A_774] : memref<8x200x64xf32, #tpu.memory_space<vmem>> -> memref<1x72x64xf32, #tpu.memory_space<vmem>>
        %dma_start3A_776 = tpu.memref_squeeze %dma_start3A_775 : memref<1x72x64xf32, #tpu.memory_space<vmem>> -> memref<72x64xf32, #tpu.memory_space<vmem>>
        %dma_start3A_777 = tpu.memref_slice %arg5[%add3A_771] : memref<25600xi32, #tpu.memory_space<vmem>> -> memref<72xi32, #tpu.memory_space<vmem>>
        %dma_start3A_778 = arith.constant 0 : i32
        %dma_start3A_779 = arith.constant 0 : i32
        %dma_start3A_780 = tpu.memref_slice %arg2[%dma_start3A_778, %dma_start3A_779] : memref<1000000x64xf32, #tpu.memory_space<hbm>> -> memref<1000000x64xf32, #tpu.memory_space<hbm>>
        tpu.enqueue_indirect_dma source(%dma_start3A_780 : memref<1000000x64xf32, #tpu.memory_space<hbm>>) target(%dma_start3A_776 : memref<72x64xf32, #tpu.memory_space<vmem>>) offsets(%dma_start3A_777 : memref<72xi32, #tpu.memory_space<vmem>>) semaphore(%arg8 : memref<!tpu.dma_semaphore, #tpu.memory_space<semaphore_mem>>)
      } else {
      }
      %mul3A_278 = arith.constant 200 : i32
      %mul3A_279 = arith.muli %add3A_243, %mul3A_278 : i32
      %scan3A_280 = arith.constant 0 : i32
      %scan3A_281 = arith.constant 0 : i32
      %scan3A_282 = arith.constant 13 : i32
      %scan3A_283 = arith.addi %scan3A_281, %scan3A_282 : i32
      %scan3A_284 = arith.constant 1 : i32
      %scan3A_285 = scf.for %scan3A_753 = %scan3A_281 to %scan3A_283 step %scan3A_284 iter_args(%scan3A_754 = %scan3A_280) -> (i32)  : i32 {
        %mul3A_755 = arith.constant 16 : i32
        %mul3A_756 = arith.muli %scan3A_753, %mul3A_755 : i32
        %min3A = arith.constant 184 : i32
        %min3A_757 = arith.minsi %mul3A_756, %min3A : i32
        %add3A_758 = arith.addi %mul3A_279, %min3A_757 : i32
        %get3A = arith.index_cast %add3A_758 : i32 to index
        %get3A_759 = tpu.vector_load %arg5[%get3A] {strides = array<i32>} : memref<25600xi32, #tpu.memory_space<vmem>>, vector<16xi32>,
        %eq3A = arith.constant 0 : i32
        %eq3A_760 = vector.broadcast %eq3A : i32 to vector<16xi32>
        %eq3A_761 = arith.cmpi eq, %get3A_759, %eq3A_760 : vector<16xi32>
        %add3A_762 = vector.broadcast %min3A_757 : i32 to vector<16xi32>
        %add3A_763 = arith.addi %iota3A, %add3A_762 : vector<16xi32>
        %convert_element_type3A_764 = arith.extui %eq3A_761 : vector<16xi1> to vector<16xi32>
        %broadcast_in_dim3A_765 = arith.constant true
        %broadcast_in_dim3A_766 = vector.broadcast %broadcast_in_dim3A_765 : i1 to vector<16xi1>
        %masked_cumsum3A = tpu.scan <sum>, %convert_element_type3A_764 masked %broadcast_in_dim3A_766 : vector<16xi32>, vector<16xi1> -> vector<16xi32>
        %add3A_767 = vector.broadcast %scan3A_754 : i32 to vector<16xi32>
        %add3A_768 = arith.addi %add3A_767, %masked_cumsum3A : vector<16xi32>
        %sub3A_769 = arith.subi %add3A_768, %convert_element_type3A_764 : vector<16xi32>
        tpu.vector_store_idx %arg7[%sub3A_769], %add3A_763 masked %eq3A_761 : memref<216xi32, #tpu.memory_space<vmem>>[vector<16xi32>], vector<16xi32>, vector<16xi1>
        %slice3A = vector.extract_strided_slice %masked_cumsum3A {offsets = [15], sizes = [1], strides = [1]} : vector<16xi32> to vector<1xi32>
        %squeeze3A = vector.extract %slice3A[0] : i32 from vector<1xi32>
        %add3A_770 = arith.addi %scan3A_754, %squeeze3A : i32
        scf.yield %add3A_770 : i32
      }
      %scan3A_286 = arith.constant 13 : i32
      %while3A_287 = arith.constant 0 : i32
      %while3A_288 = arith.constant 0 : i32
      %while3A_289 = arith.subi %scan3A_285, %while3A_288 : i32
      %while3A_290 = arith.addi %while3A_288, %while3A_289 : i32
      %while3A_291 = arith.constant 1 : i32
      %while3A_292 = arith.divsi %while3A_289, %while3A_291 : i32
      %while3A_293 = arith.muli %while3A_292, %while3A_291 : i32
      %while3A_294 = arith.addi %while3A_288, %while3A_293 : i32
      %while3A_295 = arith.constant 1 : i32
      scf.for %while3A_753 = %while3A_288 to %while3A_294 step %while3A_295  : i32 {
        %get3A = arith.index_cast %while3A_753 : i32 to index
        %get3A_754 = tpu.vector_load %arg7[%get3A] {strides = array<i32>} : memref<216xi32, #tpu.memory_space<vmem>>, vector<16xi32>,
        %slice3A = vector.extract_strided_slice %get3A_754 {offsets = [0], sizes = [1], strides = [1]} : vector<16xi32> to vector<1xi32>
        %squeeze3A = vector.extract %slice3A[0] : i32 from vector<1xi32>
        %swap3A = arith.constant 1 : i32
        %swap3A_755 = arith.index_cast %swap3A : i32 to index
        %swap3A_756 = arith.index_cast %squeeze3A : i32 to index
        %swap3A_757 = arith.constant 0 : index
        %swap3A_758 = tpu.vector_load %arg6[%swap3A_755, %swap3A_756, %swap3A_757] {strides = array<i32>} : memref<8x200x64xf32, #tpu.memory_space<vmem>>, vector<16xf32>,
        tpu.vector_store %arg6[%swap3A_755, %swap3A_756, %swap3A_757], %broadcast_in_dim3A_147 {strides = array<i32>} : memref<8x200x64xf32, #tpu.memory_space<vmem>>, vector<16xf32>,
        %swap3A_759 = arith.constant 1 : i32
        %swap3A_760 = arith.index_cast %swap3A_759 : i32 to index
        %swap3A_761 = arith.index_cast %squeeze3A : i32 to index
        %swap3A_762 = arith.constant 16 : index
        %swap3A_763 = tpu.vector_load %arg6[%swap3A_760, %swap3A_761, %swap3A_762] {strides = array<i32>} : memref<8x200x64xf32, #tpu.memory_space<vmem>>, vector<16xf32>,
        tpu.vector_store %arg6[%swap3A_760, %swap3A_761, %swap3A_762], %broadcast_in_dim3A_147 {strides = array<i32>} : memref<8x200x64xf32, #tpu.memory_space<vmem>>, vector<16xf32>,
        %swap3A_764 = arith.constant 1 : i32
        %swap3A_765 = arith.index_cast %swap3A_764 : i32 to index
        %swap3A_766 = arith.index_cast %squeeze3A : i32 to index
        %swap3A_767 = arith.constant 32 : index
        %swap3A_768 = tpu.vector_load %arg6[%swap3A_765, %swap3A_766, %swap3A_767] {strides = array<i32>} : memref<8x200x64xf32, #tpu.memory_space<vmem>>, vector<16xf32>,
        tpu.vector_store %arg6[%swap3A_765, %swap3A_766, %swap3A_767], %broadcast_in_dim3A_147 {strides = array<i32>} : memref<8x200x64xf32, #tpu.memory_space<vmem>>, vector<16xf32>,
        %swap3A_769 = arith.constant 1 : i32
        %swap3A_770 = arith.index_cast %swap3A_769 : i32 to index
        %swap3A_771 = arith.index_cast %squeeze3A : i32 to index
        %swap3A_772 = arith.constant 48 : index
        %swap3A_773 = tpu.vector_load %arg6[%swap3A_770, %swap3A_771, %swap3A_772] {strides = array<i32>} : memref<8x200x64xf32, #tpu.memory_space<vmem>>, vector<16xf32>,
        tpu.vector_store %arg6[%swap3A_770, %swap3A_771, %swap3A_772], %broadcast_in_dim3A_147 {strides = array<i32>} : memref<8x200x64xf32, #tpu.memory_space<vmem>>, vector<16xf32>,
      }
      %while3A_296 = arith.constant 1 : i32
      scf.for %while3A_753 = %while3A_294 to %while3A_290 step %while3A_296  : i32 {
        %get3A = arith.index_cast %while3A_753 : i32 to index
        %get3A_754 = tpu.vector_load %arg7[%get3A] {strides = array<i32>} : memref<216xi32, #tpu.memory_space<vmem>>, vector<16xi32>,
        %slice3A = vector.extract_strided_slice %get3A_754 {offsets = [0], sizes = [1], strides = [1]} : vector<16xi32> to vector<1xi32>
        %squeeze3A = vector.extract %slice3A[0] : i32 from vector<1xi32>
        %swap3A = arith.constant 1 : i32
        %swap3A_755 = arith.index_cast %swap3A : i32 to index
        %swap3A_756 = arith.index_cast %squeeze3A : i32 to index
        %swap3A_757 = arith.constant 0 : index
        %swap3A_758 = tpu.vector_load %arg6[%swap3A_755, %swap3A_756, %swap3A_757] {strides = array<i32>} : memref<8x200x64xf32, #tpu.memory_space<vmem>>, vector<16xf32>,
        tpu.vector_store %arg6[%swap3A_755, %swap3A_756, %swap3A_757], %broadcast_in_dim3A_147 {strides = array<i32>} : memref<8x200x64xf32, #tpu.memory_space<vmem>>, vector<16xf32>,
        %swap3A_759 = arith.constant 1 : i32
        %swap3A_760 = arith.index_cast %swap3A_759 : i32 to index
        %swap3A_761 = arith.index_cast %squeeze3A : i32 to index
        %swap3A_762 = arith.constant 16 : index
        %swap3A_763 = tpu.vector_load %arg6[%swap3A_760, %swap3A_761, %swap3A_762] {strides = array<i32>} : memref<8x200x64xf32, #tpu.memory_space<vmem>>, vector<16xf32>,
        tpu.vector_store %arg6[%swap3A_760, %swap3A_761, %swap3A_762], %broadcast_in_dim3A_147 {strides = array<i32>} : memref<8x200x64xf32, #tpu.memory_space<vmem>>, vector<16xf32>,
        %swap3A_764 = arith.constant 1 : i32
        %swap3A_765 = arith.index_cast %swap3A_764 : i32 to index
        %swap3A_766 = arith.index_cast %squeeze3A : i32 to index
        %swap3A_767 = arith.constant 32 : index
        %swap3A_768 = tpu.vector_load %arg6[%swap3A_765, %swap3A_766, %swap3A_767] {strides = array<i32>} : memref<8x200x64xf32, #tpu.memory_space<vmem>>, vector<16xf32>,
        tpu.vector_store %arg6[%swap3A_765, %swap3A_766, %swap3A_767], %broadcast_in_dim3A_147 {strides = array<i32>} : memref<8x200x64xf32, #tpu.memory_space<vmem>>, vector<16xf32>,
        %swap3A_769 = arith.constant 1 : i32
        %swap3A_770 = arith.index_cast %swap3A_769 : i32 to index
        %swap3A_771 = arith.index_cast %squeeze3A : i32 to index
        %swap3A_772 = arith.constant 48 : index
        %swap3A_773 = tpu.vector_load %arg6[%swap3A_770, %swap3A_771, %swap3A_772] {strides = array<i32>} : memref<8x200x64xf32, #tpu.memory_space<vmem>>, vector<16xf32>,
        tpu.vector_store %arg6[%swap3A_770, %swap3A_771, %swap3A_772], %broadcast_in_dim3A_147 {strides = array<i32>} : memref<8x200x64xf32, #tpu.memory_space<vmem>>, vector<16xf32>,
      }
      %add3A_297 = arith.addi %mul3A_4, %add3A_243 : i32
      %dma_start3A_298 = arith.constant 1 : i32
      %dma_start3A_299 = arith.constant 0 : i32
      %dma_start3A_300 = arith.constant 0 : i32
      %dma_start3A_301 = tpu.memref_slice %arg6[%dma_start3A_298, %dma_start3A_299, %dma_start3A_300] : memref<8x200x64xf32, #tpu.memory_space<vmem>> -> memref<1x200x64xf32, #tpu.memory_space<vmem>>
      %dma_start3A_302 = tpu.memref_squeeze %dma_start3A_301 : memref<1x200x64xf32, #tpu.memory_space<vmem>> -> memref<200x64xf32, #tpu.memory_space<vmem>>
      %dma_start3A_303 = arith.constant 0 : i32
      %dma_start3A_304 = arith.constant 0 : i32
      %dma_start3A_305 = tpu.memref_slice %arg4[%add3A_297, %dma_start3A_303, %dma_start3A_304] : memref<4096x200x64xf32, #tpu.memory_space<hbm>> -> memref<1x200x64xf32, #tpu.memory_space<hbm>>
      %dma_start3A_306 = tpu.memref_squeeze %dma_start3A_305 : memref<1x200x64xf32, #tpu.memory_space<hbm>> -> memref<200x64xf32, #tpu.memory_space<hbm>>
      %dma_start3A_307 = arith.constant 0 : i32
      %dma_start3A_308 = arith.constant 0 : i32
      %dma_start3A_309 = tpu.memref_slice %arg4[%add3A_297, %dma_start3A_307, %dma_start3A_308] : memref<4096x200x64xf32, #tpu.memory_space<hbm>> -> memref<1x200x64xf32, #tpu.memory_space<hbm>>
      %dma_start3A_310 = tpu.memref_squeeze %dma_start3A_309 : memref<1x200x64xf32, #tpu.memory_space<hbm>> -> memref<200x64xf32, #tpu.memory_space<hbm>>
      %dma_start3A_311 = arith.constant 0 : i32
      %dma_start3A_312 = arith.constant 0 : i32
      %dma_start3A_313 = tpu.memref_slice %arg6[%dma_start3A_298, %dma_start3A_311, %dma_start3A_312] : memref<8x200x64xf32, #tpu.memory_space<vmem>> -> memref<1x200x64xf32, #tpu.memory_space<vmem>>
      %dma_start3A_314 = tpu.memref_squeeze %dma_start3A_313 : memref<1x200x64xf32, #tpu.memory_space<vmem>> -> memref<200x64xf32, #tpu.memory_space<vmem>>
      tpu.enqueue_dma source(%dma_start3A_314 : memref<200x64xf32, #tpu.memory_space<vmem>>) target(%dma_start3A_310 : memref<200x64xf32, #tpu.memory_space<hbm>>) target_semaphore(%arg17 : memref<!tpu.dma_semaphore, #tpu.memory_space<semaphore_mem>>)
      %add3A_315 = arith.constant 2 : i32
      %add3A_316 = arith.addi %mul3A_174, %add3A_315 : i32
      %dma_wait3A_317 = arith.constant 2 : i32
      %dma_wait3A_318 = arith.constant 0 : i32
      %dma_wait3A_319 = arith.constant 0 : i32
      %dma_wait3A_320 = tpu.memref_slice %arg6[%dma_wait3A_317, %dma_wait3A_318, %dma_wait3A_319] : memref<8x200x64xf32, #tpu.memory_space<vmem>> -> memref<1x128x64xf32, #tpu.memory_space<vmem>>
      %dma_wait3A_321 = tpu.memref_squeeze %dma_wait3A_320 : memref<1x128x64xf32, #tpu.memory_space<vmem>> -> memref<128x64xf32, #tpu.memory_space<vmem>>
      %dma_wait3A_322 = arith.constant 0 : i32
      %dma_wait3A_323 = tpu.memref_slice %arg5[%dma_wait3A_322] : memref<25600xi32, #tpu.memory_space<vmem>> -> memref<128xi32, #tpu.memory_space<vmem>>
      %dma_wait3A_324 = arith.constant 0 : i32
      %dma_wait3A_325 = arith.constant 0 : i32
      %dma_wait3A_326 = tpu.memref_slice %arg2[%dma_wait3A_324, %dma_wait3A_325] : memref<1000000x64xf32, #tpu.memory_space<hbm>> -> memref<1000000x64xf32, #tpu.memory_space<hbm>>
      tpu.wait_indirect_dma semaphore(%arg10 : memref<!tpu.dma_semaphore, #tpu.memory_space<semaphore_mem>>) src(%dma_wait3A_326 : memref<1000000x64xf32, #tpu.memory_space<hbm>>) dst(%dma_wait3A_321 : memref<128x64xf32, #tpu.memory_space<vmem>>)
      %dma_wait3A_327 = arith.constant 2 : i32
      %dma_wait3A_328 = arith.constant 128 : i32
      %dma_wait3A_329 = arith.constant 0 : i32
      %dma_wait3A_330 = tpu.memref_slice %arg6[%dma_wait3A_327, %dma_wait3A_328, %dma_wait3A_329] : memref<8x200x64xf32, #tpu.memory_space<vmem>> -> memref<1x72x64xf32, #tpu.memory_space<vmem>>
      %dma_wait3A_331 = tpu.memref_squeeze %dma_wait3A_330 : memref<1x72x64xf32, #tpu.memory_space<vmem>> -> memref<72x64xf32, #tpu.memory_space<vmem>>
      %dma_wait3A_332 = arith.constant 128 : i32
      %dma_wait3A_333 = tpu.memref_slice %arg5[%dma_wait3A_332] : memref<25600xi32, #tpu.memory_space<vmem>> -> memref<72xi32, #tpu.memory_space<vmem>>
      %dma_wait3A_334 = arith.constant 0 : i32
      %dma_wait3A_335 = arith.constant 0 : i32
      %dma_wait3A_336 = tpu.memref_slice %arg2[%dma_wait3A_334, %dma_wait3A_335] : memref<1000000x64xf32, #tpu.memory_space<hbm>> -> memref<1000000x64xf32, #tpu.memory_space<hbm>>
      tpu.wait_indirect_dma semaphore(%arg10 : memref<!tpu.dma_semaphore, #tpu.memory_space<semaphore_mem>>) src(%dma_wait3A_336 : memref<1000000x64xf32, #tpu.memory_space<hbm>>) dst(%dma_wait3A_331 : memref<72x64xf32, #tpu.memory_space<vmem>>)
      %ge3A_337 = arith.constant 1 : i32
      %ge3A_338 = arith.cmpi sge, %add3A_316, %ge3A_337 : i32
      %convert_element_type3A_339 = arith.extui %ge3A_338 : i1 to i32
      %cond3A_340 = arith.constant 0 : i32
      %cond3A_341 = arith.cmpi ne, %convert_element_type3A_339, %cond3A_340 : i32
      scf.if %cond3A_341 {
        %sub3A_753 = arith.constant 1 : i32
        %sub3A_754 = arith.subi %add3A_316, %sub3A_753 : i32
        %add3A_755 = arith.addi %mul3A_4, %sub3A_754 : i32
        %dma_wait3A_756 = arith.constant 1 : i32
        %dma_wait3A_757 = arith.constant 0 : i32
        %dma_wait3A_758 = arith.constant 0 : i32
        %dma_wait3A_759 = tpu.memref_slice %arg6[%dma_wait3A_756, %dma_wait3A_757, %dma_wait3A_758] : memref<8x200x64xf32, #tpu.memory_space<vmem>> -> memref<1x200x64xf32, #tpu.memory_space<vmem>>
        %dma_wait3A_760 = tpu.memref_squeeze %dma_wait3A_759 : memref<1x200x64xf32, #tpu.memory_space<vmem>> -> memref<200x64xf32, #tpu.memory_space<vmem>>
        %dma_wait3A_761 = arith.constant 0 : i32
        %dma_wait3A_762 = arith.constant 0 : i32
        %dma_wait3A_763 = tpu.memref_slice %arg4[%add3A_755, %dma_wait3A_761, %dma_wait3A_762] : memref<4096x200x64xf32, #tpu.memory_space<hbm>> -> memref<1x200x64xf32, #tpu.memory_space<hbm>>
        %dma_wait3A_764 = tpu.memref_squeeze %dma_wait3A_763 : memref<1x200x64xf32, #tpu.memory_space<hbm>> -> memref<200x64xf32, #tpu.memory_space<hbm>>
        %dma_wait3A_765 = arith.constant 0 : i32
        %dma_wait3A_766 = arith.constant 0 : i32
        %dma_wait3A_767 = tpu.memref_slice %arg4[%add3A_755, %dma_wait3A_765, %dma_wait3A_766] : memref<4096x200x64xf32, #tpu.memory_space<hbm>> -> memref<1x200x64xf32, #tpu.memory_space<hbm>>
        %dma_wait3A_768 = tpu.memref_squeeze %dma_wait3A_767 : memref<1x200x64xf32, #tpu.memory_space<hbm>> -> memref<200x64xf32, #tpu.memory_space<hbm>>
        %dma_wait3A_769 = arith.constant 0 : i32
        %dma_wait3A_770 = arith.constant 0 : i32
        %dma_wait3A_771 = tpu.memref_slice %arg6[%dma_wait3A_756, %dma_wait3A_769, %dma_wait3A_770] : memref<8x200x64xf32, #tpu.memory_space<vmem>> -> memref<1x200x64xf32, #tpu.memory_space<vmem>>
        %dma_wait3A_772 = tpu.memref_squeeze %dma_wait3A_771 : memref<1x200x64xf32, #tpu.memory_space<vmem>> -> memref<200x64xf32, #tpu.memory_space<vmem>>
        tpu.wait_dma2 semaphore(%arg17 : memref<!tpu.dma_semaphore, #tpu.memory_space<semaphore_mem>>) src(%dma_wait3A_772 : memref<200x64xf32, #tpu.memory_space<vmem>>) dst(%dma_wait3A_768 : memref<200x64xf32, #tpu.memory_space<hbm>>)
      } else {
      }
      %add3A_342 = arith.constant 8 : i32
      %add3A_343 = arith.addi %add3A_316, %add3A_342 : i32
      %sub3A_344 = arith.constant 1 : i32
      %sub3A_345 = arith.subi %add3A_343, %sub3A_344 : i32
      %lt3A_346 = arith.constant 128 : i32
      %lt3A_347 = arith.cmpi slt, %sub3A_345, %lt3A_346 : i32
      %convert_element_type3A_348 = arith.extui %lt3A_347 : i1 to i32
      %cond3A_349 = arith.constant 0 : i32
      %cond3A_350 = arith.cmpi ne, %convert_element_type3A_348, %cond3A_349 : i32
      scf.if %cond3A_350 {
        %add3A_753 = arith.constant 8 : i32
        %add3A_754 = arith.addi %add3A_316, %add3A_753 : i32
        %sub3A_755 = arith.constant 1 : i32
        %sub3A_756 = arith.subi %add3A_754, %sub3A_755 : i32
        %mul3A_757 = arith.constant 200 : i32
        %mul3A_758 = arith.muli %sub3A_756, %mul3A_757 : i32
        %add3A_759 = arith.constant 0 : i32
        %add3A_760 = arith.addi %mul3A_758, %add3A_759 : i32
        %dma_start3A_761 = arith.constant 1 : i32
        %dma_start3A_762 = arith.constant 0 : i32
        %dma_start3A_763 = arith.constant 0 : i32
        %dma_start3A_764 = tpu.memref_slice %arg6[%dma_start3A_761, %dma_start3A_762, %dma_start3A_763] : memref<8x200x64xf32, #tpu.memory_space<vmem>> -> memref<1x128x64xf32, #tpu.memory_space<vmem>>
        %dma_start3A_765 = tpu.memref_squeeze %dma_start3A_764 : memref<1x128x64xf32, #tpu.memory_space<vmem>> -> memref<128x64xf32, #tpu.memory_space<vmem>>
        %dma_start3A_766 = tpu.memref_slice %arg5[%add3A_760] : memref<25600xi32, #tpu.memory_space<vmem>> -> memref<128xi32, #tpu.memory_space<vmem>>
        %dma_start3A_767 = arith.constant 0 : i32
        %dma_start3A_768 = arith.constant 0 : i32
        %dma_start3A_769 = tpu.memref_slice %arg2[%dma_start3A_767, %dma_start3A_768] : memref<1000000x64xf32, #tpu.memory_space<hbm>> -> memref<1000000x64xf32, #tpu.memory_space<hbm>>
        tpu.enqueue_indirect_dma source(%dma_start3A_769 : memref<1000000x64xf32, #tpu.memory_space<hbm>>) target(%dma_start3A_765 : memref<128x64xf32, #tpu.memory_space<vmem>>) offsets(%dma_start3A_766 : memref<128xi32, #tpu.memory_space<vmem>>) semaphore(%arg9 : memref<!tpu.dma_semaphore, #tpu.memory_space<semaphore_mem>>)
        %add3A_770 = arith.constant 128 : i32
        %add3A_771 = arith.addi %mul3A_758, %add3A_770 : i32
        %dma_start3A_772 = arith.constant 1 : i32
        %dma_start3A_773 = arith.constant 128 : i32
        %dma_start3A_774 = arith.constant 0 : i32
        %dma_start3A_775 = tpu.memref_slice %arg6[%dma_start3A_772, %dma_start3A_773, %dma_start3A_774] : memref<8x200x64xf32, #tpu.memory_space<vmem>> -> memref<1x72x64xf32, #tpu.memory_space<vmem>>
        %dma_start3A_776 = tpu.memref_squeeze %dma_start3A_775 : memref<1x72x64xf32, #tpu.memory_space<vmem>> -> memref<72x64xf32, #tpu.memory_space<vmem>>
        %dma_start3A_777 = tpu.memref_slice %arg5[%add3A_771] : memref<25600xi32, #tpu.memory_space<vmem>> -> memref<72xi32, #tpu.memory_space<vmem>>
        %dma_start3A_778 = arith.constant 0 : i32
        %dma_start3A_779 = arith.constant 0 : i32
        %dma_start3A_780 = tpu.memref_slice %arg2[%dma_start3A_778, %dma_start3A_779] : memref<1000000x64xf32, #tpu.memory_space<hbm>> -> memref<1000000x64xf32, #tpu.memory_space<hbm>>
        tpu.enqueue_indirect_dma source(%dma_start3A_780 : memref<1000000x64xf32, #tpu.memory_space<hbm>>) target(%dma_start3A_776 : memref<72x64xf32, #tpu.memory_space<vmem>>) offsets(%dma_start3A_777 : memref<72xi32, #tpu.memory_space<vmem>>) semaphore(%arg9 : memref<!tpu.dma_semaphore, #tpu.memory_space<semaphore_mem>>)
      } else {
      }
      %mul3A_351 = arith.constant 200 : i32
      %mul3A_352 = arith.muli %add3A_316, %mul3A_351 : i32
      %scan3A_353 = arith.constant 0 : i32
      %scan3A_354 = arith.constant 0 : i32
      %scan3A_355 = arith.constant 13 : i32
      %scan3A_356 = arith.addi %scan3A_354, %scan3A_355 : i32
      %scan3A_357 = arith.constant 1 : i32
      %scan3A_358 = scf.for %scan3A_753 = %scan3A_354 to %scan3A_356 step %scan3A_357 iter_args(%scan3A_754 = %scan3A_353) -> (i32)  : i32 {
        %mul3A_755 = arith.constant 16 : i32
        %mul3A_756 = arith.muli %scan3A_753, %mul3A_755 : i32
        %min3A = arith.constant 184 : i32
        %min3A_757 = arith.minsi %mul3A_756, %min3A : i32
        %add3A_758 = arith.addi %mul3A_352, %min3A_757 : i32
        %get3A = arith.index_cast %add3A_758 : i32 to index
        %get3A_759 = tpu.vector_load %arg5[%get3A] {strides = array<i32>} : memref<25600xi32, #tpu.memory_space<vmem>>, vector<16xi32>,
        %eq3A = arith.constant 0 : i32
        %eq3A_760 = vector.broadcast %eq3A : i32 to vector<16xi32>
        %eq3A_761 = arith.cmpi eq, %get3A_759, %eq3A_760 : vector<16xi32>
        %add3A_762 = vector.broadcast %min3A_757 : i32 to vector<16xi32>
        %add3A_763 = arith.addi %iota3A, %add3A_762 : vector<16xi32>
        %convert_element_type3A_764 = arith.extui %eq3A_761 : vector<16xi1> to vector<16xi32>
        %broadcast_in_dim3A_765 = arith.constant true
        %broadcast_in_dim3A_766 = vector.broadcast %broadcast_in_dim3A_765 : i1 to vector<16xi1>
        %masked_cumsum3A = tpu.scan <sum>, %convert_element_type3A_764 masked %broadcast_in_dim3A_766 : vector<16xi32>, vector<16xi1> -> vector<16xi32>
        %add3A_767 = vector.broadcast %scan3A_754 : i32 to vector<16xi32>
        %add3A_768 = arith.addi %add3A_767, %masked_cumsum3A : vector<16xi32>
        %sub3A_769 = arith.subi %add3A_768, %convert_element_type3A_764 : vector<16xi32>
        tpu.vector_store_idx %arg7[%sub3A_769], %add3A_763 masked %eq3A_761 : memref<216xi32, #tpu.memory_space<vmem>>[vector<16xi32>], vector<16xi32>, vector<16xi1>
        %slice3A = vector.extract_strided_slice %masked_cumsum3A {offsets = [15], sizes = [1], strides = [1]} : vector<16xi32> to vector<1xi32>
        %squeeze3A = vector.extract %slice3A[0] : i32 from vector<1xi32>
        %add3A_770 = arith.addi %scan3A_754, %squeeze3A : i32
        scf.yield %add3A_770 : i32
      }
      %scan3A_359 = arith.constant 13 : i32
      %while3A_360 = arith.constant 0 : i32
      %while3A_361 = arith.constant 0 : i32
      %while3A_362 = arith.subi %scan3A_358, %while3A_361 : i32
      %while3A_363 = arith.addi %while3A_361, %while3A_362 : i32
      %while3A_364 = arith.constant 1 : i32
      %while3A_365 = arith.divsi %while3A_362, %while3A_364 : i32
      %while3A_366 = arith.muli %while3A_365, %while3A_364 : i32
      %while3A_367 = arith.addi %while3A_361, %while3A_366 : i32
      %while3A_368 = arith.constant 1 : i32
      scf.for %while3A_753 = %while3A_361 to %while3A_367 step %while3A_368  : i32 {
        %get3A = arith.index_cast %while3A_753 : i32 to index
        %get3A_754 = tpu.vector_load %arg7[%get3A] {strides = array<i32>} : memref<216xi32, #tpu.memory_space<vmem>>, vector<16xi32>,
        %slice3A = vector.extract_strided_slice %get3A_754 {offsets = [0], sizes = [1], strides = [1]} : vector<16xi32> to vector<1xi32>
        %squeeze3A = vector.extract %slice3A[0] : i32 from vector<1xi32>
        %swap3A = arith.constant 2 : i32
        %swap3A_755 = arith.index_cast %swap3A : i32 to index
        %swap3A_756 = arith.index_cast %squeeze3A : i32 to index
        %swap3A_757 = arith.constant 0 : index
        %swap3A_758 = tpu.vector_load %arg6[%swap3A_755, %swap3A_756, %swap3A_757] {strides = array<i32>} : memref<8x200x64xf32, #tpu.memory_space<vmem>>, vector<16xf32>,
        tpu.vector_store %arg6[%swap3A_755, %swap3A_756, %swap3A_757], %broadcast_in_dim3A_147 {strides = array<i32>} : memref<8x200x64xf32, #tpu.memory_space<vmem>>, vector<16xf32>,
        %swap3A_759 = arith.constant 2 : i32
        %swap3A_760 = arith.index_cast %swap3A_759 : i32 to index
        %swap3A_761 = arith.index_cast %squeeze3A : i32 to index
        %swap3A_762 = arith.constant 16 : index
        %swap3A_763 = tpu.vector_load %arg6[%swap3A_760, %swap3A_761, %swap3A_762] {strides = array<i32>} : memref<8x200x64xf32, #tpu.memory_space<vmem>>, vector<16xf32>,
        tpu.vector_store %arg6[%swap3A_760, %swap3A_761, %swap3A_762], %broadcast_in_dim3A_147 {strides = array<i32>} : memref<8x200x64xf32, #tpu.memory_space<vmem>>, vector<16xf32>,
        %swap3A_764 = arith.constant 2 : i32
        %swap3A_765 = arith.index_cast %swap3A_764 : i32 to index
        %swap3A_766 = arith.index_cast %squeeze3A : i32 to index
        %swap3A_767 = arith.constant 32 : index
        %swap3A_768 = tpu.vector_load %arg6[%swap3A_765, %swap3A_766, %swap3A_767] {strides = array<i32>} : memref<8x200x64xf32, #tpu.memory_space<vmem>>, vector<16xf32>,
        tpu.vector_store %arg6[%swap3A_765, %swap3A_766, %swap3A_767], %broadcast_in_dim3A_147 {strides = array<i32>} : memref<8x200x64xf32, #tpu.memory_space<vmem>>, vector<16xf32>,
        %swap3A_769 = arith.constant 2 : i32
        %swap3A_770 = arith.index_cast %swap3A_769 : i32 to index
        %swap3A_771 = arith.index_cast %squeeze3A : i32 to index
        %swap3A_772 = arith.constant 48 : index
        %swap3A_773 = tpu.vector_load %arg6[%swap3A_770, %swap3A_771, %swap3A_772] {strides = array<i32>} : memref<8x200x64xf32, #tpu.memory_space<vmem>>, vector<16xf32>,
        tpu.vector_store %arg6[%swap3A_770, %swap3A_771, %swap3A_772], %broadcast_in_dim3A_147 {strides = array<i32>} : memref<8x200x64xf32, #tpu.memory_space<vmem>>, vector<16xf32>,
      }
      %while3A_369 = arith.constant 1 : i32
      scf.for %while3A_753 = %while3A_367 to %while3A_363 step %while3A_369  : i32 {
        %get3A = arith.index_cast %while3A_753 : i32 to index
        %get3A_754 = tpu.vector_load %arg7[%get3A] {strides = array<i32>} : memref<216xi32, #tpu.memory_space<vmem>>, vector<16xi32>,
        %slice3A = vector.extract_strided_slice %get3A_754 {offsets = [0], sizes = [1], strides = [1]} : vector<16xi32> to vector<1xi32>
        %squeeze3A = vector.extract %slice3A[0] : i32 from vector<1xi32>
        %swap3A = arith.constant 2 : i32
        %swap3A_755 = arith.index_cast %swap3A : i32 to index
        %swap3A_756 = arith.index_cast %squeeze3A : i32 to index
        %swap3A_757 = arith.constant 0 : index
        %swap3A_758 = tpu.vector_load %arg6[%swap3A_755, %swap3A_756, %swap3A_757] {strides = array<i32>} : memref<8x200x64xf32, #tpu.memory_space<vmem>>, vector<16xf32>,
        tpu.vector_store %arg6[%swap3A_755, %swap3A_756, %swap3A_757], %broadcast_in_dim3A_147 {strides = array<i32>} : memref<8x200x64xf32, #tpu.memory_space<vmem>>, vector<16xf32>,
        %swap3A_759 = arith.constant 2 : i32
        %swap3A_760 = arith.index_cast %swap3A_759 : i32 to index
        %swap3A_761 = arith.index_cast %squeeze3A : i32 to index
        %swap3A_762 = arith.constant 16 : index
        %swap3A_763 = tpu.vector_load %arg6[%swap3A_760, %swap3A_761, %swap3A_762] {strides = array<i32>} : memref<8x200x64xf32, #tpu.memory_space<vmem>>, vector<16xf32>,
        tpu.vector_store %arg6[%swap3A_760, %swap3A_761, %swap3A_762], %broadcast_in_dim3A_147 {strides = array<i32>} : memref<8x200x64xf32, #tpu.memory_space<vmem>>, vector<16xf32>,
        %swap3A_764 = arith.constant 2 : i32
        %swap3A_765 = arith.index_cast %swap3A_764 : i32 to index
        %swap3A_766 = arith.index_cast %squeeze3A : i32 to index
        %swap3A_767 = arith.constant 32 : index
        %swap3A_768 = tpu.vector_load %arg6[%swap3A_765, %swap3A_766, %swap3A_767] {strides = array<i32>} : memref<8x200x64xf32, #tpu.memory_space<vmem>>, vector<16xf32>,
        tpu.vector_store %arg6[%swap3A_765, %swap3A_766, %swap3A_767], %broadcast_in_dim3A_147 {strides = array<i32>} : memref<8x200x64xf32, #tpu.memory_space<vmem>>, vector<16xf32>,
        %swap3A_769 = arith.constant 2 : i32
        %swap3A_770 = arith.index_cast %swap3A_769 : i32 to index
        %swap3A_771 = arith.index_cast %squeeze3A : i32 to index
        %swap3A_772 = arith.constant 48 : index
        %swap3A_773 = tpu.vector_load %arg6[%swap3A_770, %swap3A_771, %swap3A_772] {strides = array<i32>} : memref<8x200x64xf32, #tpu.memory_space<vmem>>, vector<16xf32>,
        tpu.vector_store %arg6[%swap3A_770, %swap3A_771, %swap3A_772], %broadcast_in_dim3A_147 {strides = array<i32>} : memref<8x200x64xf32, #tpu.memory_space<vmem>>, vector<16xf32>,
      }
      %add3A_370 = arith.addi %mul3A_4, %add3A_316 : i32
      %dma_start3A_371 = arith.constant 2 : i32
      %dma_start3A_372 = arith.constant 0 : i32
      %dma_start3A_373 = arith.constant 0 : i32
      %dma_start3A_374 = tpu.memref_slice %arg6[%dma_start3A_371, %dma_start3A_372, %dma_start3A_373] : memref<8x200x64xf32, #tpu.memory_space<vmem>> -> memref<1x200x64xf32, #tpu.memory_space<vmem>>
      %dma_start3A_375 = tpu.memref_squeeze %dma_start3A_374 : memref<1x200x64xf32, #tpu.memory_space<vmem>> -> memref<200x64xf32, #tpu.memory_space<vmem>>
      %dma_start3A_376 = arith.constant 0 : i32
      %dma_start3A_377 = arith.constant 0 : i32
      %dma_start3A_378 = tpu.memref_slice %arg4[%add3A_370, %dma_start3A_376, %dma_start3A_377] : memref<4096x200x64xf32, #tpu.memory_space<hbm>> -> memref<1x200x64xf32, #tpu.memory_space<hbm>>
      %dma_start3A_379 = tpu.memref_squeeze %dma_start3A_378 : memref<1x200x64xf32, #tpu.memory_space<hbm>> -> memref<200x64xf32, #tpu.memory_space<hbm>>
      %dma_start3A_380 = arith.constant 0 : i32
      %dma_start3A_381 = arith.constant 0 : i32
      %dma_start3A_382 = tpu.memref_slice %arg4[%add3A_370, %dma_start3A_380, %dma_start3A_381] : memref<4096x200x64xf32, #tpu.memory_space<hbm>> -> memref<1x200x64xf32, #tpu.memory_space<hbm>>
      %dma_start3A_383 = tpu.memref_squeeze %dma_start3A_382 : memref<1x200x64xf32, #tpu.memory_space<hbm>> -> memref<200x64xf32, #tpu.memory_space<hbm>>
      %dma_start3A_384 = arith.constant 0 : i32
      %dma_start3A_385 = arith.constant 0 : i32
      %dma_start3A_386 = tpu.memref_slice %arg6[%dma_start3A_371, %dma_start3A_384, %dma_start3A_385] : memref<8x200x64xf32, #tpu.memory_space<vmem>> -> memref<1x200x64xf32, #tpu.memory_space<vmem>>
      %dma_start3A_387 = tpu.memref_squeeze %dma_start3A_386 : memref<1x200x64xf32, #tpu.memory_space<vmem>> -> memref<200x64xf32, #tpu.memory_space<vmem>>
      tpu.enqueue_dma source(%dma_start3A_387 : memref<200x64xf32, #tpu.memory_space<vmem>>) target(%dma_start3A_383 : memref<200x64xf32, #tpu.memory_space<hbm>>) target_semaphore(%arg18 : memref<!tpu.dma_semaphore, #tpu.memory_space<semaphore_mem>>)
      %add3A_388 = arith.constant 3 : i32
      %add3A_389 = arith.addi %mul3A_174, %add3A_388 : i32
      %dma_wait3A_390 = arith.constant 3 : i32
      %dma_wait3A_391 = arith.constant 0 : i32
      %dma_wait3A_392 = arith.constant 0 : i32
      %dma_wait3A_393 = tpu.memref_slice %arg6[%dma_wait3A_390, %dma_wait3A_391, %dma_wait3A_392] : memref<8x200x64xf32, #tpu.memory_space<vmem>> -> memref<1x128x64xf32, #tpu.memory_space<vmem>>
      %dma_wait3A_394 = tpu.memref_squeeze %dma_wait3A_393 : memref<1x128x64xf32, #tpu.memory_space<vmem>> -> memref<128x64xf32, #tpu.memory_space<vmem>>
      %dma_wait3A_395 = arith.constant 0 : i32
      %dma_wait3A_396 = tpu.memref_slice %arg5[%dma_wait3A_395] : memref<25600xi32, #tpu.memory_space<vmem>> -> memref<128xi32, #tpu.memory_space<vmem>>
      %dma_wait3A_397 = arith.constant 0 : i32
      %dma_wait3A_398 = arith.constant 0 : i32
      %dma_wait3A_399 = tpu.memref_slice %arg2[%dma_wait3A_397, %dma_wait3A_398] : memref<1000000x64xf32, #tpu.memory_space<hbm>> -> memref<1000000x64xf32, #tpu.memory_space<hbm>>
      tpu.wait_indirect_dma semaphore(%arg11 : memref<!tpu.dma_semaphore, #tpu.memory_space<semaphore_mem>>) src(%dma_wait3A_399 : memref<1000000x64xf32, #tpu.memory_space<hbm>>) dst(%dma_wait3A_394 : memref<128x64xf32, #tpu.memory_space<vmem>>)
      %dma_wait3A_400 = arith.constant 3 : i32
      %dma_wait3A_401 = arith.constant 128 : i32
      %dma_wait3A_402 = arith.constant 0 : i32
      %dma_wait3A_403 = tpu.memref_slice %arg6[%dma_wait3A_400, %dma_wait3A_401, %dma_wait3A_402] : memref<8x200x64xf32, #tpu.memory_space<vmem>> -> memref<1x72x64xf32, #tpu.memory_space<vmem>>
      %dma_wait3A_404 = tpu.memref_squeeze %dma_wait3A_403 : memref<1x72x64xf32, #tpu.memory_space<vmem>> -> memref<72x64xf32, #tpu.memory_space<vmem>>
      %dma_wait3A_405 = arith.constant 128 : i32
      %dma_wait3A_406 = tpu.memref_slice %arg5[%dma_wait3A_405] : memref<25600xi32, #tpu.memory_space<vmem>> -> memref<72xi32, #tpu.memory_space<vmem>>
      %dma_wait3A_407 = arith.constant 0 : i32
      %dma_wait3A_408 = arith.constant 0 : i32
      %dma_wait3A_409 = tpu.memref_slice %arg2[%dma_wait3A_407, %dma_wait3A_408] : memref<1000000x64xf32, #tpu.memory_space<hbm>> -> memref<1000000x64xf32, #tpu.memory_space<hbm>>
      tpu.wait_indirect_dma semaphore(%arg11 : memref<!tpu.dma_semaphore, #tpu.memory_space<semaphore_mem>>) src(%dma_wait3A_409 : memref<1000000x64xf32, #tpu.memory_space<hbm>>) dst(%dma_wait3A_404 : memref<72x64xf32, #tpu.memory_space<vmem>>)
      %ge3A_410 = arith.constant 1 : i32
      %ge3A_411 = arith.cmpi sge, %add3A_389, %ge3A_410 : i32
      %convert_element_type3A_412 = arith.extui %ge3A_411 : i1 to i32
      %cond3A_413 = arith.constant 0 : i32
      %cond3A_414 = arith.cmpi ne, %convert_element_type3A_412, %cond3A_413 : i32
      scf.if %cond3A_414 {
        %sub3A_753 = arith.constant 1 : i32
        %sub3A_754 = arith.subi %add3A_389, %sub3A_753 : i32
        %add3A_755 = arith.addi %mul3A_4, %sub3A_754 : i32
        %dma_wait3A_756 = arith.constant 2 : i32
        %dma_wait3A_757 = arith.constant 0 : i32
        %dma_wait3A_758 = arith.constant 0 : i32
        %dma_wait3A_759 = tpu.memref_slice %arg6[%dma_wait3A_756, %dma_wait3A_757, %dma_wait3A_758] : memref<8x200x64xf32, #tpu.memory_space<vmem>> -> memref<1x200x64xf32, #tpu.memory_space<vmem>>
        %dma_wait3A_760 = tpu.memref_squeeze %dma_wait3A_759 : memref<1x200x64xf32, #tpu.memory_space<vmem>> -> memref<200x64xf32, #tpu.memory_space<vmem>>
        %dma_wait3A_761 = arith.constant 0 : i32
        %dma_wait3A_762 = arith.constant 0 : i32
        %dma_wait3A_763 = tpu.memref_slice %arg4[%add3A_755, %dma_wait3A_761, %dma_wait3A_762] : memref<4096x200x64xf32, #tpu.memory_space<hbm>> -> memref<1x200x64xf32, #tpu.memory_space<hbm>>
        %dma_wait3A_764 = tpu.memref_squeeze %dma_wait3A_763 : memref<1x200x64xf32, #tpu.memory_space<hbm>> -> memref<200x64xf32, #tpu.memory_space<hbm>>
        %dma_wait3A_765 = arith.constant 0 : i32
        %dma_wait3A_766 = arith.constant 0 : i32
        %dma_wait3A_767 = tpu.memref_slice %arg4[%add3A_755, %dma_wait3A_765, %dma_wait3A_766] : memref<4096x200x64xf32, #tpu.memory_space<hbm>> -> memref<1x200x64xf32, #tpu.memory_space<hbm>>
        %dma_wait3A_768 = tpu.memref_squeeze %dma_wait3A_767 : memref<1x200x64xf32, #tpu.memory_space<hbm>> -> memref<200x64xf32, #tpu.memory_space<hbm>>
        %dma_wait3A_769 = arith.constant 0 : i32
        %dma_wait3A_770 = arith.constant 0 : i32
        %dma_wait3A_771 = tpu.memref_slice %arg6[%dma_wait3A_756, %dma_wait3A_769, %dma_wait3A_770] : memref<8x200x64xf32, #tpu.memory_space<vmem>> -> memref<1x200x64xf32, #tpu.memory_space<vmem>>
        %dma_wait3A_772 = tpu.memref_squeeze %dma_wait3A_771 : memref<1x200x64xf32, #tpu.memory_space<vmem>> -> memref<200x64xf32, #tpu.memory_space<vmem>>
        tpu.wait_dma2 semaphore(%arg18 : memref<!tpu.dma_semaphore, #tpu.memory_space<semaphore_mem>>) src(%dma_wait3A_772 : memref<200x64xf32, #tpu.memory_space<vmem>>) dst(%dma_wait3A_768 : memref<200x64xf32, #tpu.memory_space<hbm>>)
      } else {
      }
      %add3A_415 = arith.constant 8 : i32
      %add3A_416 = arith.addi %add3A_389, %add3A_415 : i32
      %sub3A_417 = arith.constant 1 : i32
      %sub3A_418 = arith.subi %add3A_416, %sub3A_417 : i32
      %lt3A_419 = arith.constant 128 : i32
      %lt3A_420 = arith.cmpi slt, %sub3A_418, %lt3A_419 : i32
      %convert_element_type3A_421 = arith.extui %lt3A_420 : i1 to i32
      %cond3A_422 = arith.constant 0 : i32
      %cond3A_423 = arith.cmpi ne, %convert_element_type3A_421, %cond3A_422 : i32
      scf.if %cond3A_423 {
        %add3A_753 = arith.constant 8 : i32
        %add3A_754 = arith.addi %add3A_389, %add3A_753 : i32
        %sub3A_755 = arith.constant 1 : i32
        %sub3A_756 = arith.subi %add3A_754, %sub3A_755 : i32
        %mul3A_757 = arith.constant 200 : i32
        %mul3A_758 = arith.muli %sub3A_756, %mul3A_757 : i32
        %add3A_759 = arith.constant 0 : i32
        %add3A_760 = arith.addi %mul3A_758, %add3A_759 : i32
        %dma_start3A_761 = arith.constant 2 : i32
        %dma_start3A_762 = arith.constant 0 : i32
        %dma_start3A_763 = arith.constant 0 : i32
        %dma_start3A_764 = tpu.memref_slice %arg6[%dma_start3A_761, %dma_start3A_762, %dma_start3A_763] : memref<8x200x64xf32, #tpu.memory_space<vmem>> -> memref<1x128x64xf32, #tpu.memory_space<vmem>>
        %dma_start3A_765 = tpu.memref_squeeze %dma_start3A_764 : memref<1x128x64xf32, #tpu.memory_space<vmem>> -> memref<128x64xf32, #tpu.memory_space<vmem>>
        %dma_start3A_766 = tpu.memref_slice %arg5[%add3A_760] : memref<25600xi32, #tpu.memory_space<vmem>> -> memref<128xi32, #tpu.memory_space<vmem>>
        %dma_start3A_767 = arith.constant 0 : i32
        %dma_start3A_768 = arith.constant 0 : i32
        %dma_start3A_769 = tpu.memref_slice %arg2[%dma_start3A_767, %dma_start3A_768] : memref<1000000x64xf32, #tpu.memory_space<hbm>> -> memref<1000000x64xf32, #tpu.memory_space<hbm>>
        tpu.enqueue_indirect_dma source(%dma_start3A_769 : memref<1000000x64xf32, #tpu.memory_space<hbm>>) target(%dma_start3A_765 : memref<128x64xf32, #tpu.memory_space<vmem>>) offsets(%dma_start3A_766 : memref<128xi32, #tpu.memory_space<vmem>>) semaphore(%arg10 : memref<!tpu.dma_semaphore, #tpu.memory_space<semaphore_mem>>)
        %add3A_770 = arith.constant 128 : i32
        %add3A_771 = arith.addi %mul3A_758, %add3A_770 : i32
        %dma_start3A_772 = arith.constant 2 : i32
        %dma_start3A_773 = arith.constant 128 : i32
        %dma_start3A_774 = arith.constant 0 : i32
        %dma_start3A_775 = tpu.memref_slice %arg6[%dma_start3A_772, %dma_start3A_773, %dma_start3A_774] : memref<8x200x64xf32, #tpu.memory_space<vmem>> -> memref<1x72x64xf32, #tpu.memory_space<vmem>>
        %dma_start3A_776 = tpu.memref_squeeze %dma_start3A_775 : memref<1x72x64xf32, #tpu.memory_space<vmem>> -> memref<72x64xf32, #tpu.memory_space<vmem>>
        %dma_start3A_777 = tpu.memref_slice %arg5[%add3A_771] : memref<25600xi32, #tpu.memory_space<vmem>> -> memref<72xi32, #tpu.memory_space<vmem>>
        %dma_start3A_778 = arith.constant 0 : i32
        %dma_start3A_779 = arith.constant 0 : i32
        %dma_start3A_780 = tpu.memref_slice %arg2[%dma_start3A_778, %dma_start3A_779] : memref<1000000x64xf32, #tpu.memory_space<hbm>> -> memref<1000000x64xf32, #tpu.memory_space<hbm>>
        tpu.enqueue_indirect_dma source(%dma_start3A_780 : memref<1000000x64xf32, #tpu.memory_space<hbm>>) target(%dma_start3A_776 : memref<72x64xf32, #tpu.memory_space<vmem>>) offsets(%dma_start3A_777 : memref<72xi32, #tpu.memory_space<vmem>>) semaphore(%arg10 : memref<!tpu.dma_semaphore, #tpu.memory_space<semaphore_mem>>)
      } else {
      }
      %mul3A_424 = arith.constant 200 : i32
      %mul3A_425 = arith.muli %add3A_389, %mul3A_424 : i32
      %scan3A_426 = arith.constant 0 : i32
      %scan3A_427 = arith.constant 0 : i32
      %scan3A_428 = arith.constant 13 : i32
      %scan3A_429 = arith.addi %scan3A_427, %scan3A_428 : i32
      %scan3A_430 = arith.constant 1 : i32
      %scan3A_431 = scf.for %scan3A_753 = %scan3A_427 to %scan3A_429 step %scan3A_430 iter_args(%scan3A_754 = %scan3A_426) -> (i32)  : i32 {
        %mul3A_755 = arith.constant 16 : i32
        %mul3A_756 = arith.muli %scan3A_753, %mul3A_755 : i32
        %min3A = arith.constant 184 : i32
        %min3A_757 = arith.minsi %mul3A_756, %min3A : i32
        %add3A_758 = arith.addi %mul3A_425, %min3A_757 : i32
        %get3A = arith.index_cast %add3A_758 : i32 to index
        %get3A_759 = tpu.vector_load %arg5[%get3A] {strides = array<i32>} : memref<25600xi32, #tpu.memory_space<vmem>>, vector<16xi32>,
        %eq3A = arith.constant 0 : i32
        %eq3A_760 = vector.broadcast %eq3A : i32 to vector<16xi32>
        %eq3A_761 = arith.cmpi eq, %get3A_759, %eq3A_760 : vector<16xi32>
        %add3A_762 = vector.broadcast %min3A_757 : i32 to vector<16xi32>
        %add3A_763 = arith.addi %iota3A, %add3A_762 : vector<16xi32>
        %convert_element_type3A_764 = arith.extui %eq3A_761 : vector<16xi1> to vector<16xi32>
        %broadcast_in_dim3A_765 = arith.constant true
        %broadcast_in_dim3A_766 = vector.broadcast %broadcast_in_dim3A_765 : i1 to vector<16xi1>
        %masked_cumsum3A = tpu.scan <sum>, %convert_element_type3A_764 masked %broadcast_in_dim3A_766 : vector<16xi32>, vector<16xi1> -> vector<16xi32>
        %add3A_767 = vector.broadcast %scan3A_754 : i32 to vector<16xi32>
        %add3A_768 = arith.addi %add3A_767, %masked_cumsum3A : vector<16xi32>
        %sub3A_769 = arith.subi %add3A_768, %convert_element_type3A_764 : vector<16xi32>
        tpu.vector_store_idx %arg7[%sub3A_769], %add3A_763 masked %eq3A_761 : memref<216xi32, #tpu.memory_space<vmem>>[vector<16xi32>], vector<16xi32>, vector<16xi1>
        %slice3A = vector.extract_strided_slice %masked_cumsum3A {offsets = [15], sizes = [1], strides = [1]} : vector<16xi32> to vector<1xi32>
        %squeeze3A = vector.extract %slice3A[0] : i32 from vector<1xi32>
        %add3A_770 = arith.addi %scan3A_754, %squeeze3A : i32
        scf.yield %add3A_770 : i32
      }
      %scan3A_432 = arith.constant 13 : i32
      %while3A_433 = arith.constant 0 : i32
      %while3A_434 = arith.constant 0 : i32
      %while3A_435 = arith.subi %scan3A_431, %while3A_434 : i32
      %while3A_436 = arith.addi %while3A_434, %while3A_435 : i32
      %while3A_437 = arith.constant 1 : i32
      %while3A_438 = arith.divsi %while3A_435, %while3A_437 : i32
      %while3A_439 = arith.muli %while3A_438, %while3A_437 : i32
      %while3A_440 = arith.addi %while3A_434, %while3A_439 : i32
      %while3A_441 = arith.constant 1 : i32
      scf.for %while3A_753 = %while3A_434 to %while3A_440 step %while3A_441  : i32 {
        %get3A = arith.index_cast %while3A_753 : i32 to index
        %get3A_754 = tpu.vector_load %arg7[%get3A] {strides = array<i32>} : memref<216xi32, #tpu.memory_space<vmem>>, vector<16xi32>,
        %slice3A = vector.extract_strided_slice %get3A_754 {offsets = [0], sizes = [1], strides = [1]} : vector<16xi32> to vector<1xi32>
        %squeeze3A = vector.extract %slice3A[0] : i32 from vector<1xi32>
        %swap3A = arith.constant 3 : i32
        %swap3A_755 = arith.index_cast %swap3A : i32 to index
        %swap3A_756 = arith.index_cast %squeeze3A : i32 to index
        %swap3A_757 = arith.constant 0 : index
        %swap3A_758 = tpu.vector_load %arg6[%swap3A_755, %swap3A_756, %swap3A_757] {strides = array<i32>} : memref<8x200x64xf32, #tpu.memory_space<vmem>>, vector<16xf32>,
        tpu.vector_store %arg6[%swap3A_755, %swap3A_756, %swap3A_757], %broadcast_in_dim3A_147 {strides = array<i32>} : memref<8x200x64xf32, #tpu.memory_space<vmem>>, vector<16xf32>,
        %swap3A_759 = arith.constant 3 : i32
        %swap3A_760 = arith.index_cast %swap3A_759 : i32 to index
        %swap3A_761 = arith.index_cast %squeeze3A : i32 to index
        %swap3A_762 = arith.constant 16 : index
        %swap3A_763 = tpu.vector_load %arg6[%swap3A_760, %swap3A_761, %swap3A_762] {strides = array<i32>} : memref<8x200x64xf32, #tpu.memory_space<vmem>>, vector<16xf32>,
        tpu.vector_store %arg6[%swap3A_760, %swap3A_761, %swap3A_762], %broadcast_in_dim3A_147 {strides = array<i32>} : memref<8x200x64xf32, #tpu.memory_space<vmem>>, vector<16xf32>,
        %swap3A_764 = arith.constant 3 : i32
        %swap3A_765 = arith.index_cast %swap3A_764 : i32 to index
        %swap3A_766 = arith.index_cast %squeeze3A : i32 to index
        %swap3A_767 = arith.constant 32 : index
        %swap3A_768 = tpu.vector_load %arg6[%swap3A_765, %swap3A_766, %swap3A_767] {strides = array<i32>} : memref<8x200x64xf32, #tpu.memory_space<vmem>>, vector<16xf32>,
        tpu.vector_store %arg6[%swap3A_765, %swap3A_766, %swap3A_767], %broadcast_in_dim3A_147 {strides = array<i32>} : memref<8x200x64xf32, #tpu.memory_space<vmem>>, vector<16xf32>,
        %swap3A_769 = arith.constant 3 : i32
        %swap3A_770 = arith.index_cast %swap3A_769 : i32 to index
        %swap3A_771 = arith.index_cast %squeeze3A : i32 to index
        %swap3A_772 = arith.constant 48 : index
        %swap3A_773 = tpu.vector_load %arg6[%swap3A_770, %swap3A_771, %swap3A_772] {strides = array<i32>} : memref<8x200x64xf32, #tpu.memory_space<vmem>>, vector<16xf32>,
        tpu.vector_store %arg6[%swap3A_770, %swap3A_771, %swap3A_772], %broadcast_in_dim3A_147 {strides = array<i32>} : memref<8x200x64xf32, #tpu.memory_space<vmem>>, vector<16xf32>,
      }
      %while3A_442 = arith.constant 1 : i32
      scf.for %while3A_753 = %while3A_440 to %while3A_436 step %while3A_442  : i32 {
        %get3A = arith.index_cast %while3A_753 : i32 to index
        %get3A_754 = tpu.vector_load %arg7[%get3A] {strides = array<i32>} : memref<216xi32, #tpu.memory_space<vmem>>, vector<16xi32>,
        %slice3A = vector.extract_strided_slice %get3A_754 {offsets = [0], sizes = [1], strides = [1]} : vector<16xi32> to vector<1xi32>
        %squeeze3A = vector.extract %slice3A[0] : i32 from vector<1xi32>
        %swap3A = arith.constant 3 : i32
        %swap3A_755 = arith.index_cast %swap3A : i32 to index
        %swap3A_756 = arith.index_cast %squeeze3A : i32 to index
        %swap3A_757 = arith.constant 0 : index
        %swap3A_758 = tpu.vector_load %arg6[%swap3A_755, %swap3A_756, %swap3A_757] {strides = array<i32>} : memref<8x200x64xf32, #tpu.memory_space<vmem>>, vector<16xf32>,
        tpu.vector_store %arg6[%swap3A_755, %swap3A_756, %swap3A_757], %broadcast_in_dim3A_147 {strides = array<i32>} : memref<8x200x64xf32, #tpu.memory_space<vmem>>, vector<16xf32>,
        %swap3A_759 = arith.constant 3 : i32
        %swap3A_760 = arith.index_cast %swap3A_759 : i32 to index
        %swap3A_761 = arith.index_cast %squeeze3A : i32 to index
        %swap3A_762 = arith.constant 16 : index
        %swap3A_763 = tpu.vector_load %arg6[%swap3A_760, %swap3A_761, %swap3A_762] {strides = array<i32>} : memref<8x200x64xf32, #tpu.memory_space<vmem>>, vector<16xf32>,
        tpu.vector_store %arg6[%swap3A_760, %swap3A_761, %swap3A_762], %broadcast_in_dim3A_147 {strides = array<i32>} : memref<8x200x64xf32, #tpu.memory_space<vmem>>, vector<16xf32>,
        %swap3A_764 = arith.constant 3 : i32
        %swap3A_765 = arith.index_cast %swap3A_764 : i32 to index
        %swap3A_766 = arith.index_cast %squeeze3A : i32 to index
        %swap3A_767 = arith.constant 32 : index
        %swap3A_768 = tpu.vector_load %arg6[%swap3A_765, %swap3A_766, %swap3A_767] {strides = array<i32>} : memref<8x200x64xf32, #tpu.memory_space<vmem>>, vector<16xf32>,
        tpu.vector_store %arg6[%swap3A_765, %swap3A_766, %swap3A_767], %broadcast_in_dim3A_147 {strides = array<i32>} : memref<8x200x64xf32, #tpu.memory_space<vmem>>, vector<16xf32>,
        %swap3A_769 = arith.constant 3 : i32
        %swap3A_770 = arith.index_cast %swap3A_769 : i32 to index
        %swap3A_771 = arith.index_cast %squeeze3A : i32 to index
        %swap3A_772 = arith.constant 48 : index
        %swap3A_773 = tpu.vector_load %arg6[%swap3A_770, %swap3A_771, %swap3A_772] {strides = array<i32>} : memref<8x200x64xf32, #tpu.memory_space<vmem>>, vector<16xf32>,
        tpu.vector_store %arg6[%swap3A_770, %swap3A_771, %swap3A_772], %broadcast_in_dim3A_147 {strides = array<i32>} : memref<8x200x64xf32, #tpu.memory_space<vmem>>, vector<16xf32>,
      }
      %add3A_443 = arith.addi %mul3A_4, %add3A_389 : i32
      %dma_start3A_444 = arith.constant 3 : i32
      %dma_start3A_445 = arith.constant 0 : i32
      %dma_start3A_446 = arith.constant 0 : i32
      %dma_start3A_447 = tpu.memref_slice %arg6[%dma_start3A_444, %dma_start3A_445, %dma_start3A_446] : memref<8x200x64xf32, #tpu.memory_space<vmem>> -> memref<1x200x64xf32, #tpu.memory_space<vmem>>
      %dma_start3A_448 = tpu.memref_squeeze %dma_start3A_447 : memref<1x200x64xf32, #tpu.memory_space<vmem>> -> memref<200x64xf32, #tpu.memory_space<vmem>>
      %dma_start3A_449 = arith.constant 0 : i32
      %dma_start3A_450 = arith.constant 0 : i32
      %dma_start3A_451 = tpu.memref_slice %arg4[%add3A_443, %dma_start3A_449, %dma_start3A_450] : memref<4096x200x64xf32, #tpu.memory_space<hbm>> -> memref<1x200x64xf32, #tpu.memory_space<hbm>>
      %dma_start3A_452 = tpu.memref_squeeze %dma_start3A_451 : memref<1x200x64xf32, #tpu.memory_space<hbm>> -> memref<200x64xf32, #tpu.memory_space<hbm>>
      %dma_start3A_453 = arith.constant 0 : i32
      %dma_start3A_454 = arith.constant 0 : i32
      %dma_start3A_455 = tpu.memref_slice %arg4[%add3A_443, %dma_start3A_453, %dma_start3A_454] : memref<4096x200x64xf32, #tpu.memory_space<hbm>> -> memref<1x200x64xf32, #tpu.memory_space<hbm>>
      %dma_start3A_456 = tpu.memref_squeeze %dma_start3A_455 : memref<1x200x64xf32, #tpu.memory_space<hbm>> -> memref<200x64xf32, #tpu.memory_space<hbm>>
      %dma_start3A_457 = arith.constant 0 : i32
      %dma_start3A_458 = arith.constant 0 : i32
      %dma_start3A_459 = tpu.memref_slice %arg6[%dma_start3A_444, %dma_start3A_457, %dma_start3A_458] : memref<8x200x64xf32, #tpu.memory_space<vmem>> -> memref<1x200x64xf32, #tpu.memory_space<vmem>>
      %dma_start3A_460 = tpu.memref_squeeze %dma_start3A_459 : memref<1x200x64xf32, #tpu.memory_space<vmem>> -> memref<200x64xf32, #tpu.memory_space<vmem>>
      tpu.enqueue_dma source(%dma_start3A_460 : memref<200x64xf32, #tpu.memory_space<vmem>>) target(%dma_start3A_456 : memref<200x64xf32, #tpu.memory_space<hbm>>) target_semaphore(%arg19 : memref<!tpu.dma_semaphore, #tpu.memory_space<semaphore_mem>>)
      %add3A_461 = arith.constant 4 : i32
      %add3A_462 = arith.addi %mul3A_174, %add3A_461 : i32
      %dma_wait3A_463 = arith.constant 4 : i32
      %dma_wait3A_464 = arith.constant 0 : i32
      %dma_wait3A_465 = arith.constant 0 : i32
      %dma_wait3A_466 = tpu.memref_slice %arg6[%dma_wait3A_463, %dma_wait3A_464, %dma_wait3A_465] : memref<8x200x64xf32, #tpu.memory_space<vmem>> -> memref<1x128x64xf32, #tpu.memory_space<vmem>>
      %dma_wait3A_467 = tpu.memref_squeeze %dma_wait3A_466 : memref<1x128x64xf32, #tpu.memory_space<vmem>> -> memref<128x64xf32, #tpu.memory_space<vmem>>
      %dma_wait3A_468 = arith.constant 0 : i32
      %dma_wait3A_469 = tpu.memref_slice %arg5[%dma_wait3A_468] : memref<25600xi32, #tpu.memory_space<vmem>> -> memref<128xi32, #tpu.memory_space<vmem>>
      %dma_wait3A_470 = arith.constant 0 : i32
      %dma_wait3A_471 = arith.constant 0 : i32
      %dma_wait3A_472 = tpu.memref_slice %arg2[%dma_wait3A_470, %dma_wait3A_471] : memref<1000000x64xf32, #tpu.memory_space<hbm>> -> memref<1000000x64xf32, #tpu.memory_space<hbm>>
      tpu.wait_indirect_dma semaphore(%arg12 : memref<!tpu.dma_semaphore, #tpu.memory_space<semaphore_mem>>) src(%dma_wait3A_472 : memref<1000000x64xf32, #tpu.memory_space<hbm>>) dst(%dma_wait3A_467 : memref<128x64xf32, #tpu.memory_space<vmem>>)
      %dma_wait3A_473 = arith.constant 4 : i32
      %dma_wait3A_474 = arith.constant 128 : i32
      %dma_wait3A_475 = arith.constant 0 : i32
      %dma_wait3A_476 = tpu.memref_slice %arg6[%dma_wait3A_473, %dma_wait3A_474, %dma_wait3A_475] : memref<8x200x64xf32, #tpu.memory_space<vmem>> -> memref<1x72x64xf32, #tpu.memory_space<vmem>>
      %dma_wait3A_477 = tpu.memref_squeeze %dma_wait3A_476 : memref<1x72x64xf32, #tpu.memory_space<vmem>> -> memref<72x64xf32, #tpu.memory_space<vmem>>
      %dma_wait3A_478 = arith.constant 128 : i32
      %dma_wait3A_479 = tpu.memref_slice %arg5[%dma_wait3A_478] : memref<25600xi32, #tpu.memory_space<vmem>> -> memref<72xi32, #tpu.memory_space<vmem>>
      %dma_wait3A_480 = arith.constant 0 : i32
      %dma_wait3A_481 = arith.constant 0 : i32
      %dma_wait3A_482 = tpu.memref_slice %arg2[%dma_wait3A_480, %dma_wait3A_481] : memref<1000000x64xf32, #tpu.memory_space<hbm>> -> memref<1000000x64xf32, #tpu.memory_space<hbm>>
      tpu.wait_indirect_dma semaphore(%arg12 : memref<!tpu.dma_semaphore, #tpu.memory_space<semaphore_mem>>) src(%dma_wait3A_482 : memref<1000000x64xf32, #tpu.memory_space<hbm>>) dst(%dma_wait3A_477 : memref<72x64xf32, #tpu.memory_space<vmem>>)
      %ge3A_483 = arith.constant 1 : i32
      %ge3A_484 = arith.cmpi sge, %add3A_462, %ge3A_483 : i32
      %convert_element_type3A_485 = arith.extui %ge3A_484 : i1 to i32
      %cond3A_486 = arith.constant 0 : i32
      %cond3A_487 = arith.cmpi ne, %convert_element_type3A_485, %cond3A_486 : i32
      scf.if %cond3A_487 {
        %sub3A_753 = arith.constant 1 : i32
        %sub3A_754 = arith.subi %add3A_462, %sub3A_753 : i32
        %add3A_755 = arith.addi %mul3A_4, %sub3A_754 : i32
        %dma_wait3A_756 = arith.constant 3 : i32
        %dma_wait3A_757 = arith.constant 0 : i32
        %dma_wait3A_758 = arith.constant 0 : i32
        %dma_wait3A_759 = tpu.memref_slice %arg6[%dma_wait3A_756, %dma_wait3A_757, %dma_wait3A_758] : memref<8x200x64xf32, #tpu.memory_space<vmem>> -> memref<1x200x64xf32, #tpu.memory_space<vmem>>
        %dma_wait3A_760 = tpu.memref_squeeze %dma_wait3A_759 : memref<1x200x64xf32, #tpu.memory_space<vmem>> -> memref<200x64xf32, #tpu.memory_space<vmem>>
        %dma_wait3A_761 = arith.constant 0 : i32
        %dma_wait3A_762 = arith.constant 0 : i32
        %dma_wait3A_763 = tpu.memref_slice %arg4[%add3A_755, %dma_wait3A_761, %dma_wait3A_762] : memref<4096x200x64xf32, #tpu.memory_space<hbm>> -> memref<1x200x64xf32, #tpu.memory_space<hbm>>
        %dma_wait3A_764 = tpu.memref_squeeze %dma_wait3A_763 : memref<1x200x64xf32, #tpu.memory_space<hbm>> -> memref<200x64xf32, #tpu.memory_space<hbm>>
        %dma_wait3A_765 = arith.constant 0 : i32
        %dma_wait3A_766 = arith.constant 0 : i32
        %dma_wait3A_767 = tpu.memref_slice %arg4[%add3A_755, %dma_wait3A_765, %dma_wait3A_766] : memref<4096x200x64xf32, #tpu.memory_space<hbm>> -> memref<1x200x64xf32, #tpu.memory_space<hbm>>
        %dma_wait3A_768 = tpu.memref_squeeze %dma_wait3A_767 : memref<1x200x64xf32, #tpu.memory_space<hbm>> -> memref<200x64xf32, #tpu.memory_space<hbm>>
        %dma_wait3A_769 = arith.constant 0 : i32
        %dma_wait3A_770 = arith.constant 0 : i32
        %dma_wait3A_771 = tpu.memref_slice %arg6[%dma_wait3A_756, %dma_wait3A_769, %dma_wait3A_770] : memref<8x200x64xf32, #tpu.memory_space<vmem>> -> memref<1x200x64xf32, #tpu.memory_space<vmem>>
        %dma_wait3A_772 = tpu.memref_squeeze %dma_wait3A_771 : memref<1x200x64xf32, #tpu.memory_space<vmem>> -> memref<200x64xf32, #tpu.memory_space<vmem>>
        tpu.wait_dma2 semaphore(%arg19 : memref<!tpu.dma_semaphore, #tpu.memory_space<semaphore_mem>>) src(%dma_wait3A_772 : memref<200x64xf32, #tpu.memory_space<vmem>>) dst(%dma_wait3A_768 : memref<200x64xf32, #tpu.memory_space<hbm>>)
      } else {
      }
      %add3A_488 = arith.constant 8 : i32
      %add3A_489 = arith.addi %add3A_462, %add3A_488 : i32
      %sub3A_490 = arith.constant 1 : i32
      %sub3A_491 = arith.subi %add3A_489, %sub3A_490 : i32
      %lt3A_492 = arith.constant 128 : i32
      %lt3A_493 = arith.cmpi slt, %sub3A_491, %lt3A_492 : i32
      %convert_element_type3A_494 = arith.extui %lt3A_493 : i1 to i32
      %cond3A_495 = arith.constant 0 : i32
      %cond3A_496 = arith.cmpi ne, %convert_element_type3A_494, %cond3A_495 : i32
      scf.if %cond3A_496 {
        %add3A_753 = arith.constant 8 : i32
        %add3A_754 = arith.addi %add3A_462, %add3A_753 : i32
        %sub3A_755 = arith.constant 1 : i32
        %sub3A_756 = arith.subi %add3A_754, %sub3A_755 : i32
        %mul3A_757 = arith.constant 200 : i32
        %mul3A_758 = arith.muli %sub3A_756, %mul3A_757 : i32
        %add3A_759 = arith.constant 0 : i32
        %add3A_760 = arith.addi %mul3A_758, %add3A_759 : i32
        %dma_start3A_761 = arith.constant 3 : i32
        %dma_start3A_762 = arith.constant 0 : i32
        %dma_start3A_763 = arith.constant 0 : i32
        %dma_start3A_764 = tpu.memref_slice %arg6[%dma_start3A_761, %dma_start3A_762, %dma_start3A_763] : memref<8x200x64xf32, #tpu.memory_space<vmem>> -> memref<1x128x64xf32, #tpu.memory_space<vmem>>
        %dma_start3A_765 = tpu.memref_squeeze %dma_start3A_764 : memref<1x128x64xf32, #tpu.memory_space<vmem>> -> memref<128x64xf32, #tpu.memory_space<vmem>>
        %dma_start3A_766 = tpu.memref_slice %arg5[%add3A_760] : memref<25600xi32, #tpu.memory_space<vmem>> -> memref<128xi32, #tpu.memory_space<vmem>>
        %dma_start3A_767 = arith.constant 0 : i32
        %dma_start3A_768 = arith.constant 0 : i32
        %dma_start3A_769 = tpu.memref_slice %arg2[%dma_start3A_767, %dma_start3A_768] : memref<1000000x64xf32, #tpu.memory_space<hbm>> -> memref<1000000x64xf32, #tpu.memory_space<hbm>>
        tpu.enqueue_indirect_dma source(%dma_start3A_769 : memref<1000000x64xf32, #tpu.memory_space<hbm>>) target(%dma_start3A_765 : memref<128x64xf32, #tpu.memory_space<vmem>>) offsets(%dma_start3A_766 : memref<128xi32, #tpu.memory_space<vmem>>) semaphore(%arg11 : memref<!tpu.dma_semaphore, #tpu.memory_space<semaphore_mem>>)
        %add3A_770 = arith.constant 128 : i32
        %add3A_771 = arith.addi %mul3A_758, %add3A_770 : i32
        %dma_start3A_772 = arith.constant 3 : i32
        %dma_start3A_773 = arith.constant 128 : i32
        %dma_start3A_774 = arith.constant 0 : i32
        %dma_start3A_775 = tpu.memref_slice %arg6[%dma_start3A_772, %dma_start3A_773, %dma_start3A_774] : memref<8x200x64xf32, #tpu.memory_space<vmem>> -> memref<1x72x64xf32, #tpu.memory_space<vmem>>
        %dma_start3A_776 = tpu.memref_squeeze %dma_start3A_775 : memref<1x72x64xf32, #tpu.memory_space<vmem>> -> memref<72x64xf32, #tpu.memory_space<vmem>>
        %dma_start3A_777 = tpu.memref_slice %arg5[%add3A_771] : memref<25600xi32, #tpu.memory_space<vmem>> -> memref<72xi32, #tpu.memory_space<vmem>>
        %dma_start3A_778 = arith.constant 0 : i32
        %dma_start3A_779 = arith.constant 0 : i32
        %dma_start3A_780 = tpu.memref_slice %arg2[%dma_start3A_778, %dma_start3A_779] : memref<1000000x64xf32, #tpu.memory_space<hbm>> -> memref<1000000x64xf32, #tpu.memory_space<hbm>>
        tpu.enqueue_indirect_dma source(%dma_start3A_780 : memref<1000000x64xf32, #tpu.memory_space<hbm>>) target(%dma_start3A_776 : memref<72x64xf32, #tpu.memory_space<vmem>>) offsets(%dma_start3A_777 : memref<72xi32, #tpu.memory_space<vmem>>) semaphore(%arg11 : memref<!tpu.dma_semaphore, #tpu.memory_space<semaphore_mem>>)
      } else {
      }
      %mul3A_497 = arith.constant 200 : i32
      %mul3A_498 = arith.muli %add3A_462, %mul3A_497 : i32
      %scan3A_499 = arith.constant 0 : i32
      %scan3A_500 = arith.constant 0 : i32
      %scan3A_501 = arith.constant 13 : i32
      %scan3A_502 = arith.addi %scan3A_500, %scan3A_501 : i32
      %scan3A_503 = arith.constant 1 : i32
      %scan3A_504 = scf.for %scan3A_753 = %scan3A_500 to %scan3A_502 step %scan3A_503 iter_args(%scan3A_754 = %scan3A_499) -> (i32)  : i32 {
        %mul3A_755 = arith.constant 16 : i32
        %mul3A_756 = arith.muli %scan3A_753, %mul3A_755 : i32
        %min3A = arith.constant 184 : i32
        %min3A_757 = arith.minsi %mul3A_756, %min3A : i32
        %add3A_758 = arith.addi %mul3A_498, %min3A_757 : i32
        %get3A = arith.index_cast %add3A_758 : i32 to index
        %get3A_759 = tpu.vector_load %arg5[%get3A] {strides = array<i32>} : memref<25600xi32, #tpu.memory_space<vmem>>, vector<16xi32>,
        %eq3A = arith.constant 0 : i32
        %eq3A_760 = vector.broadcast %eq3A : i32 to vector<16xi32>
        %eq3A_761 = arith.cmpi eq, %get3A_759, %eq3A_760 : vector<16xi32>
        %add3A_762 = vector.broadcast %min3A_757 : i32 to vector<16xi32>
        %add3A_763 = arith.addi %iota3A, %add3A_762 : vector<16xi32>
        %convert_element_type3A_764 = arith.extui %eq3A_761 : vector<16xi1> to vector<16xi32>
        %broadcast_in_dim3A_765 = arith.constant true
        %broadcast_in_dim3A_766 = vector.broadcast %broadcast_in_dim3A_765 : i1 to vector<16xi1>
        %masked_cumsum3A = tpu.scan <sum>, %convert_element_type3A_764 masked %broadcast_in_dim3A_766 : vector<16xi32>, vector<16xi1> -> vector<16xi32>
        %add3A_767 = vector.broadcast %scan3A_754 : i32 to vector<16xi32>
        %add3A_768 = arith.addi %add3A_767, %masked_cumsum3A : vector<16xi32>
        %sub3A_769 = arith.subi %add3A_768, %convert_element_type3A_764 : vector<16xi32>
        tpu.vector_store_idx %arg7[%sub3A_769], %add3A_763 masked %eq3A_761 : memref<216xi32, #tpu.memory_space<vmem>>[vector<16xi32>], vector<16xi32>, vector<16xi1>
        %slice3A = vector.extract_strided_slice %masked_cumsum3A {offsets = [15], sizes = [1], strides = [1]} : vector<16xi32> to vector<1xi32>
        %squeeze3A = vector.extract %slice3A[0] : i32 from vector<1xi32>
        %add3A_770 = arith.addi %scan3A_754, %squeeze3A : i32
        scf.yield %add3A_770 : i32
      }
      %scan3A_505 = arith.constant 13 : i32
      %while3A_506 = arith.constant 0 : i32
      %while3A_507 = arith.constant 0 : i32
      %while3A_508 = arith.subi %scan3A_504, %while3A_507 : i32
      %while3A_509 = arith.addi %while3A_507, %while3A_508 : i32
      %while3A_510 = arith.constant 1 : i32
      %while3A_511 = arith.divsi %while3A_508, %while3A_510 : i32
      %while3A_512 = arith.muli %while3A_511, %while3A_510 : i32
      %while3A_513 = arith.addi %while3A_507, %while3A_512 : i32
      %while3A_514 = arith.constant 1 : i32
      scf.for %while3A_753 = %while3A_507 to %while3A_513 step %while3A_514  : i32 {
        %get3A = arith.index_cast %while3A_753 : i32 to index
        %get3A_754 = tpu.vector_load %arg7[%get3A] {strides = array<i32>} : memref<216xi32, #tpu.memory_space<vmem>>, vector<16xi32>,
        %slice3A = vector.extract_strided_slice %get3A_754 {offsets = [0], sizes = [1], strides = [1]} : vector<16xi32> to vector<1xi32>
        %squeeze3A = vector.extract %slice3A[0] : i32 from vector<1xi32>
        %swap3A = arith.constant 4 : i32
        %swap3A_755 = arith.index_cast %swap3A : i32 to index
        %swap3A_756 = arith.index_cast %squeeze3A : i32 to index
        %swap3A_757 = arith.constant 0 : index
        %swap3A_758 = tpu.vector_load %arg6[%swap3A_755, %swap3A_756, %swap3A_757] {strides = array<i32>} : memref<8x200x64xf32, #tpu.memory_space<vmem>>, vector<16xf32>,
        tpu.vector_store %arg6[%swap3A_755, %swap3A_756, %swap3A_757], %broadcast_in_dim3A_147 {strides = array<i32>} : memref<8x200x64xf32, #tpu.memory_space<vmem>>, vector<16xf32>,
        %swap3A_759 = arith.constant 4 : i32
        %swap3A_760 = arith.index_cast %swap3A_759 : i32 to index
        %swap3A_761 = arith.index_cast %squeeze3A : i32 to index
        %swap3A_762 = arith.constant 16 : index
        %swap3A_763 = tpu.vector_load %arg6[%swap3A_760, %swap3A_761, %swap3A_762] {strides = array<i32>} : memref<8x200x64xf32, #tpu.memory_space<vmem>>, vector<16xf32>,
        tpu.vector_store %arg6[%swap3A_760, %swap3A_761, %swap3A_762], %broadcast_in_dim3A_147 {strides = array<i32>} : memref<8x200x64xf32, #tpu.memory_space<vmem>>, vector<16xf32>,
        %swap3A_764 = arith.constant 4 : i32
        %swap3A_765 = arith.index_cast %swap3A_764 : i32 to index
        %swap3A_766 = arith.index_cast %squeeze3A : i32 to index
        %swap3A_767 = arith.constant 32 : index
        %swap3A_768 = tpu.vector_load %arg6[%swap3A_765, %swap3A_766, %swap3A_767] {strides = array<i32>} : memref<8x200x64xf32, #tpu.memory_space<vmem>>, vector<16xf32>,
        tpu.vector_store %arg6[%swap3A_765, %swap3A_766, %swap3A_767], %broadcast_in_dim3A_147 {strides = array<i32>} : memref<8x200x64xf32, #tpu.memory_space<vmem>>, vector<16xf32>,
        %swap3A_769 = arith.constant 4 : i32
        %swap3A_770 = arith.index_cast %swap3A_769 : i32 to index
        %swap3A_771 = arith.index_cast %squeeze3A : i32 to index
        %swap3A_772 = arith.constant 48 : index
        %swap3A_773 = tpu.vector_load %arg6[%swap3A_770, %swap3A_771, %swap3A_772] {strides = array<i32>} : memref<8x200x64xf32, #tpu.memory_space<vmem>>, vector<16xf32>,
        tpu.vector_store %arg6[%swap3A_770, %swap3A_771, %swap3A_772], %broadcast_in_dim3A_147 {strides = array<i32>} : memref<8x200x64xf32, #tpu.memory_space<vmem>>, vector<16xf32>,
      }
      %while3A_515 = arith.constant 1 : i32
      scf.for %while3A_753 = %while3A_513 to %while3A_509 step %while3A_515  : i32 {
        %get3A = arith.index_cast %while3A_753 : i32 to index
        %get3A_754 = tpu.vector_load %arg7[%get3A] {strides = array<i32>} : memref<216xi32, #tpu.memory_space<vmem>>, vector<16xi32>,
        %slice3A = vector.extract_strided_slice %get3A_754 {offsets = [0], sizes = [1], strides = [1]} : vector<16xi32> to vector<1xi32>
        %squeeze3A = vector.extract %slice3A[0] : i32 from vector<1xi32>
        %swap3A = arith.constant 4 : i32
        %swap3A_755 = arith.index_cast %swap3A : i32 to index
        %swap3A_756 = arith.index_cast %squeeze3A : i32 to index
        %swap3A_757 = arith.constant 0 : index
        %swap3A_758 = tpu.vector_load %arg6[%swap3A_755, %swap3A_756, %swap3A_757] {strides = array<i32>} : memref<8x200x64xf32, #tpu.memory_space<vmem>>, vector<16xf32>,
        tpu.vector_store %arg6[%swap3A_755, %swap3A_756, %swap3A_757], %broadcast_in_dim3A_147 {strides = array<i32>} : memref<8x200x64xf32, #tpu.memory_space<vmem>>, vector<16xf32>,
        %swap3A_759 = arith.constant 4 : i32
        %swap3A_760 = arith.index_cast %swap3A_759 : i32 to index
        %swap3A_761 = arith.index_cast %squeeze3A : i32 to index
        %swap3A_762 = arith.constant 16 : index
        %swap3A_763 = tpu.vector_load %arg6[%swap3A_760, %swap3A_761, %swap3A_762] {strides = array<i32>} : memref<8x200x64xf32, #tpu.memory_space<vmem>>, vector<16xf32>,
        tpu.vector_store %arg6[%swap3A_760, %swap3A_761, %swap3A_762], %broadcast_in_dim3A_147 {strides = array<i32>} : memref<8x200x64xf32, #tpu.memory_space<vmem>>, vector<16xf32>,
        %swap3A_764 = arith.constant 4 : i32
        %swap3A_765 = arith.index_cast %swap3A_764 : i32 to index
        %swap3A_766 = arith.index_cast %squeeze3A : i32 to index
        %swap3A_767 = arith.constant 32 : index
        %swap3A_768 = tpu.vector_load %arg6[%swap3A_765, %swap3A_766, %swap3A_767] {strides = array<i32>} : memref<8x200x64xf32, #tpu.memory_space<vmem>>, vector<16xf32>,
        tpu.vector_store %arg6[%swap3A_765, %swap3A_766, %swap3A_767], %broadcast_in_dim3A_147 {strides = array<i32>} : memref<8x200x64xf32, #tpu.memory_space<vmem>>, vector<16xf32>,
        %swap3A_769 = arith.constant 4 : i32
        %swap3A_770 = arith.index_cast %swap3A_769 : i32 to index
        %swap3A_771 = arith.index_cast %squeeze3A : i32 to index
        %swap3A_772 = arith.constant 48 : index
        %swap3A_773 = tpu.vector_load %arg6[%swap3A_770, %swap3A_771, %swap3A_772] {strides = array<i32>} : memref<8x200x64xf32, #tpu.memory_space<vmem>>, vector<16xf32>,
        tpu.vector_store %arg6[%swap3A_770, %swap3A_771, %swap3A_772], %broadcast_in_dim3A_147 {strides = array<i32>} : memref<8x200x64xf32, #tpu.memory_space<vmem>>, vector<16xf32>,
      }
      %add3A_516 = arith.addi %mul3A_4, %add3A_462 : i32
      %dma_start3A_517 = arith.constant 4 : i32
      %dma_start3A_518 = arith.constant 0 : i32
      %dma_start3A_519 = arith.constant 0 : i32
      %dma_start3A_520 = tpu.memref_slice %arg6[%dma_start3A_517, %dma_start3A_518, %dma_start3A_519] : memref<8x200x64xf32, #tpu.memory_space<vmem>> -> memref<1x200x64xf32, #tpu.memory_space<vmem>>
      %dma_start3A_521 = tpu.memref_squeeze %dma_start3A_520 : memref<1x200x64xf32, #tpu.memory_space<vmem>> -> memref<200x64xf32, #tpu.memory_space<vmem>>
      %dma_start3A_522 = arith.constant 0 : i32
      %dma_start3A_523 = arith.constant 0 : i32
      %dma_start3A_524 = tpu.memref_slice %arg4[%add3A_516, %dma_start3A_522, %dma_start3A_523] : memref<4096x200x64xf32, #tpu.memory_space<hbm>> -> memref<1x200x64xf32, #tpu.memory_space<hbm>>
      %dma_start3A_525 = tpu.memref_squeeze %dma_start3A_524 : memref<1x200x64xf32, #tpu.memory_space<hbm>> -> memref<200x64xf32, #tpu.memory_space<hbm>>
      %dma_start3A_526 = arith.constant 0 : i32
      %dma_start3A_527 = arith.constant 0 : i32
      %dma_start3A_528 = tpu.memref_slice %arg4[%add3A_516, %dma_start3A_526, %dma_start3A_527] : memref<4096x200x64xf32, #tpu.memory_space<hbm>> -> memref<1x200x64xf32, #tpu.memory_space<hbm>>
      %dma_start3A_529 = tpu.memref_squeeze %dma_start3A_528 : memref<1x200x64xf32, #tpu.memory_space<hbm>> -> memref<200x64xf32, #tpu.memory_space<hbm>>
      %dma_start3A_530 = arith.constant 0 : i32
      %dma_start3A_531 = arith.constant 0 : i32
      %dma_start3A_532 = tpu.memref_slice %arg6[%dma_start3A_517, %dma_start3A_530, %dma_start3A_531] : memref<8x200x64xf32, #tpu.memory_space<vmem>> -> memref<1x200x64xf32, #tpu.memory_space<vmem>>
      %dma_start3A_533 = tpu.memref_squeeze %dma_start3A_532 : memref<1x200x64xf32, #tpu.memory_space<vmem>> -> memref<200x64xf32, #tpu.memory_space<vmem>>
      tpu.enqueue_dma source(%dma_start3A_533 : memref<200x64xf32, #tpu.memory_space<vmem>>) target(%dma_start3A_529 : memref<200x64xf32, #tpu.memory_space<hbm>>) target_semaphore(%arg20 : memref<!tpu.dma_semaphore, #tpu.memory_space<semaphore_mem>>)
      %add3A_534 = arith.constant 5 : i32
      %add3A_535 = arith.addi %mul3A_174, %add3A_534 : i32
      %dma_wait3A_536 = arith.constant 5 : i32
      %dma_wait3A_537 = arith.constant 0 : i32
      %dma_wait3A_538 = arith.constant 0 : i32
      %dma_wait3A_539 = tpu.memref_slice %arg6[%dma_wait3A_536, %dma_wait3A_537, %dma_wait3A_538] : memref<8x200x64xf32, #tpu.memory_space<vmem>> -> memref<1x128x64xf32, #tpu.memory_space<vmem>>
      %dma_wait3A_540 = tpu.memref_squeeze %dma_wait3A_539 : memref<1x128x64xf32, #tpu.memory_space<vmem>> -> memref<128x64xf32, #tpu.memory_space<vmem>>
      %dma_wait3A_541 = arith.constant 0 : i32
      %dma_wait3A_542 = tpu.memref_slice %arg5[%dma_wait3A_541] : memref<25600xi32, #tpu.memory_space<vmem>> -> memref<128xi32, #tpu.memory_space<vmem>>
      %dma_wait3A_543 = arith.constant 0 : i32
      %dma_wait3A_544 = arith.constant 0 : i32
      %dma_wait3A_545 = tpu.memref_slice %arg2[%dma_wait3A_543, %dma_wait3A_544] : memref<1000000x64xf32, #tpu.memory_space<hbm>> -> memref<1000000x64xf32, #tpu.memory_space<hbm>>
      tpu.wait_indirect_dma semaphore(%arg13 : memref<!tpu.dma_semaphore, #tpu.memory_space<semaphore_mem>>) src(%dma_wait3A_545 : memref<1000000x64xf32, #tpu.memory_space<hbm>>) dst(%dma_wait3A_540 : memref<128x64xf32, #tpu.memory_space<vmem>>)
      %dma_wait3A_546 = arith.constant 5 : i32
      %dma_wait3A_547 = arith.constant 128 : i32
      %dma_wait3A_548 = arith.constant 0 : i32
      %dma_wait3A_549 = tpu.memref_slice %arg6[%dma_wait3A_546, %dma_wait3A_547, %dma_wait3A_548] : memref<8x200x64xf32, #tpu.memory_space<vmem>> -> memref<1x72x64xf32, #tpu.memory_space<vmem>>
      %dma_wait3A_550 = tpu.memref_squeeze %dma_wait3A_549 : memref<1x72x64xf32, #tpu.memory_space<vmem>> -> memref<72x64xf32, #tpu.memory_space<vmem>>
      %dma_wait3A_551 = arith.constant 128 : i32
      %dma_wait3A_552 = tpu.memref_slice %arg5[%dma_wait3A_551] : memref<25600xi32, #tpu.memory_space<vmem>> -> memref<72xi32, #tpu.memory_space<vmem>>
      %dma_wait3A_553 = arith.constant 0 : i32
      %dma_wait3A_554 = arith.constant 0 : i32
      %dma_wait3A_555 = tpu.memref_slice %arg2[%dma_wait3A_553, %dma_wait3A_554] : memref<1000000x64xf32, #tpu.memory_space<hbm>> -> memref<1000000x64xf32, #tpu.memory_space<hbm>>
      tpu.wait_indirect_dma semaphore(%arg13 : memref<!tpu.dma_semaphore, #tpu.memory_space<semaphore_mem>>) src(%dma_wait3A_555 : memref<1000000x64xf32, #tpu.memory_space<hbm>>) dst(%dma_wait3A_550 : memref<72x64xf32, #tpu.memory_space<vmem>>)
      %ge3A_556 = arith.constant 1 : i32
      %ge3A_557 = arith.cmpi sge, %add3A_535, %ge3A_556 : i32
      %convert_element_type3A_558 = arith.extui %ge3A_557 : i1 to i32
      %cond3A_559 = arith.constant 0 : i32
      %cond3A_560 = arith.cmpi ne, %convert_element_type3A_558, %cond3A_559 : i32
      scf.if %cond3A_560 {
        %sub3A_753 = arith.constant 1 : i32
        %sub3A_754 = arith.subi %add3A_535, %sub3A_753 : i32
        %add3A_755 = arith.addi %mul3A_4, %sub3A_754 : i32
        %dma_wait3A_756 = arith.constant 4 : i32
        %dma_wait3A_757 = arith.constant 0 : i32
        %dma_wait3A_758 = arith.constant 0 : i32
        %dma_wait3A_759 = tpu.memref_slice %arg6[%dma_wait3A_756, %dma_wait3A_757, %dma_wait3A_758] : memref<8x200x64xf32, #tpu.memory_space<vmem>> -> memref<1x200x64xf32, #tpu.memory_space<vmem>>
        %dma_wait3A_760 = tpu.memref_squeeze %dma_wait3A_759 : memref<1x200x64xf32, #tpu.memory_space<vmem>> -> memref<200x64xf32, #tpu.memory_space<vmem>>
        %dma_wait3A_761 = arith.constant 0 : i32
        %dma_wait3A_762 = arith.constant 0 : i32
        %dma_wait3A_763 = tpu.memref_slice %arg4[%add3A_755, %dma_wait3A_761, %dma_wait3A_762] : memref<4096x200x64xf32, #tpu.memory_space<hbm>> -> memref<1x200x64xf32, #tpu.memory_space<hbm>>
        %dma_wait3A_764 = tpu.memref_squeeze %dma_wait3A_763 : memref<1x200x64xf32, #tpu.memory_space<hbm>> -> memref<200x64xf32, #tpu.memory_space<hbm>>
        %dma_wait3A_765 = arith.constant 0 : i32
        %dma_wait3A_766 = arith.constant 0 : i32
        %dma_wait3A_767 = tpu.memref_slice %arg4[%add3A_755, %dma_wait3A_765, %dma_wait3A_766] : memref<4096x200x64xf32, #tpu.memory_space<hbm>> -> memref<1x200x64xf32, #tpu.memory_space<hbm>>
        %dma_wait3A_768 = tpu.memref_squeeze %dma_wait3A_767 : memref<1x200x64xf32, #tpu.memory_space<hbm>> -> memref<200x64xf32, #tpu.memory_space<hbm>>
        %dma_wait3A_769 = arith.constant 0 : i32
        %dma_wait3A_770 = arith.constant 0 : i32
        %dma_wait3A_771 = tpu.memref_slice %arg6[%dma_wait3A_756, %dma_wait3A_769, %dma_wait3A_770] : memref<8x200x64xf32, #tpu.memory_space<vmem>> -> memref<1x200x64xf32, #tpu.memory_space<vmem>>
        %dma_wait3A_772 = tpu.memref_squeeze %dma_wait3A_771 : memref<1x200x64xf32, #tpu.memory_space<vmem>> -> memref<200x64xf32, #tpu.memory_space<vmem>>
        tpu.wait_dma2 semaphore(%arg20 : memref<!tpu.dma_semaphore, #tpu.memory_space<semaphore_mem>>) src(%dma_wait3A_772 : memref<200x64xf32, #tpu.memory_space<vmem>>) dst(%dma_wait3A_768 : memref<200x64xf32, #tpu.memory_space<hbm>>)
      } else {
      }
      %add3A_561 = arith.constant 8 : i32
      %add3A_562 = arith.addi %add3A_535, %add3A_561 : i32
      %sub3A_563 = arith.constant 1 : i32
      %sub3A_564 = arith.subi %add3A_562, %sub3A_563 : i32
      %lt3A_565 = arith.constant 128 : i32
      %lt3A_566 = arith.cmpi slt, %sub3A_564, %lt3A_565 : i32
      %convert_element_type3A_567 = arith.extui %lt3A_566 : i1 to i32
      %cond3A_568 = arith.constant 0 : i32
      %cond3A_569 = arith.cmpi ne, %convert_element_type3A_567, %cond3A_568 : i32
      scf.if %cond3A_569 {
        %add3A_753 = arith.constant 8 : i32
        %add3A_754 = arith.addi %add3A_535, %add3A_753 : i32
        %sub3A_755 = arith.constant 1 : i32
        %sub3A_756 = arith.subi %add3A_754, %sub3A_755 : i32
        %mul3A_757 = arith.constant 200 : i32
        %mul3A_758 = arith.muli %sub3A_756, %mul3A_757 : i32
        %add3A_759 = arith.constant 0 : i32
        %add3A_760 = arith.addi %mul3A_758, %add3A_759 : i32
        %dma_start3A_761 = arith.constant 4 : i32
        %dma_start3A_762 = arith.constant 0 : i32
        %dma_start3A_763 = arith.constant 0 : i32
        %dma_start3A_764 = tpu.memref_slice %arg6[%dma_start3A_761, %dma_start3A_762, %dma_start3A_763] : memref<8x200x64xf32, #tpu.memory_space<vmem>> -> memref<1x128x64xf32, #tpu.memory_space<vmem>>
        %dma_start3A_765 = tpu.memref_squeeze %dma_start3A_764 : memref<1x128x64xf32, #tpu.memory_space<vmem>> -> memref<128x64xf32, #tpu.memory_space<vmem>>
        %dma_start3A_766 = tpu.memref_slice %arg5[%add3A_760] : memref<25600xi32, #tpu.memory_space<vmem>> -> memref<128xi32, #tpu.memory_space<vmem>>
        %dma_start3A_767 = arith.constant 0 : i32
        %dma_start3A_768 = arith.constant 0 : i32
        %dma_start3A_769 = tpu.memref_slice %arg2[%dma_start3A_767, %dma_start3A_768] : memref<1000000x64xf32, #tpu.memory_space<hbm>> -> memref<1000000x64xf32, #tpu.memory_space<hbm>>
        tpu.enqueue_indirect_dma source(%dma_start3A_769 : memref<1000000x64xf32, #tpu.memory_space<hbm>>) target(%dma_start3A_765 : memref<128x64xf32, #tpu.memory_space<vmem>>) offsets(%dma_start3A_766 : memref<128xi32, #tpu.memory_space<vmem>>) semaphore(%arg12 : memref<!tpu.dma_semaphore, #tpu.memory_space<semaphore_mem>>)
        %add3A_770 = arith.constant 128 : i32
        %add3A_771 = arith.addi %mul3A_758, %add3A_770 : i32
        %dma_start3A_772 = arith.constant 4 : i32
        %dma_start3A_773 = arith.constant 128 : i32
        %dma_start3A_774 = arith.constant 0 : i32
        %dma_start3A_775 = tpu.memref_slice %arg6[%dma_start3A_772, %dma_start3A_773, %dma_start3A_774] : memref<8x200x64xf32, #tpu.memory_space<vmem>> -> memref<1x72x64xf32, #tpu.memory_space<vmem>>
        %dma_start3A_776 = tpu.memref_squeeze %dma_start3A_775 : memref<1x72x64xf32, #tpu.memory_space<vmem>> -> memref<72x64xf32, #tpu.memory_space<vmem>>
        %dma_start3A_777 = tpu.memref_slice %arg5[%add3A_771] : memref<25600xi32, #tpu.memory_space<vmem>> -> memref<72xi32, #tpu.memory_space<vmem>>
        %dma_start3A_778 = arith.constant 0 : i32
        %dma_start3A_779 = arith.constant 0 : i32
        %dma_start3A_780 = tpu.memref_slice %arg2[%dma_start3A_778, %dma_start3A_779] : memref<1000000x64xf32, #tpu.memory_space<hbm>> -> memref<1000000x64xf32, #tpu.memory_space<hbm>>
        tpu.enqueue_indirect_dma source(%dma_start3A_780 : memref<1000000x64xf32, #tpu.memory_space<hbm>>) target(%dma_start3A_776 : memref<72x64xf32, #tpu.memory_space<vmem>>) offsets(%dma_start3A_777 : memref<72xi32, #tpu.memory_space<vmem>>) semaphore(%arg12 : memref<!tpu.dma_semaphore, #tpu.memory_space<semaphore_mem>>)
      } else {
      }
      %mul3A_570 = arith.constant 200 : i32
      %mul3A_571 = arith.muli %add3A_535, %mul3A_570 : i32
      %scan3A_572 = arith.constant 0 : i32
      %scan3A_573 = arith.constant 0 : i32
      %scan3A_574 = arith.constant 13 : i32
      %scan3A_575 = arith.addi %scan3A_573, %scan3A_574 : i32
      %scan3A_576 = arith.constant 1 : i32
      %scan3A_577 = scf.for %scan3A_753 = %scan3A_573 to %scan3A_575 step %scan3A_576 iter_args(%scan3A_754 = %scan3A_572) -> (i32)  : i32 {
        %mul3A_755 = arith.constant 16 : i32
        %mul3A_756 = arith.muli %scan3A_753, %mul3A_755 : i32
        %min3A = arith.constant 184 : i32
        %min3A_757 = arith.minsi %mul3A_756, %min3A : i32
        %add3A_758 = arith.addi %mul3A_571, %min3A_757 : i32
        %get3A = arith.index_cast %add3A_758 : i32 to index
        %get3A_759 = tpu.vector_load %arg5[%get3A] {strides = array<i32>} : memref<25600xi32, #tpu.memory_space<vmem>>, vector<16xi32>,
        %eq3A = arith.constant 0 : i32
        %eq3A_760 = vector.broadcast %eq3A : i32 to vector<16xi32>
        %eq3A_761 = arith.cmpi eq, %get3A_759, %eq3A_760 : vector<16xi32>
        %add3A_762 = vector.broadcast %min3A_757 : i32 to vector<16xi32>
        %add3A_763 = arith.addi %iota3A, %add3A_762 : vector<16xi32>
        %convert_element_type3A_764 = arith.extui %eq3A_761 : vector<16xi1> to vector<16xi32>
        %broadcast_in_dim3A_765 = arith.constant true
        %broadcast_in_dim3A_766 = vector.broadcast %broadcast_in_dim3A_765 : i1 to vector<16xi1>
        %masked_cumsum3A = tpu.scan <sum>, %convert_element_type3A_764 masked %broadcast_in_dim3A_766 : vector<16xi32>, vector<16xi1> -> vector<16xi32>
        %add3A_767 = vector.broadcast %scan3A_754 : i32 to vector<16xi32>
        %add3A_768 = arith.addi %add3A_767, %masked_cumsum3A : vector<16xi32>
        %sub3A_769 = arith.subi %add3A_768, %convert_element_type3A_764 : vector<16xi32>
        tpu.vector_store_idx %arg7[%sub3A_769], %add3A_763 masked %eq3A_761 : memref<216xi32, #tpu.memory_space<vmem>>[vector<16xi32>], vector<16xi32>, vector<16xi1>
        %slice3A = vector.extract_strided_slice %masked_cumsum3A {offsets = [15], sizes = [1], strides = [1]} : vector<16xi32> to vector<1xi32>
        %squeeze3A = vector.extract %slice3A[0] : i32 from vector<1xi32>
        %add3A_770 = arith.addi %scan3A_754, %squeeze3A : i32
        scf.yield %add3A_770 : i32
      }
      %scan3A_578 = arith.constant 13 : i32
      %while3A_579 = arith.constant 0 : i32
      %while3A_580 = arith.constant 0 : i32
      %while3A_581 = arith.subi %scan3A_577, %while3A_580 : i32
      %while3A_582 = arith.addi %while3A_580, %while3A_581 : i32
      %while3A_583 = arith.constant 1 : i32
      %while3A_584 = arith.divsi %while3A_581, %while3A_583 : i32
      %while3A_585 = arith.muli %while3A_584, %while3A_583 : i32
      %while3A_586 = arith.addi %while3A_580, %while3A_585 : i32
      %while3A_587 = arith.constant 1 : i32
      scf.for %while3A_753 = %while3A_580 to %while3A_586 step %while3A_587  : i32 {
        %get3A = arith.index_cast %while3A_753 : i32 to index
        %get3A_754 = tpu.vector_load %arg7[%get3A] {strides = array<i32>} : memref<216xi32, #tpu.memory_space<vmem>>, vector<16xi32>,
        %slice3A = vector.extract_strided_slice %get3A_754 {offsets = [0], sizes = [1], strides = [1]} : vector<16xi32> to vector<1xi32>
        %squeeze3A = vector.extract %slice3A[0] : i32 from vector<1xi32>
        %swap3A = arith.constant 5 : i32
        %swap3A_755 = arith.index_cast %swap3A : i32 to index
        %swap3A_756 = arith.index_cast %squeeze3A : i32 to index
        %swap3A_757 = arith.constant 0 : index
        %swap3A_758 = tpu.vector_load %arg6[%swap3A_755, %swap3A_756, %swap3A_757] {strides = array<i32>} : memref<8x200x64xf32, #tpu.memory_space<vmem>>, vector<16xf32>,
        tpu.vector_store %arg6[%swap3A_755, %swap3A_756, %swap3A_757], %broadcast_in_dim3A_147 {strides = array<i32>} : memref<8x200x64xf32, #tpu.memory_space<vmem>>, vector<16xf32>,
        %swap3A_759 = arith.constant 5 : i32
        %swap3A_760 = arith.index_cast %swap3A_759 : i32 to index
        %swap3A_761 = arith.index_cast %squeeze3A : i32 to index
        %swap3A_762 = arith.constant 16 : index
        %swap3A_763 = tpu.vector_load %arg6[%swap3A_760, %swap3A_761, %swap3A_762] {strides = array<i32>} : memref<8x200x64xf32, #tpu.memory_space<vmem>>, vector<16xf32>,
        tpu.vector_store %arg6[%swap3A_760, %swap3A_761, %swap3A_762], %broadcast_in_dim3A_147 {strides = array<i32>} : memref<8x200x64xf32, #tpu.memory_space<vmem>>, vector<16xf32>,
        %swap3A_764 = arith.constant 5 : i32
        %swap3A_765 = arith.index_cast %swap3A_764 : i32 to index
        %swap3A_766 = arith.index_cast %squeeze3A : i32 to index
        %swap3A_767 = arith.constant 32 : index
        %swap3A_768 = tpu.vector_load %arg6[%swap3A_765, %swap3A_766, %swap3A_767] {strides = array<i32>} : memref<8x200x64xf32, #tpu.memory_space<vmem>>, vector<16xf32>,
        tpu.vector_store %arg6[%swap3A_765, %swap3A_766, %swap3A_767], %broadcast_in_dim3A_147 {strides = array<i32>} : memref<8x200x64xf32, #tpu.memory_space<vmem>>, vector<16xf32>,
        %swap3A_769 = arith.constant 5 : i32
        %swap3A_770 = arith.index_cast %swap3A_769 : i32 to index
        %swap3A_771 = arith.index_cast %squeeze3A : i32 to index
        %swap3A_772 = arith.constant 48 : index
        %swap3A_773 = tpu.vector_load %arg6[%swap3A_770, %swap3A_771, %swap3A_772] {strides = array<i32>} : memref<8x200x64xf32, #tpu.memory_space<vmem>>, vector<16xf32>,
        tpu.vector_store %arg6[%swap3A_770, %swap3A_771, %swap3A_772], %broadcast_in_dim3A_147 {strides = array<i32>} : memref<8x200x64xf32, #tpu.memory_space<vmem>>, vector<16xf32>,
      }
      %while3A_588 = arith.constant 1 : i32
      scf.for %while3A_753 = %while3A_586 to %while3A_582 step %while3A_588  : i32 {
        %get3A = arith.index_cast %while3A_753 : i32 to index
        %get3A_754 = tpu.vector_load %arg7[%get3A] {strides = array<i32>} : memref<216xi32, #tpu.memory_space<vmem>>, vector<16xi32>,
        %slice3A = vector.extract_strided_slice %get3A_754 {offsets = [0], sizes = [1], strides = [1]} : vector<16xi32> to vector<1xi32>
        %squeeze3A = vector.extract %slice3A[0] : i32 from vector<1xi32>
        %swap3A = arith.constant 5 : i32
        %swap3A_755 = arith.index_cast %swap3A : i32 to index
        %swap3A_756 = arith.index_cast %squeeze3A : i32 to index
        %swap3A_757 = arith.constant 0 : index
        %swap3A_758 = tpu.vector_load %arg6[%swap3A_755, %swap3A_756, %swap3A_757] {strides = array<i32>} : memref<8x200x64xf32, #tpu.memory_space<vmem>>, vector<16xf32>,
        tpu.vector_store %arg6[%swap3A_755, %swap3A_756, %swap3A_757], %broadcast_in_dim3A_147 {strides = array<i32>} : memref<8x200x64xf32, #tpu.memory_space<vmem>>, vector<16xf32>,
        %swap3A_759 = arith.constant 5 : i32
        %swap3A_760 = arith.index_cast %swap3A_759 : i32 to index
        %swap3A_761 = arith.index_cast %squeeze3A : i32 to index
        %swap3A_762 = arith.constant 16 : index
        %swap3A_763 = tpu.vector_load %arg6[%swap3A_760, %swap3A_761, %swap3A_762] {strides = array<i32>} : memref<8x200x64xf32, #tpu.memory_space<vmem>>, vector<16xf32>,
        tpu.vector_store %arg6[%swap3A_760, %swap3A_761, %swap3A_762], %broadcast_in_dim3A_147 {strides = array<i32>} : memref<8x200x64xf32, #tpu.memory_space<vmem>>, vector<16xf32>,
        %swap3A_764 = arith.constant 5 : i32
        %swap3A_765 = arith.index_cast %swap3A_764 : i32 to index
        %swap3A_766 = arith.index_cast %squeeze3A : i32 to index
        %swap3A_767 = arith.constant 32 : index
        %swap3A_768 = tpu.vector_load %arg6[%swap3A_765, %swap3A_766, %swap3A_767] {strides = array<i32>} : memref<8x200x64xf32, #tpu.memory_space<vmem>>, vector<16xf32>,
        tpu.vector_store %arg6[%swap3A_765, %swap3A_766, %swap3A_767], %broadcast_in_dim3A_147 {strides = array<i32>} : memref<8x200x64xf32, #tpu.memory_space<vmem>>, vector<16xf32>,
        %swap3A_769 = arith.constant 5 : i32
        %swap3A_770 = arith.index_cast %swap3A_769 : i32 to index
        %swap3A_771 = arith.index_cast %squeeze3A : i32 to index
        %swap3A_772 = arith.constant 48 : index
        %swap3A_773 = tpu.vector_load %arg6[%swap3A_770, %swap3A_771, %swap3A_772] {strides = array<i32>} : memref<8x200x64xf32, #tpu.memory_space<vmem>>, vector<16xf32>,
        tpu.vector_store %arg6[%swap3A_770, %swap3A_771, %swap3A_772], %broadcast_in_dim3A_147 {strides = array<i32>} : memref<8x200x64xf32, #tpu.memory_space<vmem>>, vector<16xf32>,
      }
      %add3A_589 = arith.addi %mul3A_4, %add3A_535 : i32
      %dma_start3A_590 = arith.constant 5 : i32
      %dma_start3A_591 = arith.constant 0 : i32
      %dma_start3A_592 = arith.constant 0 : i32
      %dma_start3A_593 = tpu.memref_slice %arg6[%dma_start3A_590, %dma_start3A_591, %dma_start3A_592] : memref<8x200x64xf32, #tpu.memory_space<vmem>> -> memref<1x200x64xf32, #tpu.memory_space<vmem>>
      %dma_start3A_594 = tpu.memref_squeeze %dma_start3A_593 : memref<1x200x64xf32, #tpu.memory_space<vmem>> -> memref<200x64xf32, #tpu.memory_space<vmem>>
      %dma_start3A_595 = arith.constant 0 : i32
      %dma_start3A_596 = arith.constant 0 : i32
      %dma_start3A_597 = tpu.memref_slice %arg4[%add3A_589, %dma_start3A_595, %dma_start3A_596] : memref<4096x200x64xf32, #tpu.memory_space<hbm>> -> memref<1x200x64xf32, #tpu.memory_space<hbm>>
      %dma_start3A_598 = tpu.memref_squeeze %dma_start3A_597 : memref<1x200x64xf32, #tpu.memory_space<hbm>> -> memref<200x64xf32, #tpu.memory_space<hbm>>
      %dma_start3A_599 = arith.constant 0 : i32
      %dma_start3A_600 = arith.constant 0 : i32
      %dma_start3A_601 = tpu.memref_slice %arg4[%add3A_589, %dma_start3A_599, %dma_start3A_600] : memref<4096x200x64xf32, #tpu.memory_space<hbm>> -> memref<1x200x64xf32, #tpu.memory_space<hbm>>
      %dma_start3A_602 = tpu.memref_squeeze %dma_start3A_601 : memref<1x200x64xf32, #tpu.memory_space<hbm>> -> memref<200x64xf32, #tpu.memory_space<hbm>>
      %dma_start3A_603 = arith.constant 0 : i32
      %dma_start3A_604 = arith.constant 0 : i32
      %dma_start3A_605 = tpu.memref_slice %arg6[%dma_start3A_590, %dma_start3A_603, %dma_start3A_604] : memref<8x200x64xf32, #tpu.memory_space<vmem>> -> memref<1x200x64xf32, #tpu.memory_space<vmem>>
      %dma_start3A_606 = tpu.memref_squeeze %dma_start3A_605 : memref<1x200x64xf32, #tpu.memory_space<vmem>> -> memref<200x64xf32, #tpu.memory_space<vmem>>
      tpu.enqueue_dma source(%dma_start3A_606 : memref<200x64xf32, #tpu.memory_space<vmem>>) target(%dma_start3A_602 : memref<200x64xf32, #tpu.memory_space<hbm>>) target_semaphore(%arg21 : memref<!tpu.dma_semaphore, #tpu.memory_space<semaphore_mem>>)
      %add3A_607 = arith.constant 6 : i32
      %add3A_608 = arith.addi %mul3A_174, %add3A_607 : i32
      %dma_wait3A_609 = arith.constant 6 : i32
      %dma_wait3A_610 = arith.constant 0 : i32
      %dma_wait3A_611 = arith.constant 0 : i32
      %dma_wait3A_612 = tpu.memref_slice %arg6[%dma_wait3A_609, %dma_wait3A_610, %dma_wait3A_611] : memref<8x200x64xf32, #tpu.memory_space<vmem>> -> memref<1x128x64xf32, #tpu.memory_space<vmem>>
      %dma_wait3A_613 = tpu.memref_squeeze %dma_wait3A_612 : memref<1x128x64xf32, #tpu.memory_space<vmem>> -> memref<128x64xf32, #tpu.memory_space<vmem>>
      %dma_wait3A_614 = arith.constant 0 : i32
      %dma_wait3A_615 = tpu.memref_slice %arg5[%dma_wait3A_614] : memref<25600xi32, #tpu.memory_space<vmem>> -> memref<128xi32, #tpu.memory_space<vmem>>
      %dma_wait3A_616 = arith.constant 0 : i32
      %dma_wait3A_617 = arith.constant 0 : i32
      %dma_wait3A_618 = tpu.memref_slice %arg2[%dma_wait3A_616, %dma_wait3A_617] : memref<1000000x64xf32, #tpu.memory_space<hbm>> -> memref<1000000x64xf32, #tpu.memory_space<hbm>>
      tpu.wait_indirect_dma semaphore(%arg14 : memref<!tpu.dma_semaphore, #tpu.memory_space<semaphore_mem>>) src(%dma_wait3A_618 : memref<1000000x64xf32, #tpu.memory_space<hbm>>) dst(%dma_wait3A_613 : memref<128x64xf32, #tpu.memory_space<vmem>>)
      %dma_wait3A_619 = arith.constant 6 : i32
      %dma_wait3A_620 = arith.constant 128 : i32
      %dma_wait3A_621 = arith.constant 0 : i32
      %dma_wait3A_622 = tpu.memref_slice %arg6[%dma_wait3A_619, %dma_wait3A_620, %dma_wait3A_621] : memref<8x200x64xf32, #tpu.memory_space<vmem>> -> memref<1x72x64xf32, #tpu.memory_space<vmem>>
      %dma_wait3A_623 = tpu.memref_squeeze %dma_wait3A_622 : memref<1x72x64xf32, #tpu.memory_space<vmem>> -> memref<72x64xf32, #tpu.memory_space<vmem>>
      %dma_wait3A_624 = arith.constant 128 : i32
      %dma_wait3A_625 = tpu.memref_slice %arg5[%dma_wait3A_624] : memref<25600xi32, #tpu.memory_space<vmem>> -> memref<72xi32, #tpu.memory_space<vmem>>
      %dma_wait3A_626 = arith.constant 0 : i32
      %dma_wait3A_627 = arith.constant 0 : i32
      %dma_wait3A_628 = tpu.memref_slice %arg2[%dma_wait3A_626, %dma_wait3A_627] : memref<1000000x64xf32, #tpu.memory_space<hbm>> -> memref<1000000x64xf32, #tpu.memory_space<hbm>>
      tpu.wait_indirect_dma semaphore(%arg14 : memref<!tpu.dma_semaphore, #tpu.memory_space<semaphore_mem>>) src(%dma_wait3A_628 : memref<1000000x64xf32, #tpu.memory_space<hbm>>) dst(%dma_wait3A_623 : memref<72x64xf32, #tpu.memory_space<vmem>>)
      %ge3A_629 = arith.constant 1 : i32
      %ge3A_630 = arith.cmpi sge, %add3A_608, %ge3A_629 : i32
      %convert_element_type3A_631 = arith.extui %ge3A_630 : i1 to i32
      %cond3A_632 = arith.constant 0 : i32
      %cond3A_633 = arith.cmpi ne, %convert_element_type3A_631, %cond3A_632 : i32
      scf.if %cond3A_633 {
        %sub3A_753 = arith.constant 1 : i32
        %sub3A_754 = arith.subi %add3A_608, %sub3A_753 : i32
        %add3A_755 = arith.addi %mul3A_4, %sub3A_754 : i32
        %dma_wait3A_756 = arith.constant 5 : i32
        %dma_wait3A_757 = arith.constant 0 : i32
        %dma_wait3A_758 = arith.constant 0 : i32
        %dma_wait3A_759 = tpu.memref_slice %arg6[%dma_wait3A_756, %dma_wait3A_757, %dma_wait3A_758] : memref<8x200x64xf32, #tpu.memory_space<vmem>> -> memref<1x200x64xf32, #tpu.memory_space<vmem>>
        %dma_wait3A_760 = tpu.memref_squeeze %dma_wait3A_759 : memref<1x200x64xf32, #tpu.memory_space<vmem>> -> memref<200x64xf32, #tpu.memory_space<vmem>>
        %dma_wait3A_761 = arith.constant 0 : i32
        %dma_wait3A_762 = arith.constant 0 : i32
        %dma_wait3A_763 = tpu.memref_slice %arg4[%add3A_755, %dma_wait3A_761, %dma_wait3A_762] : memref<4096x200x64xf32, #tpu.memory_space<hbm>> -> memref<1x200x64xf32, #tpu.memory_space<hbm>>
        %dma_wait3A_764 = tpu.memref_squeeze %dma_wait3A_763 : memref<1x200x64xf32, #tpu.memory_space<hbm>> -> memref<200x64xf32, #tpu.memory_space<hbm>>
        %dma_wait3A_765 = arith.constant 0 : i32
        %dma_wait3A_766 = arith.constant 0 : i32
        %dma_wait3A_767 = tpu.memref_slice %arg4[%add3A_755, %dma_wait3A_765, %dma_wait3A_766] : memref<4096x200x64xf32, #tpu.memory_space<hbm>> -> memref<1x200x64xf32, #tpu.memory_space<hbm>>
        %dma_wait3A_768 = tpu.memref_squeeze %dma_wait3A_767 : memref<1x200x64xf32, #tpu.memory_space<hbm>> -> memref<200x64xf32, #tpu.memory_space<hbm>>
        %dma_wait3A_769 = arith.constant 0 : i32
        %dma_wait3A_770 = arith.constant 0 : i32
        %dma_wait3A_771 = tpu.memref_slice %arg6[%dma_wait3A_756, %dma_wait3A_769, %dma_wait3A_770] : memref<8x200x64xf32, #tpu.memory_space<vmem>> -> memref<1x200x64xf32, #tpu.memory_space<vmem>>
        %dma_wait3A_772 = tpu.memref_squeeze %dma_wait3A_771 : memref<1x200x64xf32, #tpu.memory_space<vmem>> -> memref<200x64xf32, #tpu.memory_space<vmem>>
        tpu.wait_dma2 semaphore(%arg21 : memref<!tpu.dma_semaphore, #tpu.memory_space<semaphore_mem>>) src(%dma_wait3A_772 : memref<200x64xf32, #tpu.memory_space<vmem>>) dst(%dma_wait3A_768 : memref<200x64xf32, #tpu.memory_space<hbm>>)
      } else {
      }
      %add3A_634 = arith.constant 8 : i32
      %add3A_635 = arith.addi %add3A_608, %add3A_634 : i32
      %sub3A_636 = arith.constant 1 : i32
      %sub3A_637 = arith.subi %add3A_635, %sub3A_636 : i32
      %lt3A_638 = arith.constant 128 : i32
      %lt3A_639 = arith.cmpi slt, %sub3A_637, %lt3A_638 : i32
      %convert_element_type3A_640 = arith.extui %lt3A_639 : i1 to i32
      %cond3A_641 = arith.constant 0 : i32
      %cond3A_642 = arith.cmpi ne, %convert_element_type3A_640, %cond3A_641 : i32
      scf.if %cond3A_642 {
        %add3A_753 = arith.constant 8 : i32
        %add3A_754 = arith.addi %add3A_608, %add3A_753 : i32
        %sub3A_755 = arith.constant 1 : i32
        %sub3A_756 = arith.subi %add3A_754, %sub3A_755 : i32
        %mul3A_757 = arith.constant 200 : i32
        %mul3A_758 = arith.muli %sub3A_756, %mul3A_757 : i32
        %add3A_759 = arith.constant 0 : i32
        %add3A_760 = arith.addi %mul3A_758, %add3A_759 : i32
        %dma_start3A_761 = arith.constant 5 : i32
        %dma_start3A_762 = arith.constant 0 : i32
        %dma_start3A_763 = arith.constant 0 : i32
        %dma_start3A_764 = tpu.memref_slice %arg6[%dma_start3A_761, %dma_start3A_762, %dma_start3A_763] : memref<8x200x64xf32, #tpu.memory_space<vmem>> -> memref<1x128x64xf32, #tpu.memory_space<vmem>>
        %dma_start3A_765 = tpu.memref_squeeze %dma_start3A_764 : memref<1x128x64xf32, #tpu.memory_space<vmem>> -> memref<128x64xf32, #tpu.memory_space<vmem>>
        %dma_start3A_766 = tpu.memref_slice %arg5[%add3A_760] : memref<25600xi32, #tpu.memory_space<vmem>> -> memref<128xi32, #tpu.memory_space<vmem>>
        %dma_start3A_767 = arith.constant 0 : i32
        %dma_start3A_768 = arith.constant 0 : i32
        %dma_start3A_769 = tpu.memref_slice %arg2[%dma_start3A_767, %dma_start3A_768] : memref<1000000x64xf32, #tpu.memory_space<hbm>> -> memref<1000000x64xf32, #tpu.memory_space<hbm>>
        tpu.enqueue_indirect_dma source(%dma_start3A_769 : memref<1000000x64xf32, #tpu.memory_space<hbm>>) target(%dma_start3A_765 : memref<128x64xf32, #tpu.memory_space<vmem>>) offsets(%dma_start3A_766 : memref<128xi32, #tpu.memory_space<vmem>>) semaphore(%arg13 : memref<!tpu.dma_semaphore, #tpu.memory_space<semaphore_mem>>)
        %add3A_770 = arith.constant 128 : i32
        %add3A_771 = arith.addi %mul3A_758, %add3A_770 : i32
        %dma_start3A_772 = arith.constant 5 : i32
        %dma_start3A_773 = arith.constant 128 : i32
        %dma_start3A_774 = arith.constant 0 : i32
        %dma_start3A_775 = tpu.memref_slice %arg6[%dma_start3A_772, %dma_start3A_773, %dma_start3A_774] : memref<8x200x64xf32, #tpu.memory_space<vmem>> -> memref<1x72x64xf32, #tpu.memory_space<vmem>>
        %dma_start3A_776 = tpu.memref_squeeze %dma_start3A_775 : memref<1x72x64xf32, #tpu.memory_space<vmem>> -> memref<72x64xf32, #tpu.memory_space<vmem>>
        %dma_start3A_777 = tpu.memref_slice %arg5[%add3A_771] : memref<25600xi32, #tpu.memory_space<vmem>> -> memref<72xi32, #tpu.memory_space<vmem>>
        %dma_start3A_778 = arith.constant 0 : i32
        %dma_start3A_779 = arith.constant 0 : i32
        %dma_start3A_780 = tpu.memref_slice %arg2[%dma_start3A_778, %dma_start3A_779] : memref<1000000x64xf32, #tpu.memory_space<hbm>> -> memref<1000000x64xf32, #tpu.memory_space<hbm>>
        tpu.enqueue_indirect_dma source(%dma_start3A_780 : memref<1000000x64xf32, #tpu.memory_space<hbm>>) target(%dma_start3A_776 : memref<72x64xf32, #tpu.memory_space<vmem>>) offsets(%dma_start3A_777 : memref<72xi32, #tpu.memory_space<vmem>>) semaphore(%arg13 : memref<!tpu.dma_semaphore, #tpu.memory_space<semaphore_mem>>)
      } else {
      }
      %mul3A_643 = arith.constant 200 : i32
      %mul3A_644 = arith.muli %add3A_608, %mul3A_643 : i32
      %scan3A_645 = arith.constant 0 : i32
      %scan3A_646 = arith.constant 0 : i32
      %scan3A_647 = arith.constant 13 : i32
      %scan3A_648 = arith.addi %scan3A_646, %scan3A_647 : i32
      %scan3A_649 = arith.constant 1 : i32
      %scan3A_650 = scf.for %scan3A_753 = %scan3A_646 to %scan3A_648 step %scan3A_649 iter_args(%scan3A_754 = %scan3A_645) -> (i32)  : i32 {
        %mul3A_755 = arith.constant 16 : i32
        %mul3A_756 = arith.muli %scan3A_753, %mul3A_755 : i32
        %min3A = arith.constant 184 : i32
        %min3A_757 = arith.minsi %mul3A_756, %min3A : i32
        %add3A_758 = arith.addi %mul3A_644, %min3A_757 : i32
        %get3A = arith.index_cast %add3A_758 : i32 to index
        %get3A_759 = tpu.vector_load %arg5[%get3A] {strides = array<i32>} : memref<25600xi32, #tpu.memory_space<vmem>>, vector<16xi32>,
        %eq3A = arith.constant 0 : i32
        %eq3A_760 = vector.broadcast %eq3A : i32 to vector<16xi32>
        %eq3A_761 = arith.cmpi eq, %get3A_759, %eq3A_760 : vector<16xi32>
        %add3A_762 = vector.broadcast %min3A_757 : i32 to vector<16xi32>
        %add3A_763 = arith.addi %iota3A, %add3A_762 : vector<16xi32>
        %convert_element_type3A_764 = arith.extui %eq3A_761 : vector<16xi1> to vector<16xi32>
        %broadcast_in_dim3A_765 = arith.constant true
        %broadcast_in_dim3A_766 = vector.broadcast %broadcast_in_dim3A_765 : i1 to vector<16xi1>
        %masked_cumsum3A = tpu.scan <sum>, %convert_element_type3A_764 masked %broadcast_in_dim3A_766 : vector<16xi32>, vector<16xi1> -> vector<16xi32>
        %add3A_767 = vector.broadcast %scan3A_754 : i32 to vector<16xi32>
        %add3A_768 = arith.addi %add3A_767, %masked_cumsum3A : vector<16xi32>
        %sub3A_769 = arith.subi %add3A_768, %convert_element_type3A_764 : vector<16xi32>
        tpu.vector_store_idx %arg7[%sub3A_769], %add3A_763 masked %eq3A_761 : memref<216xi32, #tpu.memory_space<vmem>>[vector<16xi32>], vector<16xi32>, vector<16xi1>
        %slice3A = vector.extract_strided_slice %masked_cumsum3A {offsets = [15], sizes = [1], strides = [1]} : vector<16xi32> to vector<1xi32>
        %squeeze3A = vector.extract %slice3A[0] : i32 from vector<1xi32>
        %add3A_770 = arith.addi %scan3A_754, %squeeze3A : i32
        scf.yield %add3A_770 : i32
      }
      %scan3A_651 = arith.constant 13 : i32
      %while3A_652 = arith.constant 0 : i32
      %while3A_653 = arith.constant 0 : i32
      %while3A_654 = arith.subi %scan3A_650, %while3A_653 : i32
      %while3A_655 = arith.addi %while3A_653, %while3A_654 : i32
      %while3A_656 = arith.constant 1 : i32
      %while3A_657 = arith.divsi %while3A_654, %while3A_656 : i32
      %while3A_658 = arith.muli %while3A_657, %while3A_656 : i32
      %while3A_659 = arith.addi %while3A_653, %while3A_658 : i32
      %while3A_660 = arith.constant 1 : i32
      scf.for %while3A_753 = %while3A_653 to %while3A_659 step %while3A_660  : i32 {
        %get3A = arith.index_cast %while3A_753 : i32 to index
        %get3A_754 = tpu.vector_load %arg7[%get3A] {strides = array<i32>} : memref<216xi32, #tpu.memory_space<vmem>>, vector<16xi32>,
        %slice3A = vector.extract_strided_slice %get3A_754 {offsets = [0], sizes = [1], strides = [1]} : vector<16xi32> to vector<1xi32>
        %squeeze3A = vector.extract %slice3A[0] : i32 from vector<1xi32>
        %swap3A = arith.constant 6 : i32
        %swap3A_755 = arith.index_cast %swap3A : i32 to index
        %swap3A_756 = arith.index_cast %squeeze3A : i32 to index
        %swap3A_757 = arith.constant 0 : index
        %swap3A_758 = tpu.vector_load %arg6[%swap3A_755, %swap3A_756, %swap3A_757] {strides = array<i32>} : memref<8x200x64xf32, #tpu.memory_space<vmem>>, vector<16xf32>,
        tpu.vector_store %arg6[%swap3A_755, %swap3A_756, %swap3A_757], %broadcast_in_dim3A_147 {strides = array<i32>} : memref<8x200x64xf32, #tpu.memory_space<vmem>>, vector<16xf32>,
        %swap3A_759 = arith.constant 6 : i32
        %swap3A_760 = arith.index_cast %swap3A_759 : i32 to index
        %swap3A_761 = arith.index_cast %squeeze3A : i32 to index
        %swap3A_762 = arith.constant 16 : index
        %swap3A_763 = tpu.vector_load %arg6[%swap3A_760, %swap3A_761, %swap3A_762] {strides = array<i32>} : memref<8x200x64xf32, #tpu.memory_space<vmem>>, vector<16xf32>,
        tpu.vector_store %arg6[%swap3A_760, %swap3A_761, %swap3A_762], %broadcast_in_dim3A_147 {strides = array<i32>} : memref<8x200x64xf32, #tpu.memory_space<vmem>>, vector<16xf32>,
        %swap3A_764 = arith.constant 6 : i32
        %swap3A_765 = arith.index_cast %swap3A_764 : i32 to index
        %swap3A_766 = arith.index_cast %squeeze3A : i32 to index
        %swap3A_767 = arith.constant 32 : index
        %swap3A_768 = tpu.vector_load %arg6[%swap3A_765, %swap3A_766, %swap3A_767] {strides = array<i32>} : memref<8x200x64xf32, #tpu.memory_space<vmem>>, vector<16xf32>,
        tpu.vector_store %arg6[%swap3A_765, %swap3A_766, %swap3A_767], %broadcast_in_dim3A_147 {strides = array<i32>} : memref<8x200x64xf32, #tpu.memory_space<vmem>>, vector<16xf32>,
        %swap3A_769 = arith.constant 6 : i32
        %swap3A_770 = arith.index_cast %swap3A_769 : i32 to index
        %swap3A_771 = arith.index_cast %squeeze3A : i32 to index
        %swap3A_772 = arith.constant 48 : index
        %swap3A_773 = tpu.vector_load %arg6[%swap3A_770, %swap3A_771, %swap3A_772] {strides = array<i32>} : memref<8x200x64xf32, #tpu.memory_space<vmem>>, vector<16xf32>,
        tpu.vector_store %arg6[%swap3A_770, %swap3A_771, %swap3A_772], %broadcast_in_dim3A_147 {strides = array<i32>} : memref<8x200x64xf32, #tpu.memory_space<vmem>>, vector<16xf32>,
      }
      %while3A_661 = arith.constant 1 : i32
      scf.for %while3A_753 = %while3A_659 to %while3A_655 step %while3A_661  : i32 {
        %get3A = arith.index_cast %while3A_753 : i32 to index
        %get3A_754 = tpu.vector_load %arg7[%get3A] {strides = array<i32>} : memref<216xi32, #tpu.memory_space<vmem>>, vector<16xi32>,
        %slice3A = vector.extract_strided_slice %get3A_754 {offsets = [0], sizes = [1], strides = [1]} : vector<16xi32> to vector<1xi32>
        %squeeze3A = vector.extract %slice3A[0] : i32 from vector<1xi32>
        %swap3A = arith.constant 6 : i32
        %swap3A_755 = arith.index_cast %swap3A : i32 to index
        %swap3A_756 = arith.index_cast %squeeze3A : i32 to index
        %swap3A_757 = arith.constant 0 : index
        %swap3A_758 = tpu.vector_load %arg6[%swap3A_755, %swap3A_756, %swap3A_757] {strides = array<i32>} : memref<8x200x64xf32, #tpu.memory_space<vmem>>, vector<16xf32>,
        tpu.vector_store %arg6[%swap3A_755, %swap3A_756, %swap3A_757], %broadcast_in_dim3A_147 {strides = array<i32>} : memref<8x200x64xf32, #tpu.memory_space<vmem>>, vector<16xf32>,
        %swap3A_759 = arith.constant 6 : i32
        %swap3A_760 = arith.index_cast %swap3A_759 : i32 to index
        %swap3A_761 = arith.index_cast %squeeze3A : i32 to index
        %swap3A_762 = arith.constant 16 : index
        %swap3A_763 = tpu.vector_load %arg6[%swap3A_760, %swap3A_761, %swap3A_762] {strides = array<i32>} : memref<8x200x64xf32, #tpu.memory_space<vmem>>, vector<16xf32>,
        tpu.vector_store %arg6[%swap3A_760, %swap3A_761, %swap3A_762], %broadcast_in_dim3A_147 {strides = array<i32>} : memref<8x200x64xf32, #tpu.memory_space<vmem>>, vector<16xf32>,
        %swap3A_764 = arith.constant 6 : i32
        %swap3A_765 = arith.index_cast %swap3A_764 : i32 to index
        %swap3A_766 = arith.index_cast %squeeze3A : i32 to index
        %swap3A_767 = arith.constant 32 : index
        %swap3A_768 = tpu.vector_load %arg6[%swap3A_765, %swap3A_766, %swap3A_767] {strides = array<i32>} : memref<8x200x64xf32, #tpu.memory_space<vmem>>, vector<16xf32>,
        tpu.vector_store %arg6[%swap3A_765, %swap3A_766, %swap3A_767], %broadcast_in_dim3A_147 {strides = array<i32>} : memref<8x200x64xf32, #tpu.memory_space<vmem>>, vector<16xf32>,
        %swap3A_769 = arith.constant 6 : i32
        %swap3A_770 = arith.index_cast %swap3A_769 : i32 to index
        %swap3A_771 = arith.index_cast %squeeze3A : i32 to index
        %swap3A_772 = arith.constant 48 : index
        %swap3A_773 = tpu.vector_load %arg6[%swap3A_770, %swap3A_771, %swap3A_772] {strides = array<i32>} : memref<8x200x64xf32, #tpu.memory_space<vmem>>, vector<16xf32>,
        tpu.vector_store %arg6[%swap3A_770, %swap3A_771, %swap3A_772], %broadcast_in_dim3A_147 {strides = array<i32>} : memref<8x200x64xf32, #tpu.memory_space<vmem>>, vector<16xf32>,
      }
      %add3A_662 = arith.addi %mul3A_4, %add3A_608 : i32
      %dma_start3A_663 = arith.constant 6 : i32
      %dma_start3A_664 = arith.constant 0 : i32
      %dma_start3A_665 = arith.constant 0 : i32
      %dma_start3A_666 = tpu.memref_slice %arg6[%dma_start3A_663, %dma_start3A_664, %dma_start3A_665] : memref<8x200x64xf32, #tpu.memory_space<vmem>> -> memref<1x200x64xf32, #tpu.memory_space<vmem>>
      %dma_start3A_667 = tpu.memref_squeeze %dma_start3A_666 : memref<1x200x64xf32, #tpu.memory_space<vmem>> -> memref<200x64xf32, #tpu.memory_space<vmem>>
      %dma_start3A_668 = arith.constant 0 : i32
      %dma_start3A_669 = arith.constant 0 : i32
      %dma_start3A_670 = tpu.memref_slice %arg4[%add3A_662, %dma_start3A_668, %dma_start3A_669] : memref<4096x200x64xf32, #tpu.memory_space<hbm>> -> memref<1x200x64xf32, #tpu.memory_space<hbm>>
      %dma_start3A_671 = tpu.memref_squeeze %dma_start3A_670 : memref<1x200x64xf32, #tpu.memory_space<hbm>> -> memref<200x64xf32, #tpu.memory_space<hbm>>
      %dma_start3A_672 = arith.constant 0 : i32
      %dma_start3A_673 = arith.constant 0 : i32
      %dma_start3A_674 = tpu.memref_slice %arg4[%add3A_662, %dma_start3A_672, %dma_start3A_673] : memref<4096x200x64xf32, #tpu.memory_space<hbm>> -> memref<1x200x64xf32, #tpu.memory_space<hbm>>
      %dma_start3A_675 = tpu.memref_squeeze %dma_start3A_674 : memref<1x200x64xf32, #tpu.memory_space<hbm>> -> memref<200x64xf32, #tpu.memory_space<hbm>>
      %dma_start3A_676 = arith.constant 0 : i32
      %dma_start3A_677 = arith.constant 0 : i32
      %dma_start3A_678 = tpu.memref_slice %arg6[%dma_start3A_663, %dma_start3A_676, %dma_start3A_677] : memref<8x200x64xf32, #tpu.memory_space<vmem>> -> memref<1x200x64xf32, #tpu.memory_space<vmem>>
      %dma_start3A_679 = tpu.memref_squeeze %dma_start3A_678 : memref<1x200x64xf32, #tpu.memory_space<vmem>> -> memref<200x64xf32, #tpu.memory_space<vmem>>
      tpu.enqueue_dma source(%dma_start3A_679 : memref<200x64xf32, #tpu.memory_space<vmem>>) target(%dma_start3A_675 : memref<200x64xf32, #tpu.memory_space<hbm>>) target_semaphore(%arg22 : memref<!tpu.dma_semaphore, #tpu.memory_space<semaphore_mem>>)
      %add3A_680 = arith.constant 7 : i32
      %add3A_681 = arith.addi %mul3A_174, %add3A_680 : i32
      %dma_wait3A_682 = arith.constant 7 : i32
      %dma_wait3A_683 = arith.constant 0 : i32
      %dma_wait3A_684 = arith.constant 0 : i32
      %dma_wait3A_685 = tpu.memref_slice %arg6[%dma_wait3A_682, %dma_wait3A_683, %dma_wait3A_684] : memref<8x200x64xf32, #tpu.memory_space<vmem>> -> memref<1x128x64xf32, #tpu.memory_space<vmem>>
      %dma_wait3A_686 = tpu.memref_squeeze %dma_wait3A_685 : memref<1x128x64xf32, #tpu.memory_space<vmem>> -> memref<128x64xf32, #tpu.memory_space<vmem>>
      %dma_wait3A_687 = arith.constant 0 : i32
      %dma_wait3A_688 = tpu.memref_slice %arg5[%dma_wait3A_687] : memref<25600xi32, #tpu.memory_space<vmem>> -> memref<128xi32, #tpu.memory_space<vmem>>
      %dma_wait3A_689 = arith.constant 0 : i32
      %dma_wait3A_690 = arith.constant 0 : i32
      %dma_wait3A_691 = tpu.memref_slice %arg2[%dma_wait3A_689, %dma_wait3A_690] : memref<1000000x64xf32, #tpu.memory_space<hbm>> -> memref<1000000x64xf32, #tpu.memory_space<hbm>>
      tpu.wait_indirect_dma semaphore(%arg15 : memref<!tpu.dma_semaphore, #tpu.memory_space<semaphore_mem>>) src(%dma_wait3A_691 : memref<1000000x64xf32, #tpu.memory_space<hbm>>) dst(%dma_wait3A_686 : memref<128x64xf32, #tpu.memory_space<vmem>>)
      %dma_wait3A_692 = arith.constant 7 : i32
      %dma_wait3A_693 = arith.constant 128 : i32
      %dma_wait3A_694 = arith.constant 0 : i32
      %dma_wait3A_695 = tpu.memref_slice %arg6[%dma_wait3A_692, %dma_wait3A_693, %dma_wait3A_694] : memref<8x200x64xf32, #tpu.memory_space<vmem>> -> memref<1x72x64xf32, #tpu.memory_space<vmem>>
      %dma_wait3A_696 = tpu.memref_squeeze %dma_wait3A_695 : memref<1x72x64xf32, #tpu.memory_space<vmem>> -> memref<72x64xf32, #tpu.memory_space<vmem>>
      %dma_wait3A_697 = arith.constant 128 : i32
      %dma_wait3A_698 = tpu.memref_slice %arg5[%dma_wait3A_697] : memref<25600xi32, #tpu.memory_space<vmem>> -> memref<72xi32, #tpu.memory_space<vmem>>
      %dma_wait3A_699 = arith.constant 0 : i32
      %dma_wait3A_700 = arith.constant 0 : i32
      %dma_wait3A_701 = tpu.memref_slice %arg2[%dma_wait3A_699, %dma_wait3A_700] : memref<1000000x64xf32, #tpu.memory_space<hbm>> -> memref<1000000x64xf32, #tpu.memory_space<hbm>>
      tpu.wait_indirect_dma semaphore(%arg15 : memref<!tpu.dma_semaphore, #tpu.memory_space<semaphore_mem>>) src(%dma_wait3A_701 : memref<1000000x64xf32, #tpu.memory_space<hbm>>) dst(%dma_wait3A_696 : memref<72x64xf32, #tpu.memory_space<vmem>>)
      %ge3A_702 = arith.constant 1 : i32
      %ge3A_703 = arith.cmpi sge, %add3A_681, %ge3A_702 : i32
      %convert_element_type3A_704 = arith.extui %ge3A_703 : i1 to i32
      %cond3A_705 = arith.constant 0 : i32
      %cond3A_706 = arith.cmpi ne, %convert_element_type3A_704, %cond3A_705 : i32
      scf.if %cond3A_706 {
        %sub3A_753 = arith.constant 1 : i32
        %sub3A_754 = arith.subi %add3A_681, %sub3A_753 : i32
        %add3A_755 = arith.addi %mul3A_4, %sub3A_754 : i32
        %dma_wait3A_756 = arith.constant 6 : i32
        %dma_wait3A_757 = arith.constant 0 : i32
        %dma_wait3A_758 = arith.constant 0 : i32
        %dma_wait3A_759 = tpu.memref_slice %arg6[%dma_wait3A_756, %dma_wait3A_757, %dma_wait3A_758] : memref<8x200x64xf32, #tpu.memory_space<vmem>> -> memref<1x200x64xf32, #tpu.memory_space<vmem>>
        %dma_wait3A_760 = tpu.memref_squeeze %dma_wait3A_759 : memref<1x200x64xf32, #tpu.memory_space<vmem>> -> memref<200x64xf32, #tpu.memory_space<vmem>>
        %dma_wait3A_761 = arith.constant 0 : i32
        %dma_wait3A_762 = arith.constant 0 : i32
        %dma_wait3A_763 = tpu.memref_slice %arg4[%add3A_755, %dma_wait3A_761, %dma_wait3A_762] : memref<4096x200x64xf32, #tpu.memory_space<hbm>> -> memref<1x200x64xf32, #tpu.memory_space<hbm>>
        %dma_wait3A_764 = tpu.memref_squeeze %dma_wait3A_763 : memref<1x200x64xf32, #tpu.memory_space<hbm>> -> memref<200x64xf32, #tpu.memory_space<hbm>>
        %dma_wait3A_765 = arith.constant 0 : i32
        %dma_wait3A_766 = arith.constant 0 : i32
        %dma_wait3A_767 = tpu.memref_slice %arg4[%add3A_755, %dma_wait3A_765, %dma_wait3A_766] : memref<4096x200x64xf32, #tpu.memory_space<hbm>> -> memref<1x200x64xf32, #tpu.memory_space<hbm>>
        %dma_wait3A_768 = tpu.memref_squeeze %dma_wait3A_767 : memref<1x200x64xf32, #tpu.memory_space<hbm>> -> memref<200x64xf32, #tpu.memory_space<hbm>>
        %dma_wait3A_769 = arith.constant 0 : i32
        %dma_wait3A_770 = arith.constant 0 : i32
        %dma_wait3A_771 = tpu.memref_slice %arg6[%dma_wait3A_756, %dma_wait3A_769, %dma_wait3A_770] : memref<8x200x64xf32, #tpu.memory_space<vmem>> -> memref<1x200x64xf32, #tpu.memory_space<vmem>>
        %dma_wait3A_772 = tpu.memref_squeeze %dma_wait3A_771 : memref<1x200x64xf32, #tpu.memory_space<vmem>> -> memref<200x64xf32, #tpu.memory_space<vmem>>
        tpu.wait_dma2 semaphore(%arg22 : memref<!tpu.dma_semaphore, #tpu.memory_space<semaphore_mem>>) src(%dma_wait3A_772 : memref<200x64xf32, #tpu.memory_space<vmem>>) dst(%dma_wait3A_768 : memref<200x64xf32, #tpu.memory_space<hbm>>)
      } else {
      }
      %add3A_707 = arith.constant 8 : i32
      %add3A_708 = arith.addi %add3A_681, %add3A_707 : i32
      %sub3A_709 = arith.constant 1 : i32
      %sub3A_710 = arith.subi %add3A_708, %sub3A_709 : i32
      %lt3A_711 = arith.constant 128 : i32
      %lt3A_712 = arith.cmpi slt, %sub3A_710, %lt3A_711 : i32
      %convert_element_type3A_713 = arith.extui %lt3A_712 : i1 to i32
      %cond3A_714 = arith.constant 0 : i32
      %cond3A_715 = arith.cmpi ne, %convert_element_type3A_713, %cond3A_714 : i32
      scf.if %cond3A_715 {
        %add3A_753 = arith.constant 8 : i32
        %add3A_754 = arith.addi %add3A_681, %add3A_753 : i32
        %sub3A_755 = arith.constant 1 : i32
        %sub3A_756 = arith.subi %add3A_754, %sub3A_755 : i32
        %mul3A_757 = arith.constant 200 : i32
        %mul3A_758 = arith.muli %sub3A_756, %mul3A_757 : i32
        %add3A_759 = arith.constant 0 : i32
        %add3A_760 = arith.addi %mul3A_758, %add3A_759 : i32
        %dma_start3A_761 = arith.constant 6 : i32
        %dma_start3A_762 = arith.constant 0 : i32
        %dma_start3A_763 = arith.constant 0 : i32
        %dma_start3A_764 = tpu.memref_slice %arg6[%dma_start3A_761, %dma_start3A_762, %dma_start3A_763] : memref<8x200x64xf32, #tpu.memory_space<vmem>> -> memref<1x128x64xf32, #tpu.memory_space<vmem>>
        %dma_start3A_765 = tpu.memref_squeeze %dma_start3A_764 : memref<1x128x64xf32, #tpu.memory_space<vmem>> -> memref<128x64xf32, #tpu.memory_space<vmem>>
        %dma_start3A_766 = tpu.memref_slice %arg5[%add3A_760] : memref<25600xi32, #tpu.memory_space<vmem>> -> memref<128xi32, #tpu.memory_space<vmem>>
        %dma_start3A_767 = arith.constant 0 : i32
        %dma_start3A_768 = arith.constant 0 : i32
        %dma_start3A_769 = tpu.memref_slice %arg2[%dma_start3A_767, %dma_start3A_768] : memref<1000000x64xf32, #tpu.memory_space<hbm>> -> memref<1000000x64xf32, #tpu.memory_space<hbm>>
        tpu.enqueue_indirect_dma source(%dma_start3A_769 : memref<1000000x64xf32, #tpu.memory_space<hbm>>) target(%dma_start3A_765 : memref<128x64xf32, #tpu.memory_space<vmem>>) offsets(%dma_start3A_766 : memref<128xi32, #tpu.memory_space<vmem>>) semaphore(%arg14 : memref<!tpu.dma_semaphore, #tpu.memory_space<semaphore_mem>>)
        %add3A_770 = arith.constant 128 : i32
        %add3A_771 = arith.addi %mul3A_758, %add3A_770 : i32
        %dma_start3A_772 = arith.constant 6 : i32
        %dma_start3A_773 = arith.constant 128 : i32
        %dma_start3A_774 = arith.constant 0 : i32
        %dma_start3A_775 = tpu.memref_slice %arg6[%dma_start3A_772, %dma_start3A_773, %dma_start3A_774] : memref<8x200x64xf32, #tpu.memory_space<vmem>> -> memref<1x72x64xf32, #tpu.memory_space<vmem>>
        %dma_start3A_776 = tpu.memref_squeeze %dma_start3A_775 : memref<1x72x64xf32, #tpu.memory_space<vmem>> -> memref<72x64xf32, #tpu.memory_space<vmem>>
        %dma_start3A_777 = tpu.memref_slice %arg5[%add3A_771] : memref<25600xi32, #tpu.memory_space<vmem>> -> memref<72xi32, #tpu.memory_space<vmem>>
        %dma_start3A_778 = arith.constant 0 : i32
        %dma_start3A_779 = arith.constant 0 : i32
        %dma_start3A_780 = tpu.memref_slice %arg2[%dma_start3A_778, %dma_start3A_779] : memref<1000000x64xf32, #tpu.memory_space<hbm>> -> memref<1000000x64xf32, #tpu.memory_space<hbm>>
        tpu.enqueue_indirect_dma source(%dma_start3A_780 : memref<1000000x64xf32, #tpu.memory_space<hbm>>) target(%dma_start3A_776 : memref<72x64xf32, #tpu.memory_space<vmem>>) offsets(%dma_start3A_777 : memref<72xi32, #tpu.memory_space<vmem>>) semaphore(%arg14 : memref<!tpu.dma_semaphore, #tpu.memory_space<semaphore_mem>>)
      } else {
      }
      %mul3A_716 = arith.constant 200 : i32
      %mul3A_717 = arith.muli %add3A_681, %mul3A_716 : i32
      %scan3A_718 = arith.constant 0 : i32
      %scan3A_719 = arith.constant 0 : i32
      %scan3A_720 = arith.constant 13 : i32
      %scan3A_721 = arith.addi %scan3A_719, %scan3A_720 : i32
      %scan3A_722 = arith.constant 1 : i32
      %scan3A_723 = scf.for %scan3A_753 = %scan3A_719 to %scan3A_721 step %scan3A_722 iter_args(%scan3A_754 = %scan3A_718) -> (i32)  : i32 {
        %mul3A_755 = arith.constant 16 : i32
        %mul3A_756 = arith.muli %scan3A_753, %mul3A_755 : i32
        %min3A = arith.constant 184 : i32
        %min3A_757 = arith.minsi %mul3A_756, %min3A : i32
        %add3A_758 = arith.addi %mul3A_717, %min3A_757 : i32
        %get3A = arith.index_cast %add3A_758 : i32 to index
        %get3A_759 = tpu.vector_load %arg5[%get3A] {strides = array<i32>} : memref<25600xi32, #tpu.memory_space<vmem>>, vector<16xi32>,
        %eq3A = arith.constant 0 : i32
        %eq3A_760 = vector.broadcast %eq3A : i32 to vector<16xi32>
        %eq3A_761 = arith.cmpi eq, %get3A_759, %eq3A_760 : vector<16xi32>
        %add3A_762 = vector.broadcast %min3A_757 : i32 to vector<16xi32>
        %add3A_763 = arith.addi %iota3A, %add3A_762 : vector<16xi32>
        %convert_element_type3A_764 = arith.extui %eq3A_761 : vector<16xi1> to vector<16xi32>
        %broadcast_in_dim3A_765 = arith.constant true
        %broadcast_in_dim3A_766 = vector.broadcast %broadcast_in_dim3A_765 : i1 to vector<16xi1>
        %masked_cumsum3A = tpu.scan <sum>, %convert_element_type3A_764 masked %broadcast_in_dim3A_766 : vector<16xi32>, vector<16xi1> -> vector<16xi32>
        %add3A_767 = vector.broadcast %scan3A_754 : i32 to vector<16xi32>
        %add3A_768 = arith.addi %add3A_767, %masked_cumsum3A : vector<16xi32>
        %sub3A_769 = arith.subi %add3A_768, %convert_element_type3A_764 : vector<16xi32>
        tpu.vector_store_idx %arg7[%sub3A_769], %add3A_763 masked %eq3A_761 : memref<216xi32, #tpu.memory_space<vmem>>[vector<16xi32>], vector<16xi32>, vector<16xi1>
        %slice3A = vector.extract_strided_slice %masked_cumsum3A {offsets = [15], sizes = [1], strides = [1]} : vector<16xi32> to vector<1xi32>
        %squeeze3A = vector.extract %slice3A[0] : i32 from vector<1xi32>
        %add3A_770 = arith.addi %scan3A_754, %squeeze3A : i32
        scf.yield %add3A_770 : i32
      }
      %scan3A_724 = arith.constant 13 : i32
      %while3A_725 = arith.constant 0 : i32
      %while3A_726 = arith.constant 0 : i32
      %while3A_727 = arith.subi %scan3A_723, %while3A_726 : i32
      %while3A_728 = arith.addi %while3A_726, %while3A_727 : i32
      %while3A_729 = arith.constant 1 : i32
      %while3A_730 = arith.divsi %while3A_727, %while3A_729 : i32
      %while3A_731 = arith.muli %while3A_730, %while3A_729 : i32
      %while3A_732 = arith.addi %while3A_726, %while3A_731 : i32
      %while3A_733 = arith.constant 1 : i32
      scf.for %while3A_753 = %while3A_726 to %while3A_732 step %while3A_733  : i32 {
        %get3A = arith.index_cast %while3A_753 : i32 to index
        %get3A_754 = tpu.vector_load %arg7[%get3A] {strides = array<i32>} : memref<216xi32, #tpu.memory_space<vmem>>, vector<16xi32>,
        %slice3A = vector.extract_strided_slice %get3A_754 {offsets = [0], sizes = [1], strides = [1]} : vector<16xi32> to vector<1xi32>
        %squeeze3A = vector.extract %slice3A[0] : i32 from vector<1xi32>
        %swap3A = arith.constant 7 : i32
        %swap3A_755 = arith.index_cast %swap3A : i32 to index
        %swap3A_756 = arith.index_cast %squeeze3A : i32 to index
        %swap3A_757 = arith.constant 0 : index
        %swap3A_758 = tpu.vector_load %arg6[%swap3A_755, %swap3A_756, %swap3A_757] {strides = array<i32>} : memref<8x200x64xf32, #tpu.memory_space<vmem>>, vector<16xf32>,
        tpu.vector_store %arg6[%swap3A_755, %swap3A_756, %swap3A_757], %broadcast_in_dim3A_147 {strides = array<i32>} : memref<8x200x64xf32, #tpu.memory_space<vmem>>, vector<16xf32>,
        %swap3A_759 = arith.constant 7 : i32
        %swap3A_760 = arith.index_cast %swap3A_759 : i32 to index
        %swap3A_761 = arith.index_cast %squeeze3A : i32 to index
        %swap3A_762 = arith.constant 16 : index
        %swap3A_763 = tpu.vector_load %arg6[%swap3A_760, %swap3A_761, %swap3A_762] {strides = array<i32>} : memref<8x200x64xf32, #tpu.memory_space<vmem>>, vector<16xf32>,
        tpu.vector_store %arg6[%swap3A_760, %swap3A_761, %swap3A_762], %broadcast_in_dim3A_147 {strides = array<i32>} : memref<8x200x64xf32, #tpu.memory_space<vmem>>, vector<16xf32>,
        %swap3A_764 = arith.constant 7 : i32
        %swap3A_765 = arith.index_cast %swap3A_764 : i32 to index
        %swap3A_766 = arith.index_cast %squeeze3A : i32 to index
        %swap3A_767 = arith.constant 32 : index
        %swap3A_768 = tpu.vector_load %arg6[%swap3A_765, %swap3A_766, %swap3A_767] {strides = array<i32>} : memref<8x200x64xf32, #tpu.memory_space<vmem>>, vector<16xf32>,
        tpu.vector_store %arg6[%swap3A_765, %swap3A_766, %swap3A_767], %broadcast_in_dim3A_147 {strides = array<i32>} : memref<8x200x64xf32, #tpu.memory_space<vmem>>, vector<16xf32>,
        %swap3A_769 = arith.constant 7 : i32
        %swap3A_770 = arith.index_cast %swap3A_769 : i32 to index
        %swap3A_771 = arith.index_cast %squeeze3A : i32 to index
        %swap3A_772 = arith.constant 48 : index
        %swap3A_773 = tpu.vector_load %arg6[%swap3A_770, %swap3A_771, %swap3A_772] {strides = array<i32>} : memref<8x200x64xf32, #tpu.memory_space<vmem>>, vector<16xf32>,
        tpu.vector_store %arg6[%swap3A_770, %swap3A_771, %swap3A_772], %broadcast_in_dim3A_147 {strides = array<i32>} : memref<8x200x64xf32, #tpu.memory_space<vmem>>, vector<16xf32>,
      }
      %while3A_734 = arith.constant 1 : i32
      scf.for %while3A_753 = %while3A_732 to %while3A_728 step %while3A_734  : i32 {
        %get3A = arith.index_cast %while3A_753 : i32 to index
        %get3A_754 = tpu.vector_load %arg7[%get3A] {strides = array<i32>} : memref<216xi32, #tpu.memory_space<vmem>>, vector<16xi32>,
        %slice3A = vector.extract_strided_slice %get3A_754 {offsets = [0], sizes = [1], strides = [1]} : vector<16xi32> to vector<1xi32>
        %squeeze3A = vector.extract %slice3A[0] : i32 from vector<1xi32>
        %swap3A = arith.constant 7 : i32
        %swap3A_755 = arith.index_cast %swap3A : i32 to index
        %swap3A_756 = arith.index_cast %squeeze3A : i32 to index
        %swap3A_757 = arith.constant 0 : index
        %swap3A_758 = tpu.vector_load %arg6[%swap3A_755, %swap3A_756, %swap3A_757] {strides = array<i32>} : memref<8x200x64xf32, #tpu.memory_space<vmem>>, vector<16xf32>,
        tpu.vector_store %arg6[%swap3A_755, %swap3A_756, %swap3A_757], %broadcast_in_dim3A_147 {strides = array<i32>} : memref<8x200x64xf32, #tpu.memory_space<vmem>>, vector<16xf32>,
        %swap3A_759 = arith.constant 7 : i32
        %swap3A_760 = arith.index_cast %swap3A_759 : i32 to index
        %swap3A_761 = arith.index_cast %squeeze3A : i32 to index
        %swap3A_762 = arith.constant 16 : index
        %swap3A_763 = tpu.vector_load %arg6[%swap3A_760, %swap3A_761, %swap3A_762] {strides = array<i32>} : memref<8x200x64xf32, #tpu.memory_space<vmem>>, vector<16xf32>,
        tpu.vector_store %arg6[%swap3A_760, %swap3A_761, %swap3A_762], %broadcast_in_dim3A_147 {strides = array<i32>} : memref<8x200x64xf32, #tpu.memory_space<vmem>>, vector<16xf32>,
        %swap3A_764 = arith.constant 7 : i32
        %swap3A_765 = arith.index_cast %swap3A_764 : i32 to index
        %swap3A_766 = arith.index_cast %squeeze3A : i32 to index
        %swap3A_767 = arith.constant 32 : index
        %swap3A_768 = tpu.vector_load %arg6[%swap3A_765, %swap3A_766, %swap3A_767] {strides = array<i32>} : memref<8x200x64xf32, #tpu.memory_space<vmem>>, vector<16xf32>,
        tpu.vector_store %arg6[%swap3A_765, %swap3A_766, %swap3A_767], %broadcast_in_dim3A_147 {strides = array<i32>} : memref<8x200x64xf32, #tpu.memory_space<vmem>>, vector<16xf32>,
        %swap3A_769 = arith.constant 7 : i32
        %swap3A_770 = arith.index_cast %swap3A_769 : i32 to index
        %swap3A_771 = arith.index_cast %squeeze3A : i32 to index
        %swap3A_772 = arith.constant 48 : index
        %swap3A_773 = tpu.vector_load %arg6[%swap3A_770, %swap3A_771, %swap3A_772] {strides = array<i32>} : memref<8x200x64xf32, #tpu.memory_space<vmem>>, vector<16xf32>,
        tpu.vector_store %arg6[%swap3A_770, %swap3A_771, %swap3A_772], %broadcast_in_dim3A_147 {strides = array<i32>} : memref<8x200x64xf32, #tpu.memory_space<vmem>>, vector<16xf32>,
      }
      %add3A_735 = arith.addi %mul3A_4, %add3A_681 : i32
      %dma_start3A_736 = arith.constant 7 : i32
      %dma_start3A_737 = arith.constant 0 : i32
      %dma_start3A_738 = arith.constant 0 : i32
      %dma_start3A_739 = tpu.memref_slice %arg6[%dma_start3A_736, %dma_start3A_737, %dma_start3A_738] : memref<8x200x64xf32, #tpu.memory_space<vmem>> -> memref<1x200x64xf32, #tpu.memory_space<vmem>>
      %dma_start3A_740 = tpu.memref_squeeze %dma_start3A_739 : memref<1x200x64xf32, #tpu.memory_space<vmem>> -> memref<200x64xf32, #tpu.memory_space<vmem>>
      %dma_start3A_741 = arith.constant 0 : i32
      %dma_start3A_742 = arith.constant 0 : i32
      %dma_start3A_743 = tpu.memref_slice %arg4[%add3A_735, %dma_start3A_741, %dma_start3A_742] : memref<4096x200x64xf32, #tpu.memory_space<hbm>> -> memref<1x200x64xf32, #tpu.memory_space<hbm>>
      %dma_start3A_744 = tpu.memref_squeeze %dma_start3A_743 : memref<1x200x64xf32, #tpu.memory_space<hbm>> -> memref<200x64xf32, #tpu.memory_space<hbm>>
      %dma_start3A_745 = arith.constant 0 : i32
      %dma_start3A_746 = arith.constant 0 : i32
      %dma_start3A_747 = tpu.memref_slice %arg4[%add3A_735, %dma_start3A_745, %dma_start3A_746] : memref<4096x200x64xf32, #tpu.memory_space<hbm>> -> memref<1x200x64xf32, #tpu.memory_space<hbm>>
      %dma_start3A_748 = tpu.memref_squeeze %dma_start3A_747 : memref<1x200x64xf32, #tpu.memory_space<hbm>> -> memref<200x64xf32, #tpu.memory_space<hbm>>
      %dma_start3A_749 = arith.constant 0 : i32
      %dma_start3A_750 = arith.constant 0 : i32
      %dma_start3A_751 = tpu.memref_slice %arg6[%dma_start3A_736, %dma_start3A_749, %dma_start3A_750] : memref<8x200x64xf32, #tpu.memory_space<vmem>> -> memref<1x200x64xf32, #tpu.memory_space<vmem>>
      %dma_start3A_752 = tpu.memref_squeeze %dma_start3A_751 : memref<1x200x64xf32, #tpu.memory_space<vmem>> -> memref<200x64xf32, #tpu.memory_space<vmem>>
      tpu.enqueue_dma source(%dma_start3A_752 : memref<200x64xf32, #tpu.memory_space<vmem>>) target(%dma_start3A_748 : memref<200x64xf32, #tpu.memory_space<hbm>>) target_semaphore(%arg23 : memref<!tpu.dma_semaphore, #tpu.memory_space<semaphore_mem>>)
    }
    %scan3A_152 = arith.constant 16 : i32
    %add3A_153 = arith.constant 127 : i32
    %add3A_154 = arith.addi %mul3A_4, %add3A_153 : i32
    %dma_wait3A_155 = arith.constant 7 : i32
    %dma_wait3A_156 = arith.constant 0 : i32
    %dma_wait3A_157 = arith.constant 0 : i32
    %dma_wait3A_158 = tpu.memref_slice %arg6[%dma_wait3A_155, %dma_wait3A_156, %dma_wait3A_157] : memref<8x200x64xf32, #tpu.memory_space<vmem>> -> memref<1x200x64xf32, #tpu.memory_space<vmem>>
    %dma_wait3A_159 = tpu.memref_squeeze %dma_wait3A_158 : memref<1x200x64xf32, #tpu.memory_space<vmem>> -> memref<200x64xf32, #tpu.memory_space<vmem>>
    %dma_wait3A_160 = arith.constant 0 : i32
    %dma_wait3A_161 = arith.constant 0 : i32
    %dma_wait3A_162 = tpu.memref_slice %arg4[%add3A_154, %dma_wait3A_160, %dma_wait3A_161] : memref<4096x200x64xf32, #tpu.memory_space<hbm>> -> memref<1x200x64xf32, #tpu.memory_space<hbm>>
    %dma_wait3A_163 = tpu.memref_squeeze %dma_wait3A_162 : memref<1x200x64xf32, #tpu.memory_space<hbm>> -> memref<200x64xf32, #tpu.memory_space<hbm>>
    %dma_wait3A_164 = arith.constant 0 : i32
    %dma_wait3A_165 = arith.constant 0 : i32
    %dma_wait3A_166 = tpu.memref_slice %arg4[%add3A_154, %dma_wait3A_164, %dma_wait3A_165] : memref<4096x200x64xf32, #tpu.memory_space<hbm>> -> memref<1x200x64xf32, #tpu.memory_space<hbm>>
    %dma_wait3A_167 = tpu.memref_squeeze %dma_wait3A_166 : memref<1x200x64xf32, #tpu.memory_space<hbm>> -> memref<200x64xf32, #tpu.memory_space<hbm>>
    %dma_wait3A_168 = arith.constant 0 : i32
    %dma_wait3A_169 = arith.constant 0 : i32
    %dma_wait3A_170 = tpu.memref_slice %arg6[%dma_wait3A_155, %dma_wait3A_168, %dma_wait3A_169] : memref<8x200x64xf32, #tpu.memory_space<vmem>> -> memref<1x200x64xf32, #tpu.memory_space<vmem>>
    %dma_wait3A_171 = tpu.memref_squeeze %dma_wait3A_170 : memref<1x200x64xf32, #tpu.memory_space<vmem>> -> memref<200x64xf32, #tpu.memory_space<vmem>>
    tpu.wait_dma2 semaphore(%arg23 : memref<!tpu.dma_semaphore, #tpu.memory_space<semaphore_mem>>) src(%dma_wait3A_171 : memref<200x64xf32, #tpu.memory_space<vmem>>) dst(%dma_wait3A_167 : memref<200x64xf32, #tpu.memory_space<hbm>>)
    return
  }
}

</mosaic_0001>

<sc_bundles>
// kernel: kernel.3.cloned.1.call-start
scs
__scs_entry_jumppad:
0x0: {  	(pc) =	sbr.rel $0x88, $3  }
0x1: {  	(tag) =	ssettag $0x0;
	lr =	simm.s32 $0x1  }
0x2: {  	[smem:$0x3F9F] =	sst lr;
	_ =	strace $0xD0000000  }
0x3: {  	_ = 	snop  }
0x4: {  	_ = 	snop  }
0x5: {  	_ = 	snop  }
0x6: {  	_ = 	snop  }
0x7: {  	_ = 	snop  }
__scs_overlays_trampoline_lowered:
0x8: {  	[smem:$0x3FAE] =	sst s0  }
0x9: {  	[smem:$0x3FAF] =	sst s1  }
0xa: {  	[smem:$0x3FB0] =	sst s2  }
0xb: {  	[smem:$0x3FB1] =	sst s3  }
0xc: {  	[smem:$0x3FB2] =	sst s4  }
0xd: {  	[smem:$0x3FB3] =	sst s5  }
0xe: {  	[smem:$0x3FB4] =	sst s6  }
0xf: {  	[smem:$0x3FB5] =	sst s7  }
0x10: {  	[smem:$0x3FB6] =	sst s8  }
0x11: {  	[smem:$0x3FB7] =	sst s9;
	s0 =	simm.s32 @!p0 $0x0  }
0x12: {  	s1 =	sld [smem:$0x3F9D];
	s0 =	simm.s32 @p0 $0x1  }
0x13: {  	[smem:$0x3FB8] =	sst s0;
	s0 =	simm.s32 @!p1 $0x0  }
0x14: {  	s2 =	sld [smem:$0x3F9C];
	s0 =	simm.s32 @p1 $0x1  }
0x15: {  	[smem:$0x3FB9] =	sst s0;
	s0 =	simm.s32 @!p2 $0x0  }
0x16: {  	s3 =	sld [smem:$0x3FDB];
	s0 =	simm.s32 @p2 $0x1  }
0x17: {  	s4 =	simm.s32 $0x1BF5;
	[smem:$0x3FBB] =	sst s0  }
0x18: {  	s0 =	sld [smem:$0x3F9E];
	_ =	swait.ge [sflag:s4], $0x0  }
0x19: {  	s7 =	sld [smem:$0x3F9F]  }
0x1a: {  	s8 =	sadd.s32 $0xFFFFE003, lr  }
0x1b: {  	s9 =	sadd.s32 $0xFFFFFEF7, lr;
	s5 =	simm.s32 $0xFFFFFFFF;
	p2 =	slt.u32 s8, $0xFFFFF086  }
0x1c: {  	p1 =	slt.u32 s9, $0xF7A;
	s5 =	simm.s32 @!p2 $0x0  }
0x1d: {  	s5 =	simm.s32 @p1 $0x1;
	p0 =	seq.s32 s7, s2  }
0x1e: {  	s7 =	smul.u32 @!p0 $0xF7A, s2;
	p2 =	seq.s32 @!p0 s5, $0x0  }
0x1f: {  	s9 =	smul.u32 $0xF7A, s1;
	s8 =	simm.s32 @!p0 $0x1BF5;
	p2 =	por !p2, p0  }
0x20: {  	[sflag:s8] =	ssyncset.s32 @!p0 $0xFFFFF086;
	s6 =	sadd.s32 @!p0 s3, s7;
	s7 =	simm.s32 @!p0 $0x108  }
0x21: {  	s3 =	sadd.s32 s3, s9;
	s6 =	sadd.s32 @!p0 $0x88, s6;
	s7 =	simm.s32 @p2 $0x1082  }
0x22: {  	[simem:s7], [sflag:s8] =	dma.local @!p0 [hbm:s6], $0xF7A  }
0x23: {  	s9 =	sor.u32 $0xD0000000, s2;
	s6 =	simm.s32 $0x108;
	_ =	swait.ge @!p0 [sflag:s8], $0x0  }
0x24: {  	s3 =	sadd.s32 $0x88, s3;
	s6 =	simm.s32 @!p1 $0x1082;
	[sflag:s4] =	ssyncset.s32 $0xFFFFF086  }
0x25: {  	[simem:s6], [sflag:s4] =	dma.local [hbm:s3], $0xF7A  }
0x26: {  	[smem:$0x3F9F] =	sst s1;
	(tag) =	ssettag s2;
	_ =	strace s9  }
0x27: {  	s1 =	sld [smem:$0x3FAF]  }
0x28: {  	s2 =	sld [smem:$0x3FB0]  }
0x29: {  	s4 =	sld [smem:$0x3FB2]  }
0x2a: {  	p0 =	seq.s32 s5, $0x0;
	s5 =	sld [smem:$0x3FB3]  }
0x2b: {  	s6 =	sld [smem:$0x3FB4]  }
0x2c: {  	s7 =	sld [smem:$0x3FB5]  }
0x2d: {  	s3 =	simm.s32 $0x108;
	s8 =	sld [smem:$0x3FB6]  }
0x2e: {  	s3 =	simm.s32 @!p0 $0x1082;
	s9 =	sld [smem:$0x3FB7]  }
0x2f: {  	lr =	sadd.s32 s0, s3;
	s0 =	sld [smem:$0x3FAE]  }
0x30: {  	s3 =	sld [smem:$0x3FB1]  }
0x31: {  	[smem:$0x3FBA] =	sst s10  }
0x32: {  	s10 =	sld [smem:$0x3FB8];
	_ =	sdelay $0x3  }
0x33: {  	p0 =	seq.s32 s10, $0x1;
	s10 =	sld [smem:$0x3FBA];
	_ =	sdelay $0x3  }
0x34: {  	[smem:$0x3FBA] =	sst s10  }
0x35: {  	s10 =	sld [smem:$0x3FB9];
	_ =	sdelay $0x3  }
0x36: {  	p1 =	seq.s32 s10, $0x1;
	s10 =	sld [smem:$0x3FBA];
	_ =	sdelay $0x3  }
0x37: {  	[smem:$0x3FBA] =	sst s10  }
0x38: {  	s10 =	sld [smem:$0x3FBB]  }
0x39: {  	_ = 	snop;
	(pc) =	sbr.ind lr, $3  }
0x3a: {  	_ = 	snop  }
0x3b: {  	_ = 	snop  }
0x3c: {  	p2 =	seq.s32 s10, $0x1;
	s10 =	sld [smem:$0x3FBA]  }
0x3d: {  	_ =	shalt  }
0x3e: {  	_ =	shalt  }
0x3f: {  	_ =	shalt  }
0x40: {  	_ =	shalt  }
0x41: {  	_ =	shalt  }
0x42: {  	_ =	shalt  }
0x43: {  	_ =	shalt  }
0x44: {  	_ =	shalt  }
0x45: {  	_ =	shalt  }
0x46: {  	_ =	shalt  }
0x47: {  	_ =	shalt  }
0x48: {  	_ =	shalt  }
0x49: {  	_ =	shalt  }
0x4a: {  	_ =	shalt  }
0x4b: {  	_ =	shalt  }
0x4c: {  	_ =	shalt  }
0x4d: {  	_ =	shalt  }
0x4e: {  	_ =	shalt  }
0x4f: {  	_ =	shalt  }
0x50: {  	_ =	shalt  }
0x51: {  	_ =	shalt  }
0x52: {  	_ =	shalt  }
0x53: {  	_ =	shalt  }
0x54: {  	_ =	shalt  }
0x55: {  	_ =	shalt  }
0x56: {  	_ =	shalt  }
0x57: {  	_ =	shalt  }
0x58: {  	_ =	shalt  }
0x59: {  	_ =	shalt  }
0x5a: {  	_ =	shalt  }
0x5b: {  	_ =	shalt  }
0x5c: {  	_ =	shalt  }
0x5d: {  	_ =	shalt  }
0x5e: {  	_ =	shalt  }
0x5f: {  	_ =	shalt  }
0x60: {  	_ =	shalt  }
0x61: {  	_ =	shalt  }
0x62: {  	_ =	shalt  }
0x63: {  	_ =	shalt  }
0x64: {  	_ =	shalt  }
0x65: {  	_ =	shalt  }
0x66: {  	_ =	shalt  }
0x67: {  	_ =	shalt  }
0x68: {  	_ =	shalt  }
0x69: {  	_ =	shalt  }
0x6a: {  	_ =	shalt  }
0x6b: {  	_ =	shalt  }
0x6c: {  	_ =	shalt  }
0x6d: {  	_ =	shalt  }
0x6e: {  	_ =	shalt  }
0x6f: {  	_ =	shalt  }
0x70: {  	_ =	shalt  }
0x71: {  	_ =	shalt  }
0x72: {  	_ =	shalt  }
0x73: {  	_ =	shalt  }
0x74: {  	_ =	shalt  }
0x75: {  	_ =	shalt  }
0x76: {  	_ =	shalt  }
0x77: {  	_ =	shalt  }
0x78: {  	_ =	shalt  }
0x79: {  	_ =	shalt  }
0x7a: {  	_ =	shalt  }
0x7b: {  	_ =	shalt  }
0x7c: {  	_ =	shalt  }
0x7d: {  	_ =	shalt  }
0x7e: {  	_ =	shalt  }
0x7f: {  	_ =	shalt  }
0x80: {  	_ =	shalt  }
0x81: {  	_ =	shalt  }
0x82: {  	_ =	shalt  }
0x83: {  	_ =	shalt  }
0x84: {  	_ =	shalt  }
0x85: {  	_ =	shalt  }
0x86: {  	_ =	shalt  }
0x87: {  	_ =	shalt  }
.Lfunc_end0:
.L_simem_size_0:
called_computation.1_lowered:
.L_overlay_start_0:
0x88: {  	s2 =	sld [smem:$0x3FD9]  }
0x89: {  	s3 =	sld [smem:$0x3FFE];
	_ =	sdelay $0x1  }
0x8a: {  	s1 =	srdreg.scid  }
0x8b: {  	s0 =	sand.u32 $0x1, s1  }
0x8c: {  	s17 =	sshll.u32 s0, $0xA;
	s2 =	sadd.s32 s3, s2  }
0x8d: {  	s2 =	sadd.s32 s2, s17  }
0x8e: {  	[smem:$0x3FC6] =	sst s2  }
0x8f: {  	_ = 	snop  }
0x90: {  	s2 =	sld [smem:$0x3FD0];
	(tm) =	ssettm $0x1  }
0x91: {  	s18 =	sld [smem:$0x3FFB];
	_ =	sdelay $0x3  }
0x92: {  	_ =	strace s18  }
0x93: {  	s3 =	sld [smem:$0x3FFC];
	_ =	sdelay $0x3  }
0x94: {  	_ =	strace s3  }
0x95: {  	s3 =	sld [smem:$0x3FFD];
	_ =	sdelay $0x3  }
0x96: {  	_ =	strace s3  }
0x97: {  	_ =	strace $0x8FFFFFFF  }
0x98: {  	s19 =	sld [smem:$0x3FDB];
	_ =	sdelay $0x1  }
0x99: {  	s4 =	simm.s32 $_scs_section_size  }
0x9a: {  	s5 =	simm.s32 $_size__tile_overlayer_lowered;
	s6 =	simm.s32 $_tile_overlayer_lowered  }
0x9b: {  	s22 =	simm.s32 $0x1BFF;
	s21 =	sshll.u32 s6, $0x1;
	s3 =	sadd.s32 s4, s19  }
0x9c: {  	s7 =	simm.s32 $0x0;
	s20 =	sshll.u32 s5, $0x1;
	s5 =	sadd.s32 s21, s3  }
0x9d: {  	[timem:s7], [sflag:s22] =	dma.local [hbm:s5], s20  }
0x9e: {  	_ =	swait.ge [sflag:s22], s20  }
0x9f: {  	s4 =	ssub.s32 $0x0, s20;
	[sflag:s22] =	ssyncset.done $0x0  }
0xa0: {  	[sflag:s22] =	ssyncadd.s32 s4;
	_ =	sdelay $0x1  }
0xa1: {  	s23 =	simm.s32 $0x1B8B  }
0xa2: {  	_ =	swait.ge [sflag:s23], $0x1  }
0xa3: {  	[sflag:s23] =	ssyncset.done $0x0  }
0xa4: {  	s25 =	simm.s32 $0x1B8E;
	s24 =	sld [smem:$0x3FFE];
	[sflag:s23] =	ssyncadd.s32 $0xFFFFFFFF  }
0xa5: {  	s26 =	simm.s32 $execute0_lowered;
	[smem:$0x3FD2] =	sst s25  }
0xa6: {  	s5 =	sshll.u32 s26, $0x1;
	_ =	strace $0x80000046;
	[dreg:$0x1] =	wrdreg $0xFFFFFFFF  }
0xa7: {  	s28 =	simm.s32 $_size_execute0_lowered;
	s3 =	sadd.s32 s3, s5;
	[dreg:$0x0] =	wrdreg $0x0  }
0xa8: {  	s5 =	sshll.u32 s28, $0x1;
	[dreg:$0x2] =	wrdreg s3  }
0xa9: {  	[dreg:$0x3] =	wrdreg s5  }
0xaa: {  	[dreg:$0x4] =	wrdreg $0xC0  }
0xab: {  	_ =	task [dreg:s7], $0x5FFFF  }
0xac: {  	[dreg:$0x1] =	wrdreg $0xFFFFFFFF  }
0xad: {  	[dreg:$0x0] =	wrdreg $0x60  }
0xae: {  	[dreg:$0x2] =	wrdreg s24  }
0xaf: {  	[dreg:$0x3] =	wrdreg s2  }
0xb0: {  	[dreg:$0x4] =	wrdreg $0x9  }
0xb1: {  	_ =	task.clear_ibuf [dreg:s7], $0x5FFFF;
	_ =	strace $0x90000046  }
0xb2: {  	s29 =	simm.s32 $0x9;
	_ =	strace $0x80000048  }
0xb3: {  	_ =	swait.ge [sflag:s29], $0x1  }
0xb4: {  	[sflag:s29] =	ssyncadd.s32 $0xFFFFFFFF  }
0xb5: {  	_ =	strace $0x90000048  }
0xb6: {  	_ =	sfence  }
0xb7: {  	s30 =	sld [smem:$0x0];
	_ =	sdelay $0x2  }
0xb8: {  	s31 =	sshll.u32 s1, $0xD;
	s1 =	sshrl.u32 s1, $0x2  }
0xb9: {  	s3 =	sand.u32 $0x4000, s31;
	s1 =	sadd.s32 s1, s30  }
0xba: {  	s0 =	sor.u32 s3, s0;
	s1 =	sshll.u32 s1, $0x11  }
0xbb: {  	s0 =	sor.u32 s1, s0  }
0xbc: {  	s0 =	sadd.s32 $0x8F2B, s0  }
0xbd: {  	[sflag:s0] =	ssyncadd.remote.s32 $0x1  }
0xbe: {  	_ =	sfence.sel $0xFFFF  }
0xbf: {  	[dreg:$0x0] =	wrdreg $0xFFFFFFFF;
	(pc) =	sbr.abs _section_cstart, $3  }
0xc0: {  	[dreg:$0x1] =	wrdreg $0xFFFFFFFF  }
0xc1: {  	_ =	task.clear_ibuf [dreg:s7], $0x2FFFF;
	_ =	strace $0x9FFFFFFF  }
0xc2: {  	(tm) =	ssettm $0x7FFFFFFF  }
0xc3: {  	_ =	shalt  }
tec
execute0_lowered:
.L_overlay_start_1:
0x0: {  	(tag) =	ssettag $0x1  }
0x1: {  	s0 =	rddreg [dreg:$0x0];
	s1 =	srdreg.scid  }
0x2: {  	s3 =	stileid.u32;
	s2 =	rddreg [dreg:$0x1]  }
0x3: {  	s14 =	simm.s32 $0x1C200;
	s12 =	simm.s32 $0x1F400;
	s17 =	simm.s32 $0x3  }
0x4: {  	s20 =	simm.s32 $0x4;
	s1 =	sand.u32 $0x1, s1;
	s4 =	sshll.u32 s3, $0x1  }
0x5: {  	s23 =	simm.s32 $0x5;
	s26 =	simm.s32 $0x6;
	s5 =	sor.u32 s1, s4  }
0x6: {  	s30 =	simm.s32 $0x7;
	s1 =	ssub.s32 $0x2, s1;
	s6 =	smul.u32 $0xC80, s5  }
.Ltmp0:
0x7: {  	s3 =	simm.s32 $0x0;
	s7 =	sshrl.u32 s1, $0x1;
	(pc) =	sbr.rel .LBB2_1-.Ltmp0, $4  }
0x8: {  	[smem:$0x7FF] =	sst s3;
	s4 =	sadd.s32 $0xF42E00, s0;
	s1 =	ssub.s32 s1, s7  }
0x9: {  	_ =	strace $0x80000047;
	s0 =	sadd.s32 s6, s0;
	s31 =	smax.u32 s1, $0x1  }
0xa: {  	v0 =	vlaneseq.u32;
	s5 =	sshll.u32 s5, $0x7;
	s0 =	sadd.s32 $0xA00, s0;
	[dreg:$0x4] =	wrdreg s31  }
0xb: {  	v1 =	vimm.s32 $0x0;
	v3 =	vimm.f32 $0.0e+00;
	v2 =	vadd.s32 $0xB8, v0;
	s7 =	simm.s32 $0x0;
	s6 =	simm.s32 $0x8;
	[dreg:$0x3] =	wrdreg s0  }
.LBB2_51:
0xc: {  	s1 =	simm.s32 $0x10  }
0xd: {  	_ =	swait.ge [sflag:s1], $0x3200  }
0xe: {  	s7 =	rddreg [dreg:$0x5]  }
0xf: {  	s0 =	rddreg [dreg:$0x4];
	s7 =	sadd.s32 $0x1, s7  }
0x10: {  	p0 =	sne.s32 s7, s0  }
.Ltmp1:
0x11: {  	_ = 	snop;
	(pc) =	sbr.rel @!p0 .LBB2_52-.Ltmp1, $3  }
0x12: {  	_ =	sdelay $0x1  }
0x13: {  	[sflag:s1] =	ssyncset.done $0x0  }
0x14: {  	[sflag:s1] =	ssyncadd.s32 $0xFFFFCE00  }
.LBB2_1:
0x15: {  	[dreg:$0x5] =	wrdreg s7  }
0x16: {  	s0 =	rddreg [dreg:$0x3];
	s18 =	simm.s32 $0x1  }
0x17: {  	[tilespmem:s3], [sflag:$0x1] =	stream.linear.gather [hbm4b:s0+s3], $0x6400, $0x38;
	[tilespmem:$0x1F4D8] =	vst v63  }
0x18: {  	_ =	swait.ge [sflag:s18], $0x6400  }
0x19: {  	[sflag:s18] =	ssyncset.done $0x0  }
0x1a: {  	s1 =	simm.s32 $0x80;
	s19 =	simm.s32 $0x6400;
	[sflag:s18] =	ssyncadd.s32 $0xFFFF9C00  }
0x1b: {  	[tilespmem:s19], [sflag:$0x1] =	stream.indirect.gather [hbm4b:s4+s1], $0x40, s3, s1, $0xb8;
	[tilespmem:$0x1F4D8] =	vst v63  }
0x1c: {  	s7 =	simm.s32 $0x48;
	s21 =	simm.s32 $0x8400  }
0x1d: {  	[tilespmem:s21], [sflag:$0x1] =	stream.indirect.gather [hbm4b:s4+s7], $0x40, s1, s7, $0xb8;
	[tilespmem:$0x1F4D8] =	vst v63  }
0x1e: {  	s8 =	simm.s32 $0x9600;
	s0 =	simm.s32 $0xC8  }
0x1f: {  	[tilespmem:s8], [sflag:$0x2] =	stream.indirect.gather [hbm4b:s4+s1], $0x40, s0, s1, $0xb8;
	[tilespmem:$0x1F4D8] =	vst v63  }
0x20: {  	s22 =	simm.s32 $0x148;
	s9 =	simm.s32 $0xB600  }
0x21: {  	[tilespmem:s9], [sflag:$0x2] =	stream.indirect.gather [hbm4b:s4+s7], $0x40, s22, s7, $0xb8;
	[tilespmem:$0x1F4D8] =	vst v63  }
0x22: {  	s10 =	simm.s32 $0x190;
	s24 =	simm.s32 $0xC800  }
0x23: {  	[tilespmem:s24], [sflag:$0x3] =	stream.indirect.gather [hbm4b:s4+s1], $0x40, s10, s1, $0xb8;
	[tilespmem:$0x1F4D8] =	vst v63  }
0x24: {  	s25 =	simm.s32 $0x210;
	s28 =	simm.s32 $0xE800  }
0x25: {  	[tilespmem:s28], [sflag:$0x3] =	stream.indirect.gather [hbm4b:s4+s7], $0x40, s25, s7, $0xb8;
	[tilespmem:$0x1F4D8] =	vst v63  }
0x26: {  	s13 =	simm.s32 $0x258;
	s31 =	simm.s32 $0xFA00  }
0x27: {  	[tilespmem:s31], [sflag:$0x4] =	stream.indirect.gather [hbm4b:s4+s1], $0x40, s13, s1, $0xb8;
	[tilespmem:$0x1F4D8] =	vst v63  }
0x28: {  	s11 =	simm.s32 $0x11A00;
	s9 =	simm.s32 $0x2D8  }
0x29: {  	[tilespmem:s11], [sflag:$0x4] =	stream.indirect.gather [hbm4b:s4+s7], $0x40, s9, s7, $0xb8;
	[tilespmem:$0x1F4D8] =	vst v63  }
0x2a: {  	s16 =	simm.s32 $0x320;
	s15 =	simm.s32 $0x12C00  }
0x2b: {  	[tilespmem:s15], [sflag:$0x5] =	stream.indirect.gather [hbm4b:s4+s1], $0x40, s16, s1, $0xb8;
	[tilespmem:$0x1F4D8] =	vst v63  }
0x2c: {  	s18 =	simm.s32 $0x3A0;
	s19 =	simm.s32 $0x14C00  }
0x2d: {  	[tilespmem:s19], [sflag:$0x5] =	stream.indirect.gather [hbm4b:s4+s7], $0x40, s18, s7, $0xb8;
	[tilespmem:$0x1F4D8] =	vst v63  }
0x2e: {  	s21 =	simm.s32 $0x15E00;
	s19 =	simm.s32 $0x3E8  }
0x2f: {  	[tilespmem:s21], [sflag:$0x6] =	stream.indirect.gather [hbm4b:s4+s1], $0x40, s19, s1, $0xb8;
	[tilespmem:$0x1F4D8] =	vst v63  }
0x30: {  	s22 =	simm.s32 $0x468;
	s24 =	simm.s32 $0x17E00  }
0x31: {  	[tilespmem:s24], [sflag:$0x6] =	stream.indirect.gather [hbm4b:s4+s7], $0x40, s22, s7, $0xb8;
	[tilespmem:$0x1F4D8] =	vst v63  }
.Ltmp2:
0x32: {  	s29 =	simm.s32 $0x0;
	(pc) =	sbr.rel .LBB2_2-.Ltmp2, $4  }
0x33: {  	s25 =	simm.s32 $0x19000;
	s28 =	simm.s32 $0x530;
	s22 =	simm.s32 $0x4B0  }
0x34: {  	[tilespmem:s25], [sflag:$0x7] =	stream.indirect.gather [hbm4b:s4+s1], $0x40, s22, s1, $0xb8;
	[tilespmem:$0x1F4D8] =	vst v63  }
0x35: {  	s31 =	simm.s32 $0x1B000;
	s11 =	simm.s32 $0x0;
	s25 =	simm.s32 $0x578  }
0x36: {  	[tilespmem:s31], [sflag:$0x7] =	stream.indirect.gather [hbm4b:s4+s7], $0x40, s28, s7, $0xb8;
	[tilespmem:$0x1F4D8] =	vst v63  }
.LBB2_49:
0x37: {  	(v2sf) =	vpush v4, $0x0;
	_ =	sdelay $0xe  }
0x38: {  	s1 =	spop (v2sf)  }
0x39: {  	s1 =	sshll.u32 s1, $0x8  }
0x3a: {  	s1 =	sshra.s32 s1, $0x2  }
0x3b: {  	[tilespmem:s1+$0x1C200] =	vst v3  }
0x3c: {  	[tilespmem:s1+$0x1C210] =	vst v3  }
0x3d: {  	[tilespmem:s1+$0x1C220] =	vst v3  }
0x3e: {  	[tilespmem:s1+$0x1C230] =	vst v3  }
.LBB2_50:
0x3f: {  	s11 =	sadd.s32 $0x1, s11  }
0x40: {  	p0 =	sne.s32 s11, $0x10  }
.Ltmp3:
0x41: {  	s1 =	sadd.s32 s5, s9;
	s29 =	sadd.s32 $0x640, s29;
	(pc) =	sbr.rel @!p0 .LBB2_51-.Ltmp3, $4  }
0x42: {  	s0 =	sadd.s32 $0x640, s0;
	s10 =	sadd.s32 $0x640, s10;
	s1 =	smul.u32 $0x640, s1  }
0x43: {  	s13 =	sadd.s32 $0x640, s13;
	s16 =	sadd.s32 $0x640, s16;
	s19 =	sadd.s32 $0x640, s19  }
0x44: {  	s22 =	sadd.s32 $0x640, s22;
	s25 =	sadd.s32 $0x640, s25;
	s1 =	sadd.s32 s2, s1  }
0x45: {  	[hbm4b:s1+s3] =	stream.linear.scatter [tilespmem:s14], [sflag:$0x10], $0x3200, $0x38;
	[tilespmem:$0x1F4D8] =	vst v63  }
.LBB2_2:
0x46: {  	s1 =	simm.s32 $0x1  }
0x47: {  	_ =	swait.ge [sflag:s1], $0x2000  }
0x48: {  	[sflag:s1] =	ssyncset.done $0x0  }
0x49: {  	[sflag:s1] =	ssyncadd.s32 $0xFFFFE000  }
0x4a: {  	_ =	swait.ge [sflag:s1], $0x1200  }
0x4b: {  	s18 =	sshll.u32 s11, $0x3;
	p0 =	seq.s32 s11, $0x0;
	[sflag:s1] =	ssyncset.done $0x0  }
0x4c: {  	s9 =	sor.u32 $0x7, s18;
	[sflag:s1] =	ssyncadd.s32 $0xFFFFEE00;
	s1 =	simm.s32 @!p0 $0x10  }
0x4d: {  	s7 =	smul.u32 $0x320, s9;
	_ =	swait.ge @!p0 [sflag:s1], $0x3200  }
0x4e: {  	[sflag:s1] =	ssyncset.done @!p0 $0x0  }
0x4f: {  	s15 =	simm.s32 $0x80;
	[sflag:s1] =	ssyncadd.s32 @!p0 $0xFFFFCE00;
	s1 =	sshra.s32 s7, $0x2  }
0x50: {  	[tilespmem:s14], [sflag:$0x8] =	stream.indirect.gather [hbm4b:s4+s15], $0x40, s1, s15, $0xb8;
	[tilespmem:$0x1F4D8] =	vst v63  }
0x51: {  	s8 =	simm.s32 $0x48;
	s24 =	simm.s32 $0x1E200;
	s21 =	sadd.s32 $0x80, s1  }
0x52: {  	[tilespmem:s24], [sflag:$0x8] =	stream.indirect.gather [hbm4b:s4+s8], $0x40, s21, s8, $0xb8;
	[tilespmem:$0x1F4D8] =	vst v63  }
0x53: {  	v4 =	vld [tilespmem:s29+$0x0];
	_ =	sdelay $0x4  }
0x54: {  	vm0 =	veq.s32 v4, $0x0  }
0x55: {  	v4 =	vsel vm0, $0x1, v1  }
0x56: {  	(xrf0) =	vadd.scan.msk.s32 $0xffff, v4;
	_ =	sdelay $0x4  }
0x57: {  	s21 =	simm.s32 $0x0;
	v4 =	vsel vm0, $0xFFFFFFFF, v1  }
0x58: {  	v4 =	vadd.s32 s21, v4;
	v5, _, _ =	vpop (xrf0)  }
0x59: {  	v4 =	vadd.s32 v5, v4;
	(v2sf) =	vpush v5, $0xF;
	_ =	sdelay $0x3  }
0x5a: {  	s31 =	smul.u32 $0x1900, s11;
	v6 =	vadd.s32 s21, v0  }
0x5b: {  	s28 =	sadd.s32 $0x10, s29;
	[tilespmem:v4+s12+$0x0] =	vst.idx.msk vm0, v6  }
0x5c: {  	s7 =	simm.s32 $0x20;
	s15 =	sshra.s32 s31, $0x2;
	s24 =	simm.s32 $0x10;
	v4 =	vld [tilespmem:s28+$0x0]  }
.LBB2_3:
0x5d: {  	p0 =	seq.s32 s7, $0xB0;
	_ =	sdelay $0x3  }
0x5e: {  	vm0 =	veq.s32 v4, $0x0  }
0x5f: {  	v4 =	vsel vm0, $0xFFFFFFFF, v1;
	v5 =	vsel vm0, $0x1, v1  }
0x60: {  	(xrf0) =	vadd.scan.msk.s32 $0xffff, v5;
	_ =	sdelay $0x1  }
0x61: {  	s8 =	spop (v2sf)  }
0x62: {  	s21 =	sadd.s32 s21, s8  }
0x63: {  	v4 =	vadd.s32 s21, v4;
	_ =	sdelay $0x1  }
0x64: {  	v5, _, _ =	vpop (xrf0)  }
0x65: {  	v4 =	vadd.s32 v5, v4;
	(v2sf) =	vpush v5, $0xF;
	_ =	sdelay $0x1  }
.Ltmp4:
0x66: {  	(pc) =	sbr.rel @!p0 .LBB2_3-.Ltmp4, $4  }
0x67: {  	_ = 	snop  }
0x68: {  	v5 =	vadd.s32 s24, v0;
	s24 =	smov.u32 s7  }
0x69: {  	s28 =	sadd.s32 $0x10, s28;
	[tilespmem:v4+s12+$0x0] =	vst.idx.msk vm0, v5  }
0x6a: {  	s7 =	sadd.s32 $0x10, s7;
	v4 =	vld [tilespmem:s28+$0x0]  }
0x6b: {  	_ =	sdelay $0x3  }
0x6c: {  	vm0 =	veq.s32 v4, $0x0  }
0x6d: {  	v4 =	vsel vm0, $0x1, v1  }
0x6e: {  	(xrf0) =	vadd.scan.msk.s32 $0xffff, v4;
	_ =	sdelay $0x3  }
0x6f: {  	s7 =	spop (v2sf)  }
0x70: {  	v5 =	vsel vm0, $0xFFFFFFFF, v1;
	s7 =	sadd.s32 s21, s7  }
0x71: {  	v5 =	vadd.s32 s7, v5;
	v4, _, _ =	vpop (xrf0)  }
0x72: {  	(v2sf) =	vpush v4, $0xF;
	v4 =	vadd.s32 v4, v5;
	_ =	sdelay $0x3  }
0x73: {  	v5 =	vadd.s32 s24, v0  }
0x74: {  	[tilespmem:v4+s12+$0x0] =	vst.idx.msk vm0, v5  }
0x75: {  	v4 =	vld [tilespmem:s15+$0xB8];
	_ =	sdelay $0x4  }
0x76: {  	vm15 =	veq.s32 v4, $0x0  }
0x77: {  	v4 =	vsel vm15, $0x1, v1  }
0x78: {  	(xrf0) =	vadd.scan.msk.s32 $0xffff, v4;
	_ =	sdelay $0x5  }
0x79: {  	v4, _, _ =	vpop (xrf0)  }
0x7a: {  	(v2sf) =	vpush v4, $0xF;
	_ =	sdelay $0xd  }
0x7b: {  	s8 =	spop (v2sf)  }
0x7c: {  	v5 =	vsel vm15, $0xFFFFFFFF, v1;
	s7 =	sadd.s32 s7, s8;
	s31 =	spop (v2sf)  }
0x7d: {  	v5 =	vadd.s32 s7, v5;
	s7 =	sadd.s32 s7, s31  }
0x7e: {  	v4 =	vadd.s32 v4, v5;
	p0 =	sgt.s32 s7, $0x0  }
.Ltmp5:
0x7f: {  	_ = 	snop;
	(pc) =	sbr.rel @!p0 .LBB2_8-.Ltmp5, $3  }
0x80: {  	_ =	sdelay $0x1  }
0x81: {  	s21 =	simm.s32 $0x1F400  }
0x82: {  	[tilespmem:v4+s21+$0x0] =	vst.idx.msk vm15, v2  }
0x83: {  	p0 =	sne.s32 s7, $0x1  }
.Ltmp6:
0x84: {  	_ = 	snop;
	(pc) =	sbr.rel @!p0 .LBB2_7-.Ltmp6, $2  }
0x85: {  	_ =	sdelay $0x2  }
0x86: {  	v4 =	vld [tilespmem:s21+$0x0];
	s24 =	sadd.s32 $0xFFFFFFFF, s7  }
.LBB2_6:
0x87: {  	p0 =	sne.s32 s24, $0x1;
	_ =	sdelay $0x3  }
0x88: {  	(v2sf) =	vpush v4, $0x0;
	_ =	sdelay $0xe  }
0x89: {  	s7 =	spop (v2sf)  }
0x8a: {  	s7 =	sshll.u32 s7, $0x8  }
0x8b: {  	s7 =	sshra.s32 s7, $0x2  }
.Ltmp7:
0x8c: {  	[tilespmem:s7+$0x6400] =	vst v3;
	(pc) =	sbr.rel @p0 .LBB2_6-.Ltmp7, $4  }
0x8d: {  	[tilespmem:s7+$0x6410] =	vst v3  }
0x8e: {  	[tilespmem:s7+$0x6420] =	vst v3  }
0x8f: {  	s21 =	sadd.s32 $0x1, s21;
	[tilespmem:s7+$0x6430] =	vst v3  }
0x90: {  	s24 =	sadd.s32 $0xFFFFFFFF, s24;
	v4 =	vld [tilespmem:s21+$0x0]  }
.LBB2_7:
0x91: {  	_ =	sdelay $0x3  }
0x92: {  	(v2sf) =	vpush v4, $0x0;
	_ =	sdelay $0xe  }
0x93: {  	s7 =	spop (v2sf)  }
0x94: {  	s7 =	sshll.u32 s7, $0x8  }
0x95: {  	s7 =	sshra.s32 s7, $0x2  }
0x96: {  	[tilespmem:s7+$0x6400] =	vst v3  }
0x97: {  	[tilespmem:s7+$0x6410] =	vst v3  }
0x98: {  	[tilespmem:s7+$0x6420] =	vst v3  }
0x99: {  	[tilespmem:s7+$0x6430] =	vst v3  }
.LBB2_8:
0x9a: {  	s7 =	sadd.s32 s5, s18  }
0x9b: {  	s7 =	smul.u32 $0x640, s7;
	_ =	sdelay $0x1  }
0x9c: {  	s8 =	simm.s32 $0x6400;
	s7 =	sadd.s32 s2, s7  }
0x9d: {  	[hbm4b:s7+s3] =	stream.linear.scatter [tilespmem:s8], [sflag:$0x9], $0x3200, $0x38;
	[tilespmem:$0x1F4D8] =	vst v63  }
0x9e: {  	s8 =	simm.s32 $0x2  }
0x9f: {  	_ =	swait.ge [sflag:s8], $0x2000  }
0xa0: {  	[sflag:s8] =	ssyncset.done $0x0  }
0xa1: {  	[sflag:s8] =	ssyncadd.s32 $0xFFFFE000  }
0xa2: {  	_ =	swait.ge [sflag:s8], $0x1200  }
0xa3: {  	[sflag:s8] =	ssyncset.done $0x0  }
0xa4: {  	s14 =	simm.s32 $0x9;
	[sflag:s8] =	ssyncadd.s32 $0xFFFFEE00  }
0xa5: {  	p0 =	seq.s32 s11, $0xF;
	_ =	swait.ge [sflag:s14], $0x3200  }
0xa6: {  	s24 =	simm.s32 @!p0 $0x6400;
	[sflag:s14] =	ssyncset.done $0x0  }
0xa7: {  	s7 =	sadd.s32 @!p0 $0x640, s15;
	s8 =	simm.s32 @!p0 $0x80;
	[sflag:s14] =	ssyncadd.s32 $0xFFFFCE00  }
0xa8: {  	[tilespmem:s24], [sflag:$0x1] =	stream.indirect.gather @!p0 [hbm4b:s4+s8], $0x40, s7, s8, $0xb8;
	[tilespmem:$0x1F4D8] =	vst v63  }
0xa9: {  	s7 =	sadd.s32 @!p0 $0x6C0, s15;
	s8 =	simm.s32 @!p0 $0x48;
	s24 =	simm.s32 @!p0 $0x8400  }
0xaa: {  	[tilespmem:s24], [sflag:$0x1] =	stream.indirect.gather @!p0 [hbm4b:s4+s8], $0x40, s7, s8, $0xb8;
	[tilespmem:$0x1F4D8] =	vst v63  }
0xab: {  	v4 =	vld [tilespmem:s0+$0x0];
	_ =	sdelay $0x4  }
0xac: {  	vm0 =	veq.s32 v4, $0x0  }
0xad: {  	v4 =	vsel vm0, $0x1, v1  }
0xae: {  	(xrf0) =	vadd.scan.msk.s32 $0xffff, v4;
	_ =	sdelay $0x4  }
0xaf: {  	s28 =	simm.s32 $0x0;
	v4 =	vsel vm0, $0xFFFFFFFF, v1  }
0xb0: {  	v4 =	vadd.s32 s28, v4;
	v5, _, _ =	vpop (xrf0)  }
0xb1: {  	v4 =	vadd.s32 v5, v4;
	(v2sf) =	vpush v5, $0xF;
	_ =	sdelay $0x2  }
0xb2: {  	s21 =	sor.u32 $0x1, s18  }
0xb3: {  	v6 =	vadd.s32 s28, v0;
	s24 =	smul.u32 $0x320, s21  }
0xb4: {  	s7 =	sadd.s32 $0x10, s0;
	[tilespmem:v4+s12+$0x0] =	vst.idx.msk vm0, v6  }
0xb5: {  	s31 =	simm.s32 $0x10;
	s8 =	simm.s32 $0x20;
	s24 =	sshra.s32 s24, $0x2;
	v4 =	vld [tilespmem:s7+$0x0]  }
.LBB2_9:
0xb6: {  	p1 =	seq.s32 s8, $0xB0;
	_ =	sdelay $0x3  }
0xb7: {  	vm0 =	veq.s32 v4, $0x0  }
0xb8: {  	v4 =	vsel vm0, $0xFFFFFFFF, v1;
	v5 =	vsel vm0, $0x1, v1  }
0xb9: {  	(xrf0) =	vadd.scan.msk.s32 $0xffff, v5;
	_ =	sdelay $0x1  }
0xba: {  	s14 =	spop (v2sf)  }
0xbb: {  	s28 =	sadd.s32 s28, s14  }
0xbc: {  	v4 =	vadd.s32 s28, v4;
	_ =	sdelay $0x1  }
0xbd: {  	v5, _, _ =	vpop (xrf0)  }
0xbe: {  	v4 =	vadd.s32 v5, v4;
	(v2sf) =	vpush v5, $0xF;
	_ =	sdelay $0x1  }
.Ltmp8:
0xbf: {  	(pc) =	sbr.rel @!p1 .LBB2_9-.Ltmp8, $4  }
0xc0: {  	_ = 	snop  }
0xc1: {  	v5 =	vadd.s32 s31, v0;
	s31 =	smov.u32 s8  }
0xc2: {  	s7 =	sadd.s32 $0x10, s7;
	[tilespmem:v4+s12+$0x0] =	vst.idx.msk vm0, v5  }
0xc3: {  	s8 =	sadd.s32 $0x10, s8;
	v4 =	vld [tilespmem:s7+$0x0]  }
0xc4: {  	_ =	sdelay $0x3  }
0xc5: {  	vm0 =	veq.s32 v4, $0x0  }
0xc6: {  	v4 =	vsel vm0, $0x1, v1  }
0xc7: {  	(xrf0) =	vadd.scan.msk.s32 $0xffff, v4;
	_ =	sdelay $0x3  }
0xc8: {  	s7 =	spop (v2sf)  }
0xc9: {  	v5 =	vsel vm0, $0xFFFFFFFF, v1;
	s7 =	sadd.s32 s28, s7  }
0xca: {  	v5 =	vadd.s32 s7, v5;
	v4, _, _ =	vpop (xrf0)  }
0xcb: {  	(v2sf) =	vpush v4, $0xF;
	v4 =	vadd.s32 v4, v5;
	_ =	sdelay $0x3  }
0xcc: {  	v5 =	vadd.s32 s31, v0  }
0xcd: {  	[tilespmem:v4+s12+$0x0] =	vst.idx.msk vm0, v5  }
0xce: {  	v4 =	vld [tilespmem:s24+$0xB8];
	_ =	sdelay $0x4  }
0xcf: {  	vm15 =	veq.s32 v4, $0x0  }
0xd0: {  	v4 =	vsel vm15, $0x1, v1  }
0xd1: {  	(xrf0) =	vadd.scan.msk.s32 $0xffff, v4;
	_ =	sdelay $0x5  }
0xd2: {  	v4, _, _ =	vpop (xrf0)  }
0xd3: {  	(v2sf) =	vpush v4, $0xF;
	_ =	sdelay $0xd  }
0xd4: {  	s8 =	spop (v2sf)  }
0xd5: {  	v5 =	vsel vm15, $0xFFFFFFFF, v1;
	s7 =	sadd.s32 s7, s8;
	s31 =	spop (v2sf)  }
0xd6: {  	v5 =	vadd.s32 s7, v5;
	s7 =	sadd.s32 s7, s31  }
0xd7: {  	v4 =	vadd.s32 v4, v5;
	p1 =	sgt.s32 s7, $0x0  }
.Ltmp9:
0xd8: {  	_ = 	snop;
	(pc) =	sbr.rel @!p1 .LBB2_14-.Ltmp9, $3  }
0xd9: {  	_ =	sdelay $0x1  }
0xda: {  	s24 =	simm.s32 $0x1F400  }
0xdb: {  	[tilespmem:v4+s24+$0x0] =	vst.idx.msk vm15, v2  }
0xdc: {  	p1 =	sne.s32 s7, $0x1  }
.Ltmp10:
0xdd: {  	_ = 	snop;
	(pc) =	sbr.rel @!p1 .LBB2_13-.Ltmp10, $2  }
0xde: {  	_ =	sdelay $0x2  }
0xdf: {  	v4 =	vld [tilespmem:s24+$0x0];
	s7 =	sadd.s32 $0xFFFFFFFF, s7  }
.LBB2_12:
0xe0: {  	p1 =	sne.s32 s7, $0x1;
	_ =	sdelay $0x3  }
0xe1: {  	(v2sf) =	vpush v4, $0x0;
	_ =	sdelay $0xe  }
0xe2: {  	s8 =	spop (v2sf)  }
0xe3: {  	s8 =	sshll.u32 s8, $0x8  }
0xe4: {  	s8 =	sshra.s32 s8, $0x2  }
.Ltmp11:
0xe5: {  	[tilespmem:s8+$0x9600] =	vst v3;
	(pc) =	sbr.rel @p1 .LBB2_12-.Ltmp11, $4  }
0xe6: {  	[tilespmem:s8+$0x9610] =	vst v3  }
0xe7: {  	[tilespmem:s8+$0x9620] =	vst v3  }
0xe8: {  	s24 =	sadd.s32 $0x1, s24;
	[tilespmem:s8+$0x9630] =	vst v3  }
0xe9: {  	s7 =	sadd.s32 $0xFFFFFFFF, s7;
	v4 =	vld [tilespmem:s24+$0x0]  }
.LBB2_13:
0xea: {  	_ =	sdelay $0x3  }
0xeb: {  	(v2sf) =	vpush v4, $0x0;
	_ =	sdelay $0xe  }
0xec: {  	s7 =	spop (v2sf)  }
0xed: {  	s7 =	sshll.u32 s7, $0x8  }
0xee: {  	s7 =	sshra.s32 s7, $0x2  }
0xef: {  	[tilespmem:s7+$0x9600] =	vst v3  }
0xf0: {  	[tilespmem:s7+$0x9610] =	vst v3  }
0xf1: {  	[tilespmem:s7+$0x9620] =	vst v3  }
0xf2: {  	[tilespmem:s7+$0x9630] =	vst v3  }
.LBB2_14:
0xf3: {  	s7 =	sadd.s32 s5, s21  }
0xf4: {  	s7 =	smul.u32 $0x640, s7;
	_ =	sdelay $0x1  }
0xf5: {  	s8 =	simm.s32 $0x9600;
	s7 =	sadd.s32 s2, s7  }
0xf6: {  	[hbm4b:s7+s3] =	stream.linear.scatter [tilespmem:s8], [sflag:$0xA], $0x3200, $0x38;
	[tilespmem:$0x1F4D8] =	vst v63  }
0xf7: {  	_ =	swait.ge [sflag:s17], $0x2000  }
0xf8: {  	[sflag:s17] =	ssyncset.done $0x0  }
0xf9: {  	[sflag:s17] =	ssyncadd.s32 $0xFFFFE000  }
0xfa: {  	_ =	swait.ge [sflag:s17], $0x1200  }
0xfb: {  	[sflag:s17] =	ssyncset.done $0x0  }
0xfc: {  	s14 =	simm.s32 $0xA;
	[sflag:s17] =	ssyncadd.s32 $0xFFFFEE00  }
0xfd: {  	_ =	swait.ge [sflag:s14], $0x3200  }
0xfe: {  	s7 =	sadd.s32 @!p0 $0x708, s15;
	[sflag:s14] =	ssyncset.done $0x0  }
0xff: {  	s8 =	simm.s32 @!p0 $0x80;
	[sflag:s14] =	ssyncadd.s32 $0xFFFFCE00;
	s14 =	simm.s32 @!p0 $0x9600  }
0x100: {  	[tilespmem:s14], [sflag:$0x2] =	stream.indirect.gather @!p0 [hbm4b:s4+s8], $0x40, s7, s8, $0xb8;
	[tilespmem:$0x1F4D8] =	vst v63  }
0x101: {  	s7 =	sadd.s32 @!p0 $0x788, s15;
	s8 =	simm.s32 @!p0 $0x48;
	s14 =	simm.s32 @!p0 $0xB600  }
0x102: {  	[tilespmem:s14], [sflag:$0x2] =	stream.indirect.gather @!p0 [hbm4b:s4+s8], $0x40, s7, s8, $0xb8;
	[tilespmem:$0x1F4D8] =	vst v63  }
0x103: {  	v4 =	vld [tilespmem:s10+$0x0];
	_ =	sdelay $0x4  }
0x104: {  	vm0 =	veq.s32 v4, $0x0  }
0x105: {  	v4 =	vsel vm0, $0x1, v1  }
0x106: {  	(xrf0) =	vadd.scan.msk.s32 $0xffff, v4;
	_ =	sdelay $0x4  }
0x107: {  	s28 =	simm.s32 $0x0;
	v4 =	vsel vm0, $0xFFFFFFFF, v1  }
0x108: {  	v4 =	vadd.s32 s28, v4;
	v5, _, _ =	vpop (xrf0)  }
0x109: {  	v4 =	vadd.s32 v5, v4;
	(v2sf) =	vpush v5, $0xF;
	_ =	sdelay $0x2  }
0x10a: {  	s21 =	sor.u32 $0x2, s18  }
0x10b: {  	s24 =	smul.u32 $0x320, s21;
	v6 =	vadd.s32 s28, v0  }
0x10c: {  	s7 =	sadd.s32 $0x10, s10;
	[tilespmem:v4+s12+$0x0] =	vst.idx.msk vm0, v6  }
0x10d: {  	s31 =	simm.s32 $0x10;
	s24 =	sshra.s32 s24, $0x2;
	s8 =	simm.s32 $0x20;
	v4 =	vld [tilespmem:s7+$0x0]  }
.LBB2_15:
0x10e: {  	p1 =	seq.s32 s8, $0xB0;
	_ =	sdelay $0x3  }
0x10f: {  	vm0 =	veq.s32 v4, $0x0  }
0x110: {  	v4 =	vsel vm0, $0xFFFFFFFF, v1;
	v5 =	vsel vm0, $0x1, v1  }
0x111: {  	(xrf0) =	vadd.scan.msk.s32 $0xffff, v5;
	_ =	sdelay $0x1  }
0x112: {  	s14 =	spop (v2sf)  }
0x113: {  	s28 =	sadd.s32 s28, s14  }
0x114: {  	v4 =	vadd.s32 s28, v4;
	_ =	sdelay $0x1  }
0x115: {  	v5, _, _ =	vpop (xrf0)  }
0x116: {  	v4 =	vadd.s32 v5, v4;
	(v2sf) =	vpush v5, $0xF;
	_ =	sdelay $0x1  }
.Ltmp12:
0x117: {  	(pc) =	sbr.rel @!p1 .LBB2_15-.Ltmp12, $4  }
0x118: {  	_ = 	snop  }
0x119: {  	v5 =	vadd.s32 s31, v0;
	s31 =	smov.u32 s8  }
0x11a: {  	s7 =	sadd.s32 $0x10, s7;
	[tilespmem:v4+s12+$0x0] =	vst.idx.msk vm0, v5  }
0x11b: {  	s8 =	sadd.s32 $0x10, s8;
	v4 =	vld [tilespmem:s7+$0x0]  }
0x11c: {  	_ =	sdelay $0x3  }
0x11d: {  	vm0 =	veq.s32 v4, $0x0  }
0x11e: {  	v4 =	vsel vm0, $0x1, v1  }
0x11f: {  	(xrf0) =	vadd.scan.msk.s32 $0xffff, v4;
	_ =	sdelay $0x3  }
0x120: {  	s7 =	spop (v2sf)  }
0x121: {  	v5 =	vsel vm0, $0xFFFFFFFF, v1;
	s7 =	sadd.s32 s28, s7  }
0x122: {  	v5 =	vadd.s32 s7, v5;
	v4, _, _ =	vpop (xrf0)  }
0x123: {  	(v2sf) =	vpush v4, $0xF;
	v4 =	vadd.s32 v4, v5;
	_ =	sdelay $0x3  }
0x124: {  	v5 =	vadd.s32 s31, v0  }
0x125: {  	[tilespmem:v4+s12+$0x0] =	vst.idx.msk vm0, v5  }
0x126: {  	v4 =	vld [tilespmem:s24+$0xB8];
	_ =	sdelay $0x4  }
0x127: {  	vm15 =	veq.s32 v4, $0x0  }
0x128: {  	v4 =	vsel vm15, $0x1, v1  }
0x129: {  	(xrf0) =	vadd.scan.msk.s32 $0xffff, v4;
	_ =	sdelay $0x5  }
0x12a: {  	v4, _, _ =	vpop (xrf0)  }
0x12b: {  	(v2sf) =	vpush v4, $0xF;
	_ =	sdelay $0xd  }
0x12c: {  	s8 =	spop (v2sf)  }
0x12d: {  	v5 =	vsel vm15, $0xFFFFFFFF, v1;
	s7 =	sadd.s32 s7, s8;
	s31 =	spop (v2sf)  }
0x12e: {  	v5 =	vadd.s32 s7, v5;
	s7 =	sadd.s32 s7, s31  }
0x12f: {  	v4 =	vadd.s32 v4, v5;
	p1 =	sgt.s32 s7, $0x0  }
.Ltmp13:
0x130: {  	_ = 	snop;
	(pc) =	sbr.rel @!p1 .LBB2_20-.Ltmp13, $3  }
0x131: {  	_ =	sdelay $0x1  }
0x132: {  	s24 =	simm.s32 $0x1F400  }
0x133: {  	[tilespmem:v4+s24+$0x0] =	vst.idx.msk vm15, v2  }
0x134: {  	p1 =	sne.s32 s7, $0x1  }
.Ltmp14:
0x135: {  	_ = 	snop;
	(pc) =	sbr.rel @!p1 .LBB2_19-.Ltmp14, $2  }
0x136: {  	_ =	sdelay $0x2  }
0x137: {  	v4 =	vld [tilespmem:s24+$0x0];
	s7 =	sadd.s32 $0xFFFFFFFF, s7  }
.LBB2_18:
0x138: {  	p1 =	sne.s32 s7, $0x1;
	_ =	sdelay $0x3  }
0x139: {  	(v2sf) =	vpush v4, $0x0;
	_ =	sdelay $0xe  }
0x13a: {  	s8 =	spop (v2sf)  }
0x13b: {  	s8 =	sshll.u32 s8, $0x8  }
0x13c: {  	s8 =	sshra.s32 s8, $0x2  }
.Ltmp15:
0x13d: {  	[tilespmem:s8+$0xC800] =	vst v3;
	(pc) =	sbr.rel @p1 .LBB2_18-.Ltmp15, $4  }
0x13e: {  	[tilespmem:s8+$0xC810] =	vst v3  }
0x13f: {  	[tilespmem:s8+$0xC820] =	vst v3  }
0x140: {  	s24 =	sadd.s32 $0x1, s24;
	[tilespmem:s8+$0xC830] =	vst v3  }
0x141: {  	s7 =	sadd.s32 $0xFFFFFFFF, s7;
	v4 =	vld [tilespmem:s24+$0x0]  }
.LBB2_19:
0x142: {  	_ =	sdelay $0x3  }
0x143: {  	(v2sf) =	vpush v4, $0x0;
	_ =	sdelay $0xe  }
0x144: {  	s7 =	spop (v2sf)  }
0x145: {  	s7 =	sshll.u32 s7, $0x8  }
0x146: {  	s7 =	sshra.s32 s7, $0x2  }
0x147: {  	[tilespmem:s7+$0xC800] =	vst v3  }
0x148: {  	[tilespmem:s7+$0xC810] =	vst v3  }
0x149: {  	[tilespmem:s7+$0xC820] =	vst v3  }
0x14a: {  	[tilespmem:s7+$0xC830] =	vst v3  }
.LBB2_20:
0x14b: {  	s7 =	sadd.s32 s5, s21  }
0x14c: {  	s7 =	smul.u32 $0x640, s7;
	_ =	sdelay $0x1  }
0x14d: {  	s8 =	simm.s32 $0xC800;
	s7 =	sadd.s32 s2, s7  }
0x14e: {  	[hbm4b:s7+s3] =	stream.linear.scatter [tilespmem:s8], [sflag:$0xB], $0x3200, $0x38;
	[tilespmem:$0x1F4D8] =	vst v63  }
0x14f: {  	_ =	swait.ge [sflag:s20], $0x2000  }
0x150: {  	[sflag:s20] =	ssyncset.done $0x0  }
0x151: {  	[sflag:s20] =	ssyncadd.s32 $0xFFFFE000  }
0x152: {  	_ =	swait.ge [sflag:s20], $0x1200  }
0x153: {  	[sflag:s20] =	ssyncset.done $0x0  }
0x154: {  	s14 =	simm.s32 $0xB;
	[sflag:s20] =	ssyncadd.s32 $0xFFFFEE00  }
0x155: {  	_ =	swait.ge [sflag:s14], $0x3200  }
0x156: {  	s7 =	sadd.s32 @!p0 $0x7D0, s15;
	[sflag:s14] =	ssyncset.done $0x0  }
0x157: {  	s8 =	simm.s32 @!p0 $0x80;
	[sflag:s14] =	ssyncadd.s32 $0xFFFFCE00;
	s14 =	simm.s32 @!p0 $0xC800  }
0x158: {  	[tilespmem:s14], [sflag:$0x3] =	stream.indirect.gather @!p0 [hbm4b:s4+s8], $0x40, s7, s8, $0xb8;
	[tilespmem:$0x1F4D8] =	vst v63  }
0x159: {  	s7 =	sadd.s32 @!p0 $0x850, s15;
	s8 =	simm.s32 @!p0 $0x48;
	s14 =	simm.s32 @!p0 $0xE800  }
0x15a: {  	[tilespmem:s14], [sflag:$0x3] =	stream.indirect.gather @!p0 [hbm4b:s4+s8], $0x40, s7, s8, $0xb8;
	[tilespmem:$0x1F4D8] =	vst v63  }
0x15b: {  	v4 =	vld [tilespmem:s13+$0x0];
	_ =	sdelay $0x4  }
0x15c: {  	vm0 =	veq.s32 v4, $0x0  }
0x15d: {  	v4 =	vsel vm0, $0x1, v1  }
0x15e: {  	(xrf0) =	vadd.scan.msk.s32 $0xffff, v4;
	_ =	sdelay $0x4  }
0x15f: {  	s28 =	simm.s32 $0x0;
	v4 =	vsel vm0, $0xFFFFFFFF, v1  }
0x160: {  	v4 =	vadd.s32 s28, v4;
	v5, _, _ =	vpop (xrf0)  }
0x161: {  	v4 =	vadd.s32 v5, v4;
	(v2sf) =	vpush v5, $0xF;
	_ =	sdelay $0x2  }
0x162: {  	s21 =	sor.u32 $0x3, s18  }
0x163: {  	s24 =	smul.u32 $0x320, s21;
	v6 =	vadd.s32 s28, v0  }
0x164: {  	s7 =	sadd.s32 $0x10, s13;
	[tilespmem:v4+s12+$0x0] =	vst.idx.msk vm0, v6  }
0x165: {  	s31 =	simm.s32 $0x10;
	s24 =	sshra.s32 s24, $0x2;
	s8 =	simm.s32 $0x20;
	v4 =	vld [tilespmem:s7+$0x0]  }
.LBB2_21:
0x166: {  	p1 =	seq.s32 s8, $0xB0;
	_ =	sdelay $0x3  }
0x167: {  	vm0 =	veq.s32 v4, $0x0  }
0x168: {  	v4 =	vsel vm0, $0xFFFFFFFF, v1;
	v5 =	vsel vm0, $0x1, v1  }
0x169: {  	(xrf0) =	vadd.scan.msk.s32 $0xffff, v5;
	_ =	sdelay $0x1  }
0x16a: {  	s14 =	spop (v2sf)  }
0x16b: {  	s28 =	sadd.s32 s28, s14  }
0x16c: {  	v4 =	vadd.s32 s28, v4;
	_ =	sdelay $0x1  }
0x16d: {  	v5, _, _ =	vpop (xrf0)  }
0x16e: {  	v4 =	vadd.s32 v5, v4;
	(v2sf) =	vpush v5, $0xF;
	_ =	sdelay $0x1  }
.Ltmp16:
0x16f: {  	(pc) =	sbr.rel @!p1 .LBB2_21-.Ltmp16, $4  }
0x170: {  	_ = 	snop  }
0x171: {  	v5 =	vadd.s32 s31, v0;
	s31 =	smov.u32 s8  }
0x172: {  	s7 =	sadd.s32 $0x10, s7;
	[tilespmem:v4+s12+$0x0] =	vst.idx.msk vm0, v5  }
0x173: {  	s8 =	sadd.s32 $0x10, s8;
	v4 =	vld [tilespmem:s7+$0x0]  }
0x174: {  	_ =	sdelay $0x3  }
0x175: {  	vm0 =	veq.s32 v4, $0x0  }
0x176: {  	v4 =	vsel vm0, $0x1, v1  }
0x177: {  	(xrf0) =	vadd.scan.msk.s32 $0xffff, v4;
	_ =	sdelay $0x3  }
0x178: {  	s7 =	spop (v2sf)  }
0x179: {  	v5 =	vsel vm0, $0xFFFFFFFF, v1;
	s7 =	sadd.s32 s28, s7  }
0x17a: {  	v5 =	vadd.s32 s7, v5;
	v4, _, _ =	vpop (xrf0)  }
0x17b: {  	(v2sf) =	vpush v4, $0xF;
	v4 =	vadd.s32 v4, v5;
	_ =	sdelay $0x3  }
0x17c: {  	v5 =	vadd.s32 s31, v0  }
0x17d: {  	[tilespmem:v4+s12+$0x0] =	vst.idx.msk vm0, v5  }
0x17e: {  	v4 =	vld [tilespmem:s24+$0xB8];
	_ =	sdelay $0x4  }
0x17f: {  	vm15 =	veq.s32 v4, $0x0  }
0x180: {  	v4 =	vsel vm15, $0x1, v1  }
0x181: {  	(xrf0) =	vadd.scan.msk.s32 $0xffff, v4;
	_ =	sdelay $0x5  }
0x182: {  	v4, _, _ =	vpop (xrf0)  }
0x183: {  	(v2sf) =	vpush v4, $0xF;
	_ =	sdelay $0xd  }
0x184: {  	s8 =	spop (v2sf)  }
0x185: {  	v5 =	vsel vm15, $0xFFFFFFFF, v1;
	s7 =	sadd.s32 s7, s8;
	s31 =	spop (v2sf)  }
0x186: {  	v5 =	vadd.s32 s7, v5;
	s7 =	sadd.s32 s7, s31  }
0x187: {  	v4 =	vadd.s32 v4, v5;
	p1 =	sgt.s32 s7, $0x0  }
.Ltmp17:
0x188: {  	_ = 	snop;
	(pc) =	sbr.rel @!p1 .LBB2_26-.Ltmp17, $3  }
0x189: {  	_ =	sdelay $0x1  }
0x18a: {  	s24 =	simm.s32 $0x1F400  }
0x18b: {  	[tilespmem:v4+s24+$0x0] =	vst.idx.msk vm15, v2  }
0x18c: {  	p1 =	sne.s32 s7, $0x1  }
.Ltmp18:
0x18d: {  	_ = 	snop;
	(pc) =	sbr.rel @!p1 .LBB2_25-.Ltmp18, $2  }
0x18e: {  	_ =	sdelay $0x2  }
0x18f: {  	v4 =	vld [tilespmem:s24+$0x0];
	s7 =	sadd.s32 $0xFFFFFFFF, s7  }
.LBB2_24:
0x190: {  	p1 =	sne.s32 s7, $0x1;
	_ =	sdelay $0x3  }
0x191: {  	(v2sf) =	vpush v4, $0x0;
	_ =	sdelay $0xe  }
0x192: {  	s8 =	spop (v2sf)  }
0x193: {  	s8 =	sshll.u32 s8, $0x8  }
0x194: {  	s8 =	sshra.s32 s8, $0x2  }
.Ltmp19:
0x195: {  	[tilespmem:s8+$0xFA00] =	vst v3;
	(pc) =	sbr.rel @p1 .LBB2_24-.Ltmp19, $4  }
0x196: {  	[tilespmem:s8+$0xFA10] =	vst v3  }
0x197: {  	[tilespmem:s8+$0xFA20] =	vst v3  }
0x198: {  	s24 =	sadd.s32 $0x1, s24;
	[tilespmem:s8+$0xFA30] =	vst v3  }
0x199: {  	s7 =	sadd.s32 $0xFFFFFFFF, s7;
	v4 =	vld [tilespmem:s24+$0x0]  }
.LBB2_25:
0x19a: {  	_ =	sdelay $0x3  }
0x19b: {  	(v2sf) =	vpush v4, $0x0;
	_ =	sdelay $0xe  }
0x19c: {  	s7 =	spop (v2sf)  }
0x19d: {  	s7 =	sshll.u32 s7, $0x8  }
0x19e: {  	s7 =	sshra.s32 s7, $0x2  }
0x19f: {  	[tilespmem:s7+$0xFA00] =	vst v3  }
0x1a0: {  	[tilespmem:s7+$0xFA10] =	vst v3  }
0x1a1: {  	[tilespmem:s7+$0xFA20] =	vst v3  }
0x1a2: {  	[tilespmem:s7+$0xFA30] =	vst v3  }
.LBB2_26:
0x1a3: {  	s7 =	sadd.s32 s5, s21  }
0x1a4: {  	s7 =	smul.u32 $0x640, s7;
	_ =	sdelay $0x1  }
0x1a5: {  	s8 =	simm.s32 $0xFA00;
	s7 =	sadd.s32 s2, s7  }
0x1a6: {  	[hbm4b:s7+s3] =	stream.linear.scatter [tilespmem:s8], [sflag:$0xC], $0x3200, $0x38;
	[tilespmem:$0x1F4D8] =	vst v63  }
0x1a7: {  	_ =	swait.ge [sflag:s23], $0x2000  }
0x1a8: {  	[sflag:s23] =	ssyncset.done $0x0  }
0x1a9: {  	[sflag:s23] =	ssyncadd.s32 $0xFFFFE000  }
0x1aa: {  	_ =	swait.ge [sflag:s23], $0x1200  }
0x1ab: {  	[sflag:s23] =	ssyncset.done $0x0  }
0x1ac: {  	s14 =	simm.s32 $0xC;
	[sflag:s23] =	ssyncadd.s32 $0xFFFFEE00  }
0x1ad: {  	_ =	swait.ge [sflag:s14], $0x3200  }
0x1ae: {  	s7 =	sadd.s32 @!p0 $0x898, s15;
	[sflag:s14] =	ssyncset.done $0x0  }
0x1af: {  	s8 =	simm.s32 @!p0 $0x80;
	[sflag:s14] =	ssyncadd.s32 $0xFFFFCE00;
	s14 =	simm.s32 @!p0 $0xFA00  }
0x1b0: {  	[tilespmem:s14], [sflag:$0x4] =	stream.indirect.gather @!p0 [hbm4b:s4+s8], $0x40, s7, s8, $0xb8;
	[tilespmem:$0x1F4D8] =	vst v63  }
0x1b1: {  	s7 =	sadd.s32 @!p0 $0x918, s15;
	s8 =	simm.s32 @!p0 $0x48;
	s14 =	simm.s32 @!p0 $0x11A00  }
0x1b2: {  	[tilespmem:s14], [sflag:$0x4] =	stream.indirect.gather @!p0 [hbm4b:s4+s8], $0x40, s7, s8, $0xb8;
	[tilespmem:$0x1F4D8] =	vst v63  }
0x1b3: {  	v4 =	vld [tilespmem:s16+$0x0];
	_ =	sdelay $0x4  }
0x1b4: {  	vm0 =	veq.s32 v4, $0x0  }
0x1b5: {  	v4 =	vsel vm0, $0x1, v1  }
0x1b6: {  	(xrf0) =	vadd.scan.msk.s32 $0xffff, v4;
	_ =	sdelay $0x4  }
0x1b7: {  	s28 =	simm.s32 $0x0;
	v4 =	vsel vm0, $0xFFFFFFFF, v1  }
0x1b8: {  	v4 =	vadd.s32 s28, v4;
	v5, _, _ =	vpop (xrf0)  }
0x1b9: {  	v4 =	vadd.s32 v5, v4;
	(v2sf) =	vpush v5, $0xF;
	_ =	sdelay $0x2  }
0x1ba: {  	s21 =	sor.u32 $0x4, s18  }
0x1bb: {  	s24 =	smul.u32 $0x320, s21;
	v6 =	vadd.s32 s28, v0  }
0x1bc: {  	s7 =	sadd.s32 $0x10, s16;
	[tilespmem:v4+s12+$0x0] =	vst.idx.msk vm0, v6  }
0x1bd: {  	s31 =	simm.s32 $0x10;
	s24 =	sshra.s32 s24, $0x2;
	s8 =	simm.s32 $0x20;
	v4 =	vld [tilespmem:s7+$0x0]  }
.LBB2_27:
0x1be: {  	p1 =	seq.s32 s8, $0xB0;
	_ =	sdelay $0x3  }
0x1bf: {  	vm0 =	veq.s32 v4, $0x0  }
0x1c0: {  	v4 =	vsel vm0, $0xFFFFFFFF, v1;
	v5 =	vsel vm0, $0x1, v1  }
0x1c1: {  	(xrf0) =	vadd.scan.msk.s32 $0xffff, v5;
	_ =	sdelay $0x1  }
0x1c2: {  	s14 =	spop (v2sf)  }
0x1c3: {  	s28 =	sadd.s32 s28, s14  }
0x1c4: {  	v4 =	vadd.s32 s28, v4;
	_ =	sdelay $0x1  }
0x1c5: {  	v5, _, _ =	vpop (xrf0)  }
0x1c6: {  	v4 =	vadd.s32 v5, v4;
	(v2sf) =	vpush v5, $0xF;
	_ =	sdelay $0x1  }
.Ltmp20:
0x1c7: {  	(pc) =	sbr.rel @!p1 .LBB2_27-.Ltmp20, $4  }
0x1c8: {  	_ = 	snop  }
0x1c9: {  	v5 =	vadd.s32 s31, v0;
	s31 =	smov.u32 s8  }
0x1ca: {  	s7 =	sadd.s32 $0x10, s7;
	[tilespmem:v4+s12+$0x0] =	vst.idx.msk vm0, v5  }
0x1cb: {  	s8 =	sadd.s32 $0x10, s8;
	v4 =	vld [tilespmem:s7+$0x0]  }
0x1cc: {  	_ =	sdelay $0x3  }
0x1cd: {  	vm0 =	veq.s32 v4, $0x0  }
0x1ce: {  	v4 =	vsel vm0, $0x1, v1  }
0x1cf: {  	(xrf0) =	vadd.scan.msk.s32 $0xffff, v4;
	_ =	sdelay $0x3  }
0x1d0: {  	s7 =	spop (v2sf)  }
0x1d1: {  	v5 =	vsel vm0, $0xFFFFFFFF, v1;
	s7 =	sadd.s32 s28, s7  }
0x1d2: {  	v5 =	vadd.s32 s7, v5;
	v4, _, _ =	vpop (xrf0)  }
0x1d3: {  	(v2sf) =	vpush v4, $0xF;
	v4 =	vadd.s32 v4, v5;
	_ =	sdelay $0x3  }
0x1d4: {  	v5 =	vadd.s32 s31, v0  }
0x1d5: {  	[tilespmem:v4+s12+$0x0] =	vst.idx.msk vm0, v5  }
0x1d6: {  	v4 =	vld [tilespmem:s24+$0xB8];
	_ =	sdelay $0x4  }
0x1d7: {  	vm15 =	veq.s32 v4, $0x0  }
0x1d8: {  	v4 =	vsel vm15, $0x1, v1  }
0x1d9: {  	(xrf0) =	vadd.scan.msk.s32 $0xffff, v4;
	_ =	sdelay $0x5  }
0x1da: {  	v4, _, _ =	vpop (xrf0)  }
0x1db: {  	(v2sf) =	vpush v4, $0xF;
	_ =	sdelay $0xd  }
0x1dc: {  	s8 =	spop (v2sf)  }
0x1dd: {  	v5 =	vsel vm15, $0xFFFFFFFF, v1;
	s7 =	sadd.s32 s7, s8;
	s31 =	spop (v2sf)  }
0x1de: {  	v5 =	vadd.s32 s7, v5;
	s7 =	sadd.s32 s7, s31  }
0x1df: {  	v4 =	vadd.s32 v4, v5;
	p1 =	sgt.s32 s7, $0x0  }
.Ltmp21:
0x1e0: {  	_ = 	snop;
	(pc) =	sbr.rel @!p1 .LBB2_32-.Ltmp21, $3  }
0x1e1: {  	_ =	sdelay $0x1  }
0x1e2: {  	s24 =	simm.s32 $0x1F400  }
0x1e3: {  	[tilespmem:v4+s24+$0x0] =	vst.idx.msk vm15, v2  }
0x1e4: {  	p1 =	sne.s32 s7, $0x1  }
.Ltmp22:
0x1e5: {  	_ = 	snop;
	(pc) =	sbr.rel @!p1 .LBB2_31-.Ltmp22, $2  }
0x1e6: {  	_ =	sdelay $0x2  }
0x1e7: {  	v4 =	vld [tilespmem:s24+$0x0];
	s7 =	sadd.s32 $0xFFFFFFFF, s7  }
.LBB2_30:
0x1e8: {  	p1 =	sne.s32 s7, $0x1;
	_ =	sdelay $0x3  }
0x1e9: {  	(v2sf) =	vpush v4, $0x0;
	_ =	sdelay $0xe  }
0x1ea: {  	s8 =	spop (v2sf)  }
0x1eb: {  	s8 =	sshll.u32 s8, $0x8  }
0x1ec: {  	s8 =	sshra.s32 s8, $0x2  }
.Ltmp23:
0x1ed: {  	[tilespmem:s8+$0x12C00] =	vst v3;
	(pc) =	sbr.rel @p1 .LBB2_30-.Ltmp23, $4  }
0x1ee: {  	[tilespmem:s8+$0x12C10] =	vst v3  }
0x1ef: {  	[tilespmem:s8+$0x12C20] =	vst v3  }
0x1f0: {  	s24 =	sadd.s32 $0x1, s24;
	[tilespmem:s8+$0x12C30] =	vst v3  }
0x1f1: {  	s7 =	sadd.s32 $0xFFFFFFFF, s7;
	v4 =	vld [tilespmem:s24+$0x0]  }
.LBB2_31:
0x1f2: {  	_ =	sdelay $0x3  }
0x1f3: {  	(v2sf) =	vpush v4, $0x0;
	_ =	sdelay $0xe  }
0x1f4: {  	s7 =	spop (v2sf)  }
0x1f5: {  	s7 =	sshll.u32 s7, $0x8  }
0x1f6: {  	s7 =	sshra.s32 s7, $0x2  }
0x1f7: {  	[tilespmem:s7+$0x12C00] =	vst v3  }
0x1f8: {  	[tilespmem:s7+$0x12C10] =	vst v3  }
0x1f9: {  	[tilespmem:s7+$0x12C20] =	vst v3  }
0x1fa: {  	[tilespmem:s7+$0x12C30] =	vst v3  }
.LBB2_32:
0x1fb: {  	s7 =	sadd.s32 s5, s21  }
0x1fc: {  	s7 =	smul.u32 $0x640, s7;
	_ =	sdelay $0x1  }
0x1fd: {  	s8 =	simm.s32 $0x12C00;
	s7 =	sadd.s32 s2, s7  }
0x1fe: {  	[hbm4b:s7+s3] =	stream.linear.scatter [tilespmem:s8], [sflag:$0xD], $0x3200, $0x38;
	[tilespmem:$0x1F4D8] =	vst v63  }
0x1ff: {  	_ =	swait.ge [sflag:s26], $0x2000  }
0x200: {  	[sflag:s26] =	ssyncset.done $0x0  }
0x201: {  	[sflag:s26] =	ssyncadd.s32 $0xFFFFE000  }
0x202: {  	_ =	swait.ge [sflag:s26], $0x1200  }
0x203: {  	[sflag:s26] =	ssyncset.done $0x0  }
0x204: {  	s14 =	simm.s32 $0xD;
	[sflag:s26] =	ssyncadd.s32 $0xFFFFEE00  }
0x205: {  	_ =	swait.ge [sflag:s14], $0x3200  }
0x206: {  	s7 =	sadd.s32 @!p0 $0x960, s15;
	[sflag:s14] =	ssyncset.done $0x0  }
0x207: {  	s8 =	simm.s32 @!p0 $0x80;
	[sflag:s14] =	ssyncadd.s32 $0xFFFFCE00;
	s14 =	simm.s32 @!p0 $0x12C00  }
0x208: {  	[tilespmem:s14], [sflag:$0x5] =	stream.indirect.gather @!p0 [hbm4b:s4+s8], $0x40, s7, s8, $0xb8;
	[tilespmem:$0x1F4D8] =	vst v63  }
0x209: {  	s7 =	sadd.s32 @!p0 $0x9E0, s15;
	s8 =	simm.s32 @!p0 $0x48;
	s14 =	simm.s32 @!p0 $0x14C00  }
0x20a: {  	[tilespmem:s14], [sflag:$0x5] =	stream.indirect.gather @!p0 [hbm4b:s4+s8], $0x40, s7, s8, $0xb8;
	[tilespmem:$0x1F4D8] =	vst v63  }
0x20b: {  	v4 =	vld [tilespmem:s19+$0x0];
	_ =	sdelay $0x4  }
0x20c: {  	vm0 =	veq.s32 v4, $0x0  }
0x20d: {  	v4 =	vsel vm0, $0x1, v1  }
0x20e: {  	(xrf0) =	vadd.scan.msk.s32 $0xffff, v4;
	_ =	sdelay $0x4  }
0x20f: {  	s28 =	simm.s32 $0x0;
	v4 =	vsel vm0, $0xFFFFFFFF, v1  }
0x210: {  	v4 =	vadd.s32 s28, v4;
	v5, _, _ =	vpop (xrf0)  }
0x211: {  	v4 =	vadd.s32 v5, v4;
	(v2sf) =	vpush v5, $0xF;
	_ =	sdelay $0x2  }
0x212: {  	s21 =	sor.u32 $0x5, s18  }
0x213: {  	s24 =	smul.u32 $0x320, s21;
	v6 =	vadd.s32 s28, v0  }
0x214: {  	s7 =	sadd.s32 $0x10, s19;
	[tilespmem:v4+s12+$0x0] =	vst.idx.msk vm0, v6  }
0x215: {  	s31 =	simm.s32 $0x10;
	s24 =	sshra.s32 s24, $0x2;
	s8 =	simm.s32 $0x20;
	v4 =	vld [tilespmem:s7+$0x0]  }
.LBB2_33:
0x216: {  	p1 =	seq.s32 s8, $0xB0;
	_ =	sdelay $0x3  }
0x217: {  	vm0 =	veq.s32 v4, $0x0  }
0x218: {  	v4 =	vsel vm0, $0xFFFFFFFF, v1;
	v5 =	vsel vm0, $0x1, v1  }
0x219: {  	(xrf0) =	vadd.scan.msk.s32 $0xffff, v5;
	_ =	sdelay $0x1  }
0x21a: {  	s14 =	spop (v2sf)  }
0x21b: {  	s28 =	sadd.s32 s28, s14  }
0x21c: {  	v4 =	vadd.s32 s28, v4;
	_ =	sdelay $0x1  }
0x21d: {  	v5, _, _ =	vpop (xrf0)  }
0x21e: {  	v4 =	vadd.s32 v5, v4;
	(v2sf) =	vpush v5, $0xF;
	_ =	sdelay $0x1  }
.Ltmp24:
0x21f: {  	(pc) =	sbr.rel @!p1 .LBB2_33-.Ltmp24, $4  }
0x220: {  	_ = 	snop  }
0x221: {  	v5 =	vadd.s32 s31, v0;
	s31 =	smov.u32 s8  }
0x222: {  	s7 =	sadd.s32 $0x10, s7;
	[tilespmem:v4+s12+$0x0] =	vst.idx.msk vm0, v5  }
0x223: {  	s8 =	sadd.s32 $0x10, s8;
	v4 =	vld [tilespmem:s7+$0x0]  }
0x224: {  	_ =	sdelay $0x3  }
0x225: {  	vm0 =	veq.s32 v4, $0x0  }
0x226: {  	v4 =	vsel vm0, $0x1, v1  }
0x227: {  	(xrf0) =	vadd.scan.msk.s32 $0xffff, v4;
	_ =	sdelay $0x3  }
0x228: {  	s7 =	spop (v2sf)  }
0x229: {  	v5 =	vsel vm0, $0xFFFFFFFF, v1;
	s7 =	sadd.s32 s28, s7  }
0x22a: {  	v5 =	vadd.s32 s7, v5;
	v4, _, _ =	vpop (xrf0)  }
0x22b: {  	(v2sf) =	vpush v4, $0xF;
	v4 =	vadd.s32 v4, v5;
	_ =	sdelay $0x3  }
0x22c: {  	v5 =	vadd.s32 s31, v0  }
0x22d: {  	[tilespmem:v4+s12+$0x0] =	vst.idx.msk vm0, v5  }
0x22e: {  	v4 =	vld [tilespmem:s24+$0xB8];
	_ =	sdelay $0x4  }
0x22f: {  	vm15 =	veq.s32 v4, $0x0  }
0x230: {  	v4 =	vsel vm15, $0x1, v1  }
0x231: {  	(xrf0) =	vadd.scan.msk.s32 $0xffff, v4;
	_ =	sdelay $0x5  }
0x232: {  	v4, _, _ =	vpop (xrf0)  }
0x233: {  	(v2sf) =	vpush v4, $0xF;
	_ =	sdelay $0xd  }
0x234: {  	s8 =	spop (v2sf)  }
0x235: {  	v5 =	vsel vm15, $0xFFFFFFFF, v1;
	s7 =	sadd.s32 s7, s8;
	s31 =	spop (v2sf)  }
0x236: {  	v5 =	vadd.s32 s7, v5;
	s7 =	sadd.s32 s7, s31  }
0x237: {  	v4 =	vadd.s32 v4, v5;
	p1 =	sgt.s32 s7, $0x0  }
.Ltmp25:
0x238: {  	_ = 	snop;
	(pc) =	sbr.rel @!p1 .LBB2_38-.Ltmp25, $3  }
0x239: {  	_ =	sdelay $0x1  }
0x23a: {  	s24 =	simm.s32 $0x1F400  }
0x23b: {  	[tilespmem:v4+s24+$0x0] =	vst.idx.msk vm15, v2  }
0x23c: {  	p1 =	sne.s32 s7, $0x1  }
.Ltmp26:
0x23d: {  	_ = 	snop;
	(pc) =	sbr.rel @!p1 .LBB2_37-.Ltmp26, $2  }
0x23e: {  	_ =	sdelay $0x2  }
0x23f: {  	v4 =	vld [tilespmem:s24+$0x0];
	s7 =	sadd.s32 $0xFFFFFFFF, s7  }
.LBB2_36:
0x240: {  	p1 =	sne.s32 s7, $0x1;
	_ =	sdelay $0x3  }
0x241: {  	(v2sf) =	vpush v4, $0x0;
	_ =	sdelay $0xe  }
0x242: {  	s8 =	spop (v2sf)  }
0x243: {  	s8 =	sshll.u32 s8, $0x8  }
0x244: {  	s8 =	sshra.s32 s8, $0x2  }
.Ltmp27:
0x245: {  	[tilespmem:s8+$0x15E00] =	vst v3;
	(pc) =	sbr.rel @p1 .LBB2_36-.Ltmp27, $4  }
0x246: {  	[tilespmem:s8+$0x15E10] =	vst v3  }
0x247: {  	[tilespmem:s8+$0x15E20] =	vst v3  }
0x248: {  	s24 =	sadd.s32 $0x1, s24;
	[tilespmem:s8+$0x15E30] =	vst v3  }
0x249: {  	s7 =	sadd.s32 $0xFFFFFFFF, s7;
	v4 =	vld [tilespmem:s24+$0x0]  }
.LBB2_37:
0x24a: {  	_ =	sdelay $0x3  }
0x24b: {  	(v2sf) =	vpush v4, $0x0;
	_ =	sdelay $0xe  }
0x24c: {  	s7 =	spop (v2sf)  }
0x24d: {  	s7 =	sshll.u32 s7, $0x8  }
0x24e: {  	s7 =	sshra.s32 s7, $0x2  }
0x24f: {  	[tilespmem:s7+$0x15E00] =	vst v3  }
0x250: {  	[tilespmem:s7+$0x15E10] =	vst v3  }
0x251: {  	[tilespmem:s7+$0x15E20] =	vst v3  }
0x252: {  	[tilespmem:s7+$0x15E30] =	vst v3  }
.LBB2_38:
0x253: {  	s7 =	sadd.s32 s5, s21  }
0x254: {  	s7 =	smul.u32 $0x640, s7;
	_ =	sdelay $0x1  }
0x255: {  	s8 =	simm.s32 $0x15E00;
	s7 =	sadd.s32 s2, s7  }
0x256: {  	[hbm4b:s7+s3] =	stream.linear.scatter [tilespmem:s8], [sflag:$0xE], $0x3200, $0x38;
	[tilespmem:$0x1F4D8] =	vst v63  }
0x257: {  	_ =	swait.ge [sflag:s30], $0x2000  }
0x258: {  	[sflag:s30] =	ssyncset.done $0x0  }
0x259: {  	[sflag:s30] =	ssyncadd.s32 $0xFFFFE000  }
0x25a: {  	_ =	swait.ge [sflag:s30], $0x1200  }
0x25b: {  	[sflag:s30] =	ssyncset.done $0x0  }
0x25c: {  	s24 =	simm.s32 $0xE;
	[sflag:s30] =	ssyncadd.s32 $0xFFFFEE00  }
0x25d: {  	_ =	swait.ge [sflag:s24], $0x3200  }
0x25e: {  	s14 =	simm.s32 @!p0 $0x15E00;
	[sflag:s24] =	ssyncset.done $0x0  }
0x25f: {  	s7 =	sadd.s32 @!p0 $0xA28, s15;
	s8 =	simm.s32 @!p0 $0x80;
	[sflag:s24] =	ssyncadd.s32 $0xFFFFCE00  }
0x260: {  	[tilespmem:s14], [sflag:$0x6] =	stream.indirect.gather @!p0 [hbm4b:s4+s8], $0x40, s7, s8, $0xb8;
	[tilespmem:$0x1F4D8] =	vst v63  }
0x261: {  	s7 =	sadd.s32 @!p0 $0xAA8, s15;
	s8 =	simm.s32 @!p0 $0x48;
	s14 =	simm.s32 @!p0 $0x17E00  }
0x262: {  	[tilespmem:s14], [sflag:$0x6] =	stream.indirect.gather @!p0 [hbm4b:s4+s8], $0x40, s7, s8, $0xb8;
	[tilespmem:$0x1F4D8] =	vst v63  }
0x263: {  	v4 =	vld [tilespmem:s22+$0x0];
	_ =	sdelay $0x4  }
0x264: {  	vm0 =	veq.s32 v4, $0x0  }
0x265: {  	v4 =	vsel vm0, $0x1, v1  }
0x266: {  	(xrf0) =	vadd.scan.msk.s32 $0xffff, v4;
	_ =	sdelay $0x4  }
0x267: {  	s24 =	simm.s32 $0x0;
	v4 =	vsel vm0, $0xFFFFFFFF, v1  }
0x268: {  	v4 =	vadd.s32 s24, v4;
	v5, _, _ =	vpop (xrf0)  }
0x269: {  	v4 =	vadd.s32 v5, v4;
	(v2sf) =	vpush v5, $0xF;
	_ =	sdelay $0x2  }
0x26a: {  	s18 =	sor.u32 $0x6, s18  }
0x26b: {  	s31 =	smul.u32 $0x320, s18;
	v6 =	vadd.s32 s24, v0  }
0x26c: {  	s7 =	sadd.s32 $0x10, s22;
	[tilespmem:v4+s12+$0x0] =	vst.idx.msk vm0, v6  }
0x26d: {  	s28 =	simm.s32 $0x10;
	s21 =	sshra.s32 s31, $0x2;
	s8 =	simm.s32 $0x20;
	v4 =	vld [tilespmem:s7+$0x0]  }
.LBB2_39:
0x26e: {  	p0 =	seq.s32 s8, $0xB0;
	_ =	sdelay $0x3  }
0x26f: {  	vm0 =	veq.s32 v4, $0x0  }
0x270: {  	v4 =	vsel vm0, $0xFFFFFFFF, v1;
	v5 =	vsel vm0, $0x1, v1  }
0x271: {  	(xrf0) =	vadd.scan.msk.s32 $0xffff, v5;
	_ =	sdelay $0x1  }
0x272: {  	s14 =	spop (v2sf)  }
0x273: {  	s24 =	sadd.s32 s24, s14  }
0x274: {  	v4 =	vadd.s32 s24, v4;
	_ =	sdelay $0x1  }
0x275: {  	v5, _, _ =	vpop (xrf0)  }
0x276: {  	v4 =	vadd.s32 v5, v4;
	(v2sf) =	vpush v5, $0xF;
	_ =	sdelay $0x1  }
.Ltmp28:
0x277: {  	(pc) =	sbr.rel @!p0 .LBB2_39-.Ltmp28, $4  }
0x278: {  	_ = 	snop  }
0x279: {  	v5 =	vadd.s32 s28, v0;
	s28 =	smov.u32 s8  }
0x27a: {  	s7 =	sadd.s32 $0x10, s7;
	[tilespmem:v4+s12+$0x0] =	vst.idx.msk vm0, v5  }
0x27b: {  	s8 =	sadd.s32 $0x10, s8;
	v4 =	vld [tilespmem:s7+$0x0]  }
0x27c: {  	_ =	sdelay $0x3  }
0x27d: {  	vm0 =	veq.s32 v4, $0x0  }
0x27e: {  	v4 =	vsel vm0, $0x1, v1  }
0x27f: {  	(xrf0) =	vadd.scan.msk.s32 $0xffff, v4;
	_ =	sdelay $0x3  }
0x280: {  	s7 =	spop (v2sf)  }
0x281: {  	v5 =	vsel vm0, $0xFFFFFFFF, v1;
	s7 =	sadd.s32 s24, s7  }
0x282: {  	v5 =	vadd.s32 s7, v5;
	v4, _, _ =	vpop (xrf0)  }
0x283: {  	(v2sf) =	vpush v4, $0xF;
	v4 =	vadd.s32 v4, v5;
	_ =	sdelay $0x3  }
0x284: {  	v5 =	vadd.s32 s28, v0  }
0x285: {  	[tilespmem:v4+s12+$0x0] =	vst.idx.msk vm0, v5  }
0x286: {  	v4 =	vld [tilespmem:s21+$0xB8];
	_ =	sdelay $0x4  }
0x287: {  	vm15 =	veq.s32 v4, $0x0  }
0x288: {  	v4 =	vsel vm15, $0x1, v1  }
0x289: {  	(xrf0) =	vadd.scan.msk.s32 $0xffff, v4;
	_ =	sdelay $0x5  }
0x28a: {  	v4, _, _ =	vpop (xrf0)  }
0x28b: {  	(v2sf) =	vpush v4, $0xF;
	_ =	sdelay $0xd  }
0x28c: {  	s8 =	spop (v2sf)  }
0x28d: {  	v5 =	vsel vm15, $0xFFFFFFFF, v1;
	s7 =	sadd.s32 s7, s8;
	s31 =	spop (v2sf)  }
0x28e: {  	v5 =	vadd.s32 s7, v5;
	s7 =	sadd.s32 s7, s31  }
0x28f: {  	v4 =	vadd.s32 v4, v5;
	p0 =	sgt.s32 s7, $0x0  }
.Ltmp29:
0x290: {  	_ = 	snop;
	(pc) =	sbr.rel @!p0 .LBB2_44-.Ltmp29, $3  }
0x291: {  	_ =	sdelay $0x1  }
0x292: {  	s21 =	simm.s32 $0x1F400  }
0x293: {  	[tilespmem:v4+s21+$0x0] =	vst.idx.msk vm15, v2  }
0x294: {  	p0 =	sne.s32 s7, $0x1  }
.Ltmp30:
0x295: {  	_ = 	snop;
	(pc) =	sbr.rel @!p0 .LBB2_43-.Ltmp30, $2  }
0x296: {  	_ =	sdelay $0x2  }
0x297: {  	v4 =	vld [tilespmem:s21+$0x0];
	s7 =	sadd.s32 $0xFFFFFFFF, s7  }
.LBB2_42:
0x298: {  	p0 =	sne.s32 s7, $0x1;
	_ =	sdelay $0x3  }
0x299: {  	(v2sf) =	vpush v4, $0x0;
	_ =	sdelay $0xe  }
0x29a: {  	s8 =	spop (v2sf)  }
0x29b: {  	s8 =	sshll.u32 s8, $0x8  }
0x29c: {  	s8 =	sshra.s32 s8, $0x2  }
.Ltmp31:
0x29d: {  	[tilespmem:s8+$0x19000] =	vst v3;
	(pc) =	sbr.rel @p0 .LBB2_42-.Ltmp31, $4  }
0x29e: {  	[tilespmem:s8+$0x19010] =	vst v3  }
0x29f: {  	[tilespmem:s8+$0x19020] =	vst v3  }
0x2a0: {  	s21 =	sadd.s32 $0x1, s21;
	[tilespmem:s8+$0x19030] =	vst v3  }
0x2a1: {  	s7 =	sadd.s32 $0xFFFFFFFF, s7;
	v4 =	vld [tilespmem:s21+$0x0]  }
.LBB2_43:
0x2a2: {  	_ =	sdelay $0x3  }
0x2a3: {  	(v2sf) =	vpush v4, $0x0;
	_ =	sdelay $0xe  }
0x2a4: {  	s7 =	spop (v2sf)  }
0x2a5: {  	s7 =	sshll.u32 s7, $0x8  }
0x2a6: {  	s7 =	sshra.s32 s7, $0x2  }
0x2a7: {  	[tilespmem:s7+$0x19000] =	vst v3  }
0x2a8: {  	[tilespmem:s7+$0x19010] =	vst v3  }
0x2a9: {  	[tilespmem:s7+$0x19020] =	vst v3  }
0x2aa: {  	[tilespmem:s7+$0x19030] =	vst v3  }
.LBB2_44:
0x2ab: {  	s7 =	sadd.s32 s5, s18  }
0x2ac: {  	s7 =	smul.u32 $0x640, s7;
	_ =	sdelay $0x1  }
0x2ad: {  	s8 =	simm.s32 $0x19000;
	s7 =	sadd.s32 s2, s7  }
0x2ae: {  	[hbm4b:s7+s3] =	stream.linear.scatter [tilespmem:s8], [sflag:$0xF], $0x3200, $0x38;
	[tilespmem:$0x1F4D8] =	vst v63  }
0x2af: {  	_ =	swait.ge [sflag:s6], $0x2000  }
0x2b0: {  	[sflag:s6] =	ssyncset.done $0x0  }
0x2b1: {  	[sflag:s6] =	ssyncadd.s32 $0xFFFFE000  }
0x2b2: {  	_ =	swait.ge [sflag:s6], $0x1200  }
0x2b3: {  	[sflag:s6] =	ssyncset.done $0x0  }
0x2b4: {  	s31 =	simm.s32 $0xF;
	[sflag:s6] =	ssyncadd.s32 $0xFFFFEE00  }
0x2b5: {  	p0 =	sne.s32 s11, $0xF;
	_ =	swait.ge [sflag:s31], $0x3200  }
0x2b6: {  	s14 =	simm.s32 @p0 $0x19000;
	[sflag:s31] =	ssyncset.done $0x0  }
0x2b7: {  	s7 =	sadd.s32 @p0 $0xAF0, s15;
	s8 =	simm.s32 @p0 $0x80;
	[sflag:s31] =	ssyncadd.s32 $0xFFFFCE00  }
0x2b8: {  	[tilespmem:s14], [sflag:$0x7] =	stream.indirect.gather @p0 [hbm4b:s4+s8], $0x40, s7, s8, $0xb8;
	[tilespmem:$0x1F4D8] =	vst v63  }
0x2b9: {  	s7 =	sadd.s32 @p0 $0xB70, s15;
	s8 =	simm.s32 @p0 $0x48;
	s14 =	simm.s32 @p0 $0x1B000  }
0x2ba: {  	[tilespmem:s14], [sflag:$0x7] =	stream.indirect.gather @p0 [hbm4b:s4+s8], $0x40, s7, s8, $0xb8;
	[tilespmem:$0x1F4D8] =	vst v63  }
0x2bb: {  	v4 =	vld [tilespmem:s25+$0x0];
	_ =	sdelay $0x4  }
0x2bc: {  	vm0 =	veq.s32 v4, $0x0  }
0x2bd: {  	v4 =	vsel vm0, $0x1, v1  }
0x2be: {  	(xrf0) =	vadd.scan.msk.s32 $0xffff, v4;
	_ =	sdelay $0x4  }
0x2bf: {  	s15 =	simm.s32 $0x0;
	v4 =	vsel vm0, $0xFFFFFFFF, v1  }
0x2c0: {  	v4 =	vadd.s32 s15, v4;
	v5, _, _ =	vpop (xrf0)  }
0x2c1: {  	v4 =	vadd.s32 v5, v4;
	(v2sf) =	vpush v5, $0xF;
	_ =	sdelay $0x3  }
0x2c2: {  	v6 =	vadd.s32 s15, v0  }
0x2c3: {  	s7 =	sadd.s32 $0x10, s25;
	[tilespmem:v4+s12+$0x0] =	vst.idx.msk vm0, v6  }
0x2c4: {  	s18 =	simm.s32 $0x10;
	s8 =	simm.s32 $0x20;
	v4 =	vld [tilespmem:s7+$0x0]  }
.LBB2_45:
0x2c5: {  	p0 =	seq.s32 s8, $0xB0;
	_ =	sdelay $0x3  }
0x2c6: {  	vm0 =	veq.s32 v4, $0x0  }
0x2c7: {  	v4 =	vsel vm0, $0xFFFFFFFF, v1;
	v5 =	vsel vm0, $0x1, v1  }
0x2c8: {  	(xrf0) =	vadd.scan.msk.s32 $0xffff, v5;
	_ =	sdelay $0x1  }
0x2c9: {  	s14 =	spop (v2sf)  }
0x2ca: {  	s15 =	sadd.s32 s15, s14  }
0x2cb: {  	v4 =	vadd.s32 s15, v4;
	_ =	sdelay $0x1  }
0x2cc: {  	v5, _, _ =	vpop (xrf0)  }
0x2cd: {  	v4 =	vadd.s32 v5, v4;
	(v2sf) =	vpush v5, $0xF;
	_ =	sdelay $0x1  }
.Ltmp32:
0x2ce: {  	(pc) =	sbr.rel @!p0 .LBB2_45-.Ltmp32, $4  }
0x2cf: {  	_ = 	snop  }
0x2d0: {  	v5 =	vadd.s32 s18, v0;
	s18 =	smov.u32 s8  }
0x2d1: {  	s7 =	sadd.s32 $0x10, s7;
	[tilespmem:v4+s12+$0x0] =	vst.idx.msk vm0, v5  }
0x2d2: {  	s8 =	sadd.s32 $0x10, s8;
	v4 =	vld [tilespmem:s7+$0x0]  }
0x2d3: {  	_ =	sdelay $0x3  }
0x2d4: {  	vm0 =	veq.s32 v4, $0x0  }
0x2d5: {  	v4 =	vsel vm0, $0x1, v1  }
0x2d6: {  	(xrf0) =	vadd.scan.msk.s32 $0xffff, v4;
	_ =	sdelay $0x3  }
0x2d7: {  	s7 =	spop (v2sf)  }
0x2d8: {  	v5 =	vsel vm0, $0xFFFFFFFF, v1;
	s7 =	sadd.s32 s15, s7  }
0x2d9: {  	v5 =	vadd.s32 s7, v5;
	v4, _, _ =	vpop (xrf0)  }
0x2da: {  	(v2sf) =	vpush v4, $0xF;
	v4 =	vadd.s32 v4, v5;
	_ =	sdelay $0x3  }
0x2db: {  	v5 =	vadd.s32 s18, v0  }
0x2dc: {  	[tilespmem:v4+s12+$0x0] =	vst.idx.msk vm0, v5  }
0x2dd: {  	v4 =	vld [tilespmem:s1+$0xB8];
	_ =	sdelay $0x4  }
0x2de: {  	vm15 =	veq.s32 v4, $0x0  }
0x2df: {  	v4 =	vsel vm15, $0x1, v1  }
0x2e0: {  	(xrf0) =	vadd.scan.msk.s32 $0xffff, v4;
	_ =	sdelay $0x5  }
0x2e1: {  	v4, _, _ =	vpop (xrf0)  }
0x2e2: {  	(v2sf) =	vpush v4, $0xF;
	_ =	sdelay $0xd  }
0x2e3: {  	s8 =	spop (v2sf)  }
0x2e4: {  	v5 =	vsel vm15, $0xFFFFFFFF, v1;
	s7 =	sadd.s32 s7, s8;
	s31 =	spop (v2sf)  }
0x2e5: {  	v5 =	vadd.s32 s7, v5;
	s7 =	sadd.s32 s7, s31  }
0x2e6: {  	v4 =	vadd.s32 v4, v5;
	p0 =	sgt.s32 s7, $0x0  }
.Ltmp33:
0x2e7: {  	_ = 	snop;
	(pc) =	sbr.rel @!p0 .LBB2_50-.Ltmp33, $3  }
0x2e8: {  	_ =	sdelay $0x1  }
0x2e9: {  	s1 =	simm.s32 $0x1F400  }
0x2ea: {  	s14 =	simm.s32 $0x1C200;
	[tilespmem:v4+s1+$0x0] =	vst.idx.msk vm15, v2  }
0x2eb: {  	p0 =	sne.s32 s7, $0x1  }
.Ltmp34:
0x2ec: {  	v4 =	vld [tilespmem:s1+$0x0];
	(pc) =	sbr.rel @!p0 .LBB2_49-.Ltmp34, $2  }
0x2ed: {  	_ =	sdelay $0x2  }
0x2ee: {  	s7 =	sadd.s32 $0xFFFFFFFF, s7  }
.LBB2_48:
0x2ef: {  	p0 =	sne.s32 s7, $0x1;
	_ =	sdelay $0x3  }
0x2f0: {  	(v2sf) =	vpush v4, $0x0;
	_ =	sdelay $0xe  }
0x2f1: {  	s8 =	spop (v2sf)  }
0x2f2: {  	s8 =	sshll.u32 s8, $0x8  }
0x2f3: {  	s8 =	sshra.s32 s8, $0x2  }
.Ltmp35:
0x2f4: {  	[tilespmem:s8+$0x1C200] =	vst v3;
	(pc) =	sbr.rel @p0 .LBB2_48-.Ltmp35, $4  }
0x2f5: {  	[tilespmem:s8+$0x1C210] =	vst v3  }
0x2f6: {  	[tilespmem:s8+$0x1C220] =	vst v3  }
0x2f7: {  	s1 =	sadd.s32 $0x1, s1;
	[tilespmem:s8+$0x1C230] =	vst v3  }
0x2f8: {  	s7 =	sadd.s32 $0xFFFFFFFF, s7;
	v4 =	vld [tilespmem:s1+$0x0]  }
.Ltmp36:
0x2f9: {  	_ = 	snop;
	(pc) =	sbr.rel .LBB2_49-.Ltmp36, $1  }
0x2fa: {  	_ =	sdelay $0x3  }
.LBB2_52:
0x2fb: {  	_ =	sfence.sel $0x180000  }
0x2fc: {  	[bflag:$0x0] =	sbarrier.arrive $0xFFFF  }
0x2fd: {  	_ =	strace $0x90000047  }
0x2fe: {  	s0 =	stileid.u32;
	[bflag:$0x2] =	sbarrier.arrive $0xFFFF  }
0x2ff: {  	p0 =	sne.s32 s0, $0x0;
	s0 =	rddreg [dreg:$0x2]  }
0x300: {  	s0 =	sadd.s32 @!p0 $0x100000, s0  }
0x301: {  	[sflag:s0] =	ssyncadd.tile.s32 @!p0 $0x1;
	_ =	shalt  }
.Lfunc_end2:
_tile_overlayer_lowered:
.L_overlay_start_2:
0x302: {  	(tag) =	ssettag $0x2  }
0x303: {  	s0 =	rddreg [dreg:$0x0];
	s2 =	stileid.u32  }
0x304: {  	s1 =	rddreg [dreg:$0x1];
	p0 =	sne.s32 s2, $0x0  }
0x305: {  	s3 =	rddreg [dreg:$0x2];
	[bflag:$0x3] =	sbarrier.arrive $0xFFFF;
	s2 =	simm.s32 @!p0 $0x1C11  }
0x306: {  	[timem:s3], [sflag:s2] =	dma.local @!p0 [hbm:s0], s1  }
0x307: {  	s0 =	simm.s32 @!p0 $0x11  }
0x308: {  	_ =	swait.ge @!p0 [sflag:s0], s1  }
0x309: {  	s1 =	ssub.s32 @!p0 $0x0, s1;
	[sflag:s0] =	ssyncset.done @!p0 $0x0  }
0x30a: {  	[sflag:s0] =	ssyncadd.s32 @!p0 s1  }
0x30b: {  	[bflag:$0x3] =	sbarrier.arrive $0xFFFF  }
0x30c: {  	_ =	shalt  }

// kernel: sparse-core-data-format-call.cloned.1.call-start
scs
called_computation_lowered:
.L_overlay_start_0:
0x0: {  	s2 =	sld [smem:$0x3FD9]  }
0x1: {  	s3 =	sld [smem:$0x3FFE];
	_ =	sdelay $0x1  }
0x2: {  	s1 =	srdreg.scid  }
0x3: {  	s0 =	sand.u32 $0x1, s1  }
0x4: {  	s18 =	sshll.u32 s0, $0xA;
	s2 =	sadd.s32 s3, s2  }
0x5: {  	s2 =	sadd.s32 s2, s18  }
0x6: {  	[smem:$0x3FC6] =	sst s2  }
0x7: {  	_ = 	snop  }
0x8: {  	s2 =	sld [smem:$0x3FD0];
	(tm) =	ssettm $0x1  }
0x9: {  	s19 =	sld [smem:$0x3FFB];
	_ =	sdelay $0x3  }
0xa: {  	_ =	strace s19  }
0xb: {  	s3 =	sld [smem:$0x3FFC];
	_ =	sdelay $0x3  }
0xc: {  	_ =	strace s3  }
0xd: {  	s3 =	sld [smem:$0x3FFD];
	_ =	sdelay $0x3  }
0xe: {  	_ =	strace s3  }
0xf: {  	_ =	strace $0x8FFFFFFF  }
0x10: {  	s20 =	sld [smem:$0x3FDB];
	_ =	sdelay $0x1  }
0x11: {  	s4 =	simm.s32 $_scs_section_size  }
0x12: {  	s5 =	simm.s32 $_size__tile_overlayer_lowered;
	s6 =	simm.s32 $_tile_overlayer_lowered  }
0x13: {  	s23 =	simm.s32 $0x1BFF;
	s22 =	sshll.u32 s6, $0x1;
	s3 =	sadd.s32 s4, s20  }
0x14: {  	s7 =	simm.s32 $0x0;
	s21 =	sshll.u32 s5, $0x1;
	s5 =	sadd.s32 s22, s3  }
0x15: {  	[timem:s7], [sflag:s23] =	dma.local [hbm:s5], s21  }
0x16: {  	_ =	swait.ge [sflag:s23], s21  }
0x17: {  	s4 =	ssub.s32 $0x0, s21;
	[sflag:s23] =	ssyncset.done $0x0  }
0x18: {  	[sflag:s23] =	ssyncadd.s32 s4;
	_ =	sdelay $0x1  }
0x19: {  	s24 =	simm.s32 $0x1B8B  }
0x1a: {  	_ =	swait.ge [sflag:s24], $0x1  }
0x1b: {  	[sflag:s24] =	ssyncset.done $0x0  }
0x1c: {  	s26 =	simm.s32 $0x1B8E;
	s25 =	sld [smem:$0x3FFE];
	[sflag:s24] =	ssyncadd.s32 $0xFFFFFFFF  }
0x1d: {  	s27 =	simm.s32 $execute0_lowered;
	[smem:$0x3FD2] =	sst s26  }
0x1e: {  	s5 =	sshll.u32 s27, $0x1;
	_ =	strace $0x80000049;
	[dreg:$0x1] =	wrdreg $0xFFFFFFFF  }
0x1f: {  	s28 =	simm.s32 $_size_execute0_lowered;
	s3 =	sadd.s32 s3, s5;
	[dreg:$0x0] =	wrdreg $0x0  }
0x20: {  	s5 =	sshll.u32 s28, $0x1;
	[dreg:$0x2] =	wrdreg s3  }
0x21: {  	[dreg:$0x3] =	wrdreg s5  }
0x22: {  	[dreg:$0x4] =	wrdreg $0xC0  }
0x23: {  	_ =	task [dreg:s7], $0x5FFFF  }
0x24: {  	[dreg:$0x1] =	wrdreg $0xFFFFFFFF  }
0x25: {  	[dreg:$0x0] =	wrdreg $0x60  }
0x26: {  	[dreg:$0x2] =	wrdreg s25  }
0x27: {  	[dreg:$0x3] =	wrdreg s2  }
0x28: {  	[dreg:$0x4] =	wrdreg $0x9  }
0x29: {  	_ =	task.clear_ibuf [dreg:s7], $0x5FFFF;
	_ =	strace $0x90000049  }
0x2a: {  	s29 =	simm.s32 $0x9;
	_ =	strace $0x8000004B  }
0x2b: {  	_ =	swait.ge [sflag:s29], $0x1  }
0x2c: {  	[sflag:s29] =	ssyncadd.s32 $0xFFFFFFFF  }
0x2d: {  	_ =	strace $0x9000004B  }
0x2e: {  	_ =	sfence  }
0x2f: {  	s30 =	sld [smem:$0x0];
	_ =	sdelay $0x2  }
0x30: {  	s31 =	sshll.u32 s1, $0xD;
	s1 =	sshrl.u32 s1, $0x2  }
0x31: {  	s3 =	sand.u32 $0x4000, s31;
	s1 =	sadd.s32 s1, s30  }
0x32: {  	s0 =	sor.u32 s3, s0;
	s1 =	sshll.u32 s1, $0x11  }
0x33: {  	s0 =	sor.u32 s1, s0  }
0x34: {  	s0 =	sadd.s32 $0x8F2B, s0  }
0x35: {  	[sflag:s0] =	ssyncadd.remote.s32 $0x1  }
0x36: {  	_ =	sfence.sel $0xFFFF  }
0x37: {  	[dreg:$0x0] =	wrdreg $0xFFFFFFFF;
	(pc) =	sbr.abs _section_cstart, $3  }
0x38: {  	[dreg:$0x1] =	wrdreg $0xFFFFFFFF  }
0x39: {  	_ =	task.clear_ibuf [dreg:s7], $0x2FFFF;
	_ =	strace $0x9FFFFFFF  }
0x3a: {  	(tm) =	ssettm $0x7FFFFFFF  }
0x3b: {  	_ =	shalt  }
tec
execute0_lowered:
.L_overlay_start_1:
0x0: {  	(tag) =	ssettag $0x1  }
0x1: {  	s0 =	srdreg.scid  }
0x2: {  	s1 =	sshll.u32 s0, $0x4  }
0x3: {  	s0 =	stileid.u32;
	s1 =	sand.u32 $0x10, s1  }
0x4: {  	s1 =	sor.u32 s0, s1  }
0x5: {  	s6 =	rddreg [dreg:$0x0];
	s4 =	simm.s32 $0x1;
	s2 =	sshll.u32 s1, $0x7  }
0x6: {  	s7 =	simm.s32 $0x2;
	s12 =	simm.s32 $0x0;
	s1 =	ssub.s32 $0x1000, s2  }
0x7: {  	s8 =	simm.s32 $0x8000;
	s13 =	simm.s32 $0x0;
	s3 =	sand.u32 $0xF80, s1  }
0x8: {  	s9 =	simm.s32 $0x0;
	s5 =	sshrl.u32 s1, $0xC;
	p0 =	sne.s32 s3, $0x0  }
.Ltmp0:
0x9: {  	s1 =	rddreg [dreg:$0x2];
	s4 =	simm.s32 @!p0 $0x0;
	(pc) =	sbr.rel .LBB1_1-.Ltmp0, $4  }
0xa: {  	s11 =	simm.s32 $0x0;
	s3 =	rddreg [dreg:$0x1];
	s5 =	sadd.s32 s4, s5  }
0xb: {  	_ =	strace $0x8000004A;
	s4 =	simm.s32 $0x1;
	s5 =	smul.u32 $0xC8, s5  }
0xc: {  	s6 =	sadd.s32 $0xA00, s6;
	s10 =	smov.u32 s2;
	[sflag:s4] =	ssyncpa.u1 $0x0  }
0xd: {  	p0 =	por $0x0, $0x0;
	[sflag:s7] =	ssyncpa.u1 $0x0;
	s7 =	sor.u32 $0x1, s5  }
.LBB1_4:
0xe: {  	s16 =	sshll.u32 s13, $0x3;
	s17 =	sand.u32 $0x78, s13  }
0xf: {  	s30 =	sand.u32 $0x7E00, s13;
	s12 =	sshll.u32 s12, $0xF;
	s16 =	sand.u32 $0xC00, s16  }
0x10: {  	[tilespmem:s15+$0x810 ss:$0x81] =	vst.msk $0xffff, v2;
	s31 =	sand.u32 $0x7, s13;
	s16 =	sor.u32 s17, s16;
	s17 =	sadd.s32 s3, s30  }
0x11: {  	[tilespmem:s15+$0x1020 ss:$0x81] =	vst.msk $0xffff, v0;
	s13 =	sshll.u32 s31, $0x12;
	s12 =	sadd.s32 s12, s17;
	s16 =	sshrl.u32 s16, $0x3  }
0x12: {  	[tilespmem:s15+$0x0 ss:$0x81] =	vst.msk $0xffff, v1;
	s13 =	sor.u32 $0x400, s13;
	s12 =	sadd.s32 s16, s12  }
0x13: {  	[hbm4b:s12+s13] =	stream.strided.scatter [tilespmem:s14], [sflag:$0x2], $0x2000, s8, s13, $0x20;
	[tilespmem:$0x8080] =	vst v63  }
.LBB1_5:
0x14: {  	s14 =	sadd.s32 $0x1, s9  }
0x15: {  	s12 =	sadd.s32 $0x1000, s10;
	s16 =	smov.u32 s10;
	p2 =	sgt.s32 s14, $0xC7  }
0x16: {  	s16 =	smov.u32 @p2 s12  }
0x17: {  	s14 =	simm.s32 @p2 $0x0;
	p2 =	sgt.s32 s16, $0xFFF  }
0x18: {  	s16 =	smov.u32 @p2 s2;
	p2 =	sne.s32 s11, s7  }
.Ltmp1:
0x19: {  	p1 =	slt.u32 s11, $0x2;
	(pc) =	sbr.rel @!p2 .LBB1_6-.Ltmp1, $4  }
0x1a: {  	s15 =	simm.s32 @!p1 $0x2  }
0x1b: {  	s13 =	smov.u32 s10;
	p0 =	por !p0, !p0;
	_ =	swait.ge @!p1 [sflag:s15], $0x2000  }
0x1c: {  	s12 =	smov.u32 s9;
	[sflag:s15] =	ssyncset.done @!p1 $0x0;
	s9 =	smov.u32 s14  }
0x1d: {  	s11 =	sadd.s32 $0x1, s11;
	[sflag:s15] =	ssyncadd.s32 @!p1 $0xFFFFE000;
	s10 =	smov.u32 s16  }
.LBB1_1:
0x1e: {  	p1 =	sge.u32 s11, s5  }
0x1f: {  	s14 =	sand.u32 @!p1 $0x1FFFFFF, s9  }
0x20: {  	s15 =	smulhi.u32 @!p1 $0x147AE15, s14;
	_ =	sdelay $0x1  }
0x21: {  	s15 =	smul.u32 @!p1 $0xC8, s15  }
0x22: {  	s16 =	sxor.u32 @!p1 $0xFFFFFFFF, s11;
	s17 =	smul.u32 @!p1 $0xC80, s10  }
0x23: {  	s31 =	sadd.s32 $0xFFFFFFFF, s11;
	s16 =	sshll.u32 @!p1 s16, $0xD;
	s14 =	ssub.s32 @!p1 s14, s15  }
0x24: {  	s15 =	sand.u32 @!p1 $0x2000, s16;
	s16 =	sadd.s32 @!p1 s6, s17;
	s14 =	sshll.u32 @!p1 s14, $0x4  }
0x25: {  	s17 =	simm.s32 @!p1 $0x6400;
	s14 =	sadd.s32 @!p1 s14, s16;
	s16 =	simm.s32 @!p1 $0x40  }
0x26: {  	[tilespmem:s15], [sflag:$0x1] =	stream.strided.gather @!p1 [hbm4b:s14+s16], $0x2000, s17, s16, $0x38;
	[tilespmem:$0x8080] =	vst v63  }
0x27: {  	p1 =	sge.u32 s31, s5  }
.Ltmp2:
0x28: {  	_ = 	snop;
	(pc) =	sbr.rel @p1 .LBB1_5-.Ltmp2, $1  }
0x29: {  	_ =	sdelay $0x3  }
0x2a: {  	s14 =	simm.s32 $0x1  }
0x2b: {  	_ =	swait.ge [sflag:s4], $0x2000;
	s14 =	simm.s32 @!p0 $0x0  }
0x2c: {  	[sflag:s4] =	ssyncset.done $0x0;
	s15 =	sshll.u32 s14, $0xD  }
0x2d: {  	[sflag:s4] =	ssyncadd.s32 $0xFFFFE000;
	s18 =	sor.u32 $0x20, s15  }
0x2e: {  	s14 =	smul.u32 $0x8100, s14;
	v3 =	vld [tilespmem:s18+$0x10]  }
0x2f: {  	s30 =	sand.u32 $0x1, s11;
	v2 =	vld [tilespmem:s18+$0xFFFFFFF0]  }
0x30: {  	s15 =	smul.u32 $0x8100, s30;
	s14 =	sshrl.u32 s14, $0x2;
	v0 =	vld [tilespmem:s18+$0x0]  }
0x31: {  	v1 =	vld [tilespmem:s18+$0xFFFFFFE0];
	s16 =	sor.u32 $0x4000, s14  }
0x32: {  	s31 =	sshrl.u32 s15, $0x2;
	s15 =	sadd.s32 $0x0, s16  }
0x33: {  	s17 =	simm.s32 $0x4;
	s18 =	sadd.s32 $0x40, s18;
	s14 =	sor.u32 $0x4000, s31;
	[tilespmem:s15+$0x1830 ss:$0x81] =	vst.msk $0xffff, v3  }
.LBB1_3:
0x34: {  	v3 =	vld [tilespmem:s18+$0x10];
	p1 =	sne.s32 s17, $0x1FC;
	[tilespmem:s15+$0x810 ss:$0x81] =	vst.msk $0xffff, v2;
	s19 =	smov.u32 s17;
	s17 =	sadd.s32 $0x4, s17  }
.Ltmp3:
0x35: {  	v2 =	vld [tilespmem:s18+$0xFFFFFFF0];
	[tilespmem:s15+$0x1020 ss:$0x81] =	vst.msk $0xffff, v0;
	(pc) =	sbr.rel @p1 .LBB1_3-.Ltmp3, $4  }
0x36: {  	v0 =	vld [tilespmem:s18+$0x0];
	[tilespmem:s15+$0x0 ss:$0x81] =	vst.msk $0xffff, v1  }
0x37: {  	s15 =	sshra.s32 s19, $0x2;
	v1 =	vld [tilespmem:s18+$0xFFFFFFE0]  }
0x38: {  	s15 =	sadd.s32 s15, s16  }
0x39: {  	s18 =	sadd.s32 $0x40, s18;
	[tilespmem:s15+$0x1830 ss:$0x81] =	vst.msk $0xffff, v3  }
.Ltmp4:
0x3a: {  	_ = 	snop;
	(pc) =	sbr.rel .LBB1_4-.Ltmp4, $1  }
0x3b: {  	_ =	sdelay $0x3  }
.LBB1_6:
0x3c: {  	_ =	sfence.sel $0x180000  }
0x3d: {  	s2 =	simm.s32 $0x1;
	[bflag:$0x0] =	sbarrier.arrive $0xFFFF  }
0x3e: {  	s31 =	simm.s32 $0x2;
	[sflag:s2] =	ssyncpa.u1 $0x1  }
0x3f: {  	[sflag:s31] =	ssyncpa.u1 $0x1  }
0x40: {  	p0 =	sne.s32 s0, $0x0;
	_ =	strace $0x9000004A  }
0x41: {  	s0 =	sadd.s32 @!p0 $0x100000, s1;
	[bflag:$0x2] =	sbarrier.arrive $0xFFFF  }
0x42: {  	[sflag:s0] =	ssyncadd.tile.s32 @!p0 $0x1;
	_ =	shalt  }
.Lfunc_end1:
_tile_overlayer_lowered:
.L_overlay_start_2:
0x43: {  	(tag) =	ssettag $0x2  }
0x44: {  	s0 =	rddreg [dreg:$0x0];
	s2 =	stileid.u32  }
0x45: {  	s1 =	rddreg [dreg:$0x1];
	p0 =	sne.s32 s2, $0x0  }
0x46: {  	s3 =	rddreg [dreg:$0x2];
	[bflag:$0x3] =	sbarrier.arrive $0xFFFF;
	s2 =	simm.s32 @!p0 $0x1C01  }
0x47: {  	[timem:s3], [sflag:s2] =	dma.local @!p0 [hbm:s0], s1  }
0x48: {  	s0 =	simm.s32 @!p0 $0x1  }
0x49: {  	_ =	swait.ge @!p0 [sflag:s0], s1  }
0x4a: {  	s1 =	ssub.s32 @!p0 $0x0, s1;
	[sflag:s0] =	ssyncset.done @!p0 $0x0  }
0x4b: {  	[sflag:s0] =	ssyncadd.s32 @!p0 s1  }
0x4c: {  	[bflag:$0x3] =	sbarrier.arrive $0xFFFF  }
0x4d: {  	_ =	shalt  }

</sc_bundles>
